<compile_context>
chip_gen: v7x
topology: tpu7x:2x2x1
jax: 0.10.2.dev20260603
libtpu: 0.0.44.dev20260713+nightly
codegen_flags: <defaults>
</compile_context>

<pallas_src>
import functools

import jax
import jax.numpy as jnp
import numpy as np
from jax import lax
from jax.experimental import pallas as pl
from jax.experimental.pallas import tpu as pltpu
from jax.experimental.pallas import tpu_sc as plsc

B, N, KNN = 2, 4096, 9
M = B * N
EPS = 1e-5
ROWB = 256
HRB = 512
WCB = 1024
CPAD = 128
SLOPE = 0.2


def _leaky(v):
    return jnp.where(v >= 0, v, SLOPE * v)


def _knn_body(xt_full_ref, xt_blk_ref, sqf_ref, sqb_ref, idx_ref):
    b = pl.program_id(0)
    i = pl.program_id(1)
    xf = xt_full_ref[0]
    xb = xt_blk_ref[0]
    dn = (((1,), (1,)), ((), ()))
    sq_f = sqf_ref[0]
    sq_b = sqb_ref[0, 0]
    prod = lax.dot_general(xb, xf, dn, preferred_element_type=jnp.float32)
    d = sq_b - 2.0 * prod + sq_f
    cols = lax.broadcasted_iota(jnp.int32, (ROWB, N), 1)
    rows_g = i * ROWB + lax.broadcasted_iota(jnp.int32, (ROWB, 1), 0)
    d = jnp.where(cols == rows_g, d + 1e10, d)
    picks = []
    for _ in range(KNN):
        m = jnp.min(d, axis=1, keepdims=True)
        cand = jnp.where(d == m, cols, jnp.int32(N))
        a = jnp.min(cand, axis=1, keepdims=True)
        picks.append(a)
        d = jnp.where(cols == a, jnp.float32(3e10), d)
    idx_ref[0] = jnp.concatenate(picks, axis=1) + b * N


def _knn_call(xt, sq):
    c = xt.shape[2]
    nb = N // ROWB
    sq3 = sq.reshape(B, 1, N)
    sqc = sq.reshape(B, nb, ROWB, 1)
    return pl.pallas_call(
        _knn_body,
        grid=(B, nb),
        in_specs=[
            pl.BlockSpec((1, N, c), lambda b, i: (b, 0, 0)),
            pl.BlockSpec((1, ROWB, c), lambda b, i: (b, i, 0)),
            pl.BlockSpec((1, 1, N), lambda b, i: (b, 0, 0)),
            pl.BlockSpec((1, 1, ROWB, 1), lambda b, i: (b, i, 0, 0)),
        ],
        out_specs=pl.BlockSpec((1, ROWB, KNN), lambda b, i: (b, i, 0)),
        out_shape=jax.ShapeDtypeStruct((B, N, KNN), jnp.int32),
    )(xt, xt, sq3, sqc)


_SC_NW = 32
_SC_CH = 8


def _sc_gather_build():
    ppw = M // _SC_NW
    nch = ppw // _SC_CH
    rows_per_ch = _SC_CH * KNN
    mesh = plsc.VectorSubcoreMesh(core_axis_name="c", subcore_axis_name="s")

    def body(table_hbm, idx_hbm, out_hbm, idx_v, rows_v, sem):
        wid = lax.axis_index("s") * 2 + lax.axis_index("c")

        def chunk(ci, _):
            base_pt = wid * ppw + ci * _SC_CH
            pltpu.sync_copy(idx_hbm.at[pl.ds(base_pt * KNN, rows_per_ch)],
                            idx_v)
            pltpu.async_copy(table_hbm.at[idx_v], rows_v, sem).wait()
            pltpu.sync_copy(rows_v,
                            out_hbm.at[pl.ds(base_pt * KNN, rows_per_ch)])
            return 0

        lax.fori_loop(0, nch, chunk, 0)

    return pl.kernel(
        body,
        out_type=jax.ShapeDtypeStruct((M * KNN, CPAD), jnp.float32),
        mesh=mesh,
        scratch_types=[
            pltpu.VMEM((rows_per_ch,), jnp.int32),
            pltpu.VMEM((rows_per_ch, CPAD), jnp.float32),
            pltpu.SemaphoreType.DMA,
        ],
    )


def _hmax_body(xi_ref, gx_ref, we_ref, hmax_ref, h4_ref):
    c = xi_ref.shape[1]
    o = we_ref.shape[1]
    xi = xi_ref[...]
    xib = jnp.broadcast_to(xi[:, None, :], (HRB, KNN, c)).reshape(
        HRB * KNN, c)
    xj = gx_ref[:, :c]
    feat = jnp.concatenate([xib, xj - xib], axis=1)
    dn = (((1,), (0,)), ((), ()))
    h = lax.dot_general(feat, we_ref[...], dn,
                        preferred_element_type=jnp.float32)
    h3 = h.reshape(HRB, KNN, o)
    hmax_ref[...] = jnp.max(h3, axis=1)
    h4_ref[0] = jnp.transpose(h, (1, 0))


def _hmax_call(xif, gx, wet):
    c = xif.shape[1]
    o = wet.shape[1]
    nb = M // HRB
    nbp = N // HRB
    return pl.pallas_call(
        _hmax_body,
        grid=(nb,),
        in_specs=[
            pl.BlockSpec((HRB, c), lambda i: (i, 0)),
            pl.BlockSpec((HRB * KNN, CPAD), lambda i: (i, 0)),
            pl.BlockSpec((2 * c, o), lambda i: (0, 0)),
        ],
        out_specs=[
            pl.BlockSpec((HRB, o), lambda i: (i, 0)),
            pl.BlockSpec((1, o, HRB * KNN),
                         lambda i: (i // nbp, 0, i % nbp)),
        ],
        out_shape=[
            jax.ShapeDtypeStruct((M, o), jnp.float32),
            jax.ShapeDtypeStruct((B, o, N * KNN), jnp.float32),
        ],
    )(xif, gx, wet)


def _edge_body(hmax_ref, m_ref, v_ref, e_ref):
    scale = jnp.sqrt(v_ref[...] + EPS)
    e_ref[0] = _leaky((hmax_ref[0] - m_ref[...]) / scale)


def _edge_call(hmax3, mrow, vrow):
    o = hmax3.shape[2]
    nb = N // WCB
    return pl.pallas_call(
        _edge_body,
        grid=(B, nb),
        in_specs=[
            pl.BlockSpec((1, WCB, o), lambda b, i: (b, i, 0)),
            pl.BlockSpec((1, o), lambda b, i: (0, 0)),
            pl.BlockSpec((1, o), lambda b, i: (0, 0)),
        ],
        out_specs=pl.BlockSpec((1, WCB, o), lambda b, i: (b, i, 0)),
        out_shape=jax.ShapeDtypeStruct((B, N, o), jnp.float32),
    )(hmax3, mrow, vrow)


def _taps(ce, pad, dil, kk, em_ref, e0_ref, ep_ref, g_ref):
    i = pl.program_id(1)
    r = WCB
    eh = jnp.concatenate([em_ref[0], e0_ref[0], ep_ref[0]], axis=0)
    glob = (i - 1) * r + lax.broadcasted_iota(jnp.int32, (3 * r, 1), 0)
    valid = jnp.logical_and(glob >= 0, glob < N)
    eh = jnp.where(valid, eh, 0.0)
    g = g_ref[0]
    taps = []
    for m in range(kk):
        st = r - pad + m * dil
        taps.append(eh[st:st + r, :] * g[:, m:m + 1])
    return jnp.concatenate(taps, axis=1)


def _wconv_body(ce, pad, dil, kk,
                em_ref, e0_ref, ep_ref, g_ref, wt_ref, bw_ref, out_ref):
    tap = _taps(ce, pad, dil, kk, em_ref, e0_ref, ep_ref, g_ref)
    dn = (((1,), (0,)), ((), ()))
    out_ref[0] = lax.dot_general(
        tap, wt_ref[...], dn,
        preferred_element_type=jnp.float32) + bw_ref[...]


def _tap_body(ce, pad, dil, kk,
              em_ref, e0_ref, ep_ref, g_ref, out_ref):
    out_ref[0] = _taps(ce, pad, dil, kk, em_ref, e0_ref, ep_ref, g_ref)


def _halo_specs(ce, kk, nb):
    def im(sh):
        def f(b, i):
            return (b, jnp.clip(i + sh, 0, nb - 1), 0)
        return f

    return [
        pl.BlockSpec((1, WCB, ce), im(-1)),
        pl.BlockSpec((1, WCB, ce), im(0)),
        pl.BlockSpec((1, WCB, ce), im(1)),
        pl.BlockSpec((1, WCB, kk), lambda b, i: (b, i, 0)),
    ]


def _wconv_call(e, g, wt, bw2, ce, pad, dil, kk):
    ow = wt.shape[1]
    nb = N // WCB
    body = functools.partial(_wconv_body, ce, pad, dil, kk)
    return pl.pallas_call(
        body,
        grid=(B, nb),
        in_specs=_halo_specs(ce, kk, nb) + [
            pl.BlockSpec(wt.shape, lambda b, i: (0, 0)),
            pl.BlockSpec((1, ow), lambda b, i: (0, 0)),
        ],
        out_specs=pl.BlockSpec((1, WCB, ow), lambda b, i: (b, i, 0)),
        out_shape=jax.ShapeDtypeStruct((B, N, ow), jnp.float32),
    )(e, e, e, g, wt, bw2)


def _tap_call(e, g, ce, pad, dil, kk):
    nb = N // WCB
    body = functools.partial(_tap_body, ce, pad, dil, kk)
    return pl.pallas_call(
        body,
        grid=(B, nb),
        in_specs=_halo_specs(ce, kk, nb),
        out_specs=pl.BlockSpec((1, WCB, kk * ce), lambda b, i: (b, i, 0)),
        out_shape=jax.ShapeDtypeStruct((B, N, kk * ce), jnp.float32),
    )(e, e, e, g)


def _fuse1_body(o1_ref, o2_ref, o3_ref, o4_ref, wf_ref, u_ref, st_ref):
    step = pl.program_id(0) * pl.num_programs(1) + pl.program_id(1)
    ft = jnp.concatenate(
        [o1_ref[0], o2_ref[0], o3_ref[0], o4_ref[0]], axis=1)
    dn = (((1,), (1,)), ((), ()))
    u = lax.dot_general(ft, wf_ref[...], dn,
                        preferred_element_type=jnp.float32)
    u_ref[0] = u
    s1 = jnp.sum(u, axis=0, keepdims=True)
    s2 = jnp.sum(u * u, axis=0, keepdims=True)
    blk = jnp.concatenate([s1, s2, jnp.zeros((6, s1.shape[1]), jnp.float32)],
                          axis=0)

    @pl.when(step == 0)
    def _():
        st_ref[...] = blk

    @pl.when(step > 0)
    def _():
        st_ref[...] = st_ref[...] + blk


def _fuse1_call(o1, o2, o3, o4, wf):
    rb = 512
    nb = N // rb
    return pl.pallas_call(
        _fuse1_body,
        grid=(B, nb),
        in_specs=[
            pl.BlockSpec((1, rb, o1.shape[2]), lambda b, i: (b, i, 0)),
            pl.BlockSpec((1, rb, o2.shape[2]), lambda b, i: (b, i, 0)),
            pl.BlockSpec((1, rb, o3.shape[2]), lambda b, i: (b, i, 0)),
            pl.BlockSpec((1, rb, o4.shape[2]), lambda b, i: (b, i, 0)),
            pl.BlockSpec((1024, 512), lambda b, i: (0, 0)),
        ],
        out_specs=[
            pl.BlockSpec((1, rb, 1024), lambda b, i: (b, i, 0)),
            pl.BlockSpec((8, 1024), lambda b, i: (0, 0)),
        ],
        out_shape=[
            jax.ShapeDtypeStruct((B, N, 1024), jnp.float32),
            jax.ShapeDtypeStruct((8, 1024), jnp.float32),
        ],
    )(o1, o2, o3, o4, wf)


def _bn_rows(h):
    mh = jnp.mean(h, axis=0, keepdims=True)
    vh = jnp.mean(h * h, axis=0, keepdims=True) - mh * mh
    return (h - mh) * lax.rsqrt(vh + EPS)


def _fuse2_body(u_ref, st_ref, wc1_ref, wc2_ref, wc3_ref, bc3_ref,
                out_ref, mx_s, sm_s):
    b = pl.program_id(0)
    i = pl.program_id(1)
    cnt = jnp.float32(M)
    mean = st_ref[0:1, :] / cnt
    var = st_ref[1:2, :] / cnt - mean * mean
    v = _leaky((u_ref[0] - mean) * lax.rsqrt(var + EPS))
    bmx = jnp.max(v, axis=0, keepdims=True)
    bsm = jnp.sum(v, axis=0, keepdims=True)
    row = pl.ds(b, 1)

    @pl.when(i == 0)
    def _():
        mx_s[row, :] = bmx
        sm_s[row, :] = bsm

    @pl.when(i > 0)
    def _():
        mx_s[row, :] = jnp.maximum(mx_s[row, :], bmx)
        sm_s[row, :] = sm_s[row, :] + bsm

    last = jnp.logical_and(b == B - 1, i == pl.num_programs(1) - 1)

    @pl.when(last)
    def _():
        dn = (((1,), (1,)), ((), ()))
        z = jnp.concatenate(
            [mx_s[0:B, :], sm_s[0:B, :] * jnp.float32(1.0 / N)], axis=1)
        z1 = _leaky(_bn_rows(lax.dot_general(
            z, wc1_ref[...], dn, preferred_element_type=jnp.float32)))
        z2 = _leaky(_bn_rows(lax.dot_general(
            z1, wc2_ref[...], dn, preferred_element_type=jnp.float32)))
        out_ref[...] = lax.dot_general(
            z2, wc3_ref[...], dn,
            preferred_element_type=jnp.float32) + bc3_ref[...]


def _fuse2_call(u, stats, wc1, wc2, wc3, bc3r):
    rb = 1024
    nb = N // rb
    nc = wc3.shape[0]
    return pl.pallas_call(
        _fuse2_body,
        grid=(B, nb),
        in_specs=[
            pl.BlockSpec((1, rb, 1024), lambda b, i: (b, i, 0)),
            pl.BlockSpec((8, 1024), lambda b, i: (0, 0)),
            pl.BlockSpec(wc1.shape, lambda b, i: (0, 0)),
            pl.BlockSpec(wc2.shape, lambda b, i: (0, 0)),
            pl.BlockSpec(wc3.shape, lambda b, i: (0, 0)),
            pl.BlockSpec((1, nc), lambda b, i: (0, 0)),
        ],
        out_specs=pl.BlockSpec((B, nc), lambda b, i: (0, 0)),
        out_shape=jax.ShapeDtypeStruct((B, nc), jnp.float32),
        scratch_shapes=[
            pltpu.VMEM((8, 1024), jnp.float32),
            pltpu.VMEM((8, 1024), jnp.float32),
        ],
    )(u, stats, wc1, wc2, wc3, bc3r)


def _gauss_weights(coords, k, dil, padn, sigma):
    cp = jnp.pad(coords, ((0, 0), (0, 0), (padn, padn)))
    idx = jnp.arange(N)[:, None] + jnp.arange(k)[None, :] * dil
    cw = cp[:, :, idx]
    center = cw[:, :, :, k // 2]
    dist = jnp.sum((cw - center[..., None]) ** 2, axis=1)
    return jnp.exp(-dist / sigma)


def _edge_stage(xt, coords, we, ww, bw, pad, dil, sigma, conv_inside):
    c = xt.shape[2]
    o = we.shape[0]
    sq = jnp.sum(xt * xt, axis=-1)
    idxg = _knn_call(xt, sq)
    xt_pad = jnp.concatenate(
        [xt, jnp.zeros((B, N, CPAD - c), jnp.float32)], axis=2)
    gx = _sc_gather_build()(xt_pad.reshape(M, CPAD), idxg.reshape(M * KNN))
    hmax, h4f = _hmax_call(xt.reshape(M, c), gx, we.T)
    h4 = lax.optimization_barrier(h4f).reshape(B, o, N, KNN)
    m4 = jnp.mean(h4, axis=(0, 2, 3), keepdims=True)
    v4 = jnp.var(h4, axis=(0, 2, 3), keepdims=True)
    e = _edge_call(hmax.reshape(B, N, o),
                   m4.reshape(1, o), v4.reshape(1, o))
    e = lax.optimization_barrier(e)
    kk = ww.shape[2]
    g = _gauss_weights(coords, kk, dil, pad, sigma)
    if conv_inside:
        wt = jnp.transpose(ww, (2, 1, 0)).reshape(kk * o, ww.shape[0])
        return _wconv_call(e, g, wt, bw.reshape(1, -1), o, pad, dil, kk)
    et = jnp.transpose(e, (0, 2, 1))
    xp = jnp.pad(et, ((0, 0), (0, 0), (pad, pad)))
    cp = jnp.pad(coords, ((0, 0), (0, 0), (pad, pad)))
    idx = jnp.arange(N)[:, None] + jnp.arange(kk)[None, :] * dil
    xw = xp[:, :, idx]
    cw = cp[:, :, idx]
    center = cw[:, :, :, kk // 2]
    dist = jnp.sum((cw - center[..., None]) ** 2, axis=1)
    gg = jnp.exp(-dist / sigma)
    out = jnp.einsum('ocm,bclm->bol', ww, xw * gg[:, None, :, :])
    out = out + bw[None, :, None]
    return lax.optimization_barrier(jnp.transpose(out, (0, 2, 1)))


def kernel(x, coords, We1, Ww1, bw1, We2, Ww2, bw2, We3, Ww3, bw3,
           We4, Ww4, bw4, Wf, Wc1, Wc2, Wc3, bc3):
    sigma = 0.02
    xt = jnp.transpose(x, (0, 2, 1))
    out1 = _edge_stage(xt, coords, We1, Ww1, bw1, 4, 1, sigma, False)
    out2 = _edge_stage(out1, coords, We2, Ww2, bw2, 4, 2, sigma, False)
    out3 = _edge_stage(out2, coords, We3, Ww3, bw3, 8, 4, sigma * 2, False)
    out4 = _edge_stage(out3, coords, We4, Ww4, bw4, 16, 8, sigma * 4, True)
    u, fstats = _fuse1_call(out1, out2, out3, out4, Wf)
    return _fuse2_call(u, fstats, Wc1, Wc2, Wc3, bc3.reshape(1, -1))

# --- scband reference (transcript-rebuilt; emitter-appended) ---
"""Pipeline reference for scband-dgcnn-13657996001491 (READ-ONLY COPY).

The authoritative reference and input builder live on the scoring server;
editing this copy changes nothing except your own understanding.
"""

import jax, jax.numpy as jnp
import numpy as np

B, N, NUM_CLASSES, KNN = 2, 4096, 40, 9


def batch_norm(x, axes, eps=1e-5):
    m = jnp.mean(x, axis=axes, keepdims=True)
    v = jnp.var(x, axis=axes, keepdims=True)
    return (x - m) / jnp.sqrt(v + eps)


def knn_graph(x, k):
    # x: [B, C, N] -> edge_index [2, B, N, k] = (neighbor_idx, center_idx), no self loop
    xt = jnp.transpose(x, (0, 2, 1))
    sq = jnp.sum(xt * xt, axis=-1)
    d = sq[:, :, None] - 2.0 * jnp.einsum('bic,bjc->bij', xt, xt) + sq[:, None, :]
    n = x.shape[2]
    d = d + jnp.eye(n, dtype=x.dtype) * 1e10
    _, nn_idx = jax.lax.top_k(-d, k)
    center = jnp.broadcast_to(jnp.arange(n)[None, :, None], nn_idx.shape)
    return jnp.stack([nn_idx, center], axis=0)


def gather_nodes(x, idx):
    # x [B,C,N], idx [B,N,K] -> [B,C,N,K]
    b, c, n = x.shape
    k = idx.shape[-1]
    xt = jnp.transpose(x, (0, 2, 1)).reshape(b * n, c)
    flat = (idx + jnp.arange(b)[:, None, None] * n).reshape(-1)
    g = jnp.take(xt, flat, axis=0).reshape(b, n, k, c)
    return jnp.transpose(g, (0, 3, 1, 2))


def edge_conv(x, edge_index, W):
    # EdgeConv: max_k LeakyReLU(BN(W @ [x_i, x_j - x_i]))
    x_j = gather_nodes(x, edge_index[0])
    x_i = gather_nodes(x, edge_index[1])
    feat = jnp.concatenate([x_i, x_j - x_i], axis=1)
    h = jnp.einsum('oc,bcnk->bonk', W, feat)
    h = batch_norm(h, (0, 2, 3))
    h = jax.nn.leaky_relu(h, 0.2)
    return jnp.max(h, axis=-1)


def weighted_conv1d(x, coords, W, bias, k, dilation, padding, stride, sigma):
    # 1D conv with per-tap Gaussian weights from coordinate distances to window center
    b, c, n = x.shape
    xp = jnp.pad(x, ((0, 0), (0, 0), (padding, padding)))
    cp = jnp.pad(coords, ((0, 0), (0, 0), (padding, padding)))
    out_len = (n + 2 * padding - dilation * (k - 1) - 1) // stride + 1
    idx = jnp.arange(out_len)[:, None] * stride + jnp.arange(k)[None, :] * dilation
    xw = xp[:, :, idx]
    cw = cp[:, :, idx]
    center = cw[:, :, :, k // 2]
    dist = jnp.sum((cw - center[..., None]) ** 2, axis=1)
    g = jnp.exp(-dist / sigma)
    out = jnp.einsum('ocm,bclm->bol', W, xw * g[:, None, :, :])
    return out + bias[None, :, None]


def dgcnn_forward(x, coords, We1, Ww1, bw1, We2, Ww2, bw2, We3, Ww3, bw3, We4, Ww4, bw4, Wf, Wc1, Wc2, Wc3, bc3):
    sigma = 0.02
    ei = knn_graph(x, KNN)
    h = edge_conv(x, ei, We1)
    out1 = weighted_conv1d(h, coords, Ww1, bw1, 9, 1, 4, 1, sigma)
    ei = knn_graph(out1, KNN)
    h = edge_conv(out1, ei, We2)
    out2 = weighted_conv1d(h, coords, Ww2, bw2, 5, 2, 4, 1, sigma)
    ei = knn_graph(out2, KNN)
    h = edge_conv(out2, ei, We3)
    out3 = weighted_conv1d(h, coords, Ww3, bw3, 5, 4, 8, 1, sigma * 2)
    ei = knn_graph(out3, KNN)
    h = edge_conv(out3, ei, We4)
    out4 = weighted_conv1d(h, coords, Ww4, bw4, 5, 8, 16, 1, sigma * 4)
    # Decoder: fusion 1x1 conv + global max/avg pool + MLP classifier (dropout = eval identity)
    f = jnp.concatenate([out1, out2, out3, out4], axis=1)  # [B, 512, N]
    fusion = jax.nn.leaky_relu(batch_norm(jnp.einsum('oc,bcn->bon', Wf, f), (0, 2)), 0.2)
    x1 = jnp.max(fusion, axis=-1)
    x2 = jnp.mean(fusion, axis=-1)
    z = jnp.concatenate([x1, x2], axis=1)  # [B, 2048]
    z = jax.nn.leaky_relu(batch_norm(z @ Wc1.T, (0,)), 0.2)
    z = jax.nn.leaky_relu(batch_norm(z @ Wc2.T, (0,)), 0.2)
    return z @ Wc3.T + bc3


def setup_inputs(seed: int = 0):
    key = jax.random.key(seed)
    ks = jax.random.split(key, 16)

    def w(k, shape, fan_in):
        return (jax.random.normal(k, shape, dtype=jnp.float32) * np.sqrt(2.0 / fan_in)).astype(jnp.float32)

    inp = {}
    inp['x'] = jax.random.normal(ks[0], (B, 3, N), dtype=jnp.float32)
    inp['coords'] = jax.random.uniform(ks[1], (B, 3, N), dtype=jnp.float32)
    inp['We1'] = w(ks[2], (3, 6), 6)
    inp['Ww1'] = w(ks[3], (64, 3, 9), 27)
    inp['bw1'] = jnp.zeros((64,), jnp.float32)
    inp['We2'] = w(ks[4], (64, 128), 128)
    inp['Ww2'] = w(ks[5], (64, 64, 5), 320)
    inp['bw2'] = jnp.zeros((64,), jnp.float32)
    inp['We3'] = w(ks[6], (64, 128), 128)
    inp['Ww3'] = w(ks[7], (128, 64, 5), 320)
    inp['bw3'] = jnp.zeros((128,), jnp.float32)
    inp['We4'] = w(ks[8], (128, 256), 256)
    inp['Ww4'] = w(ks[9], (256, 128, 5), 640)
    inp['bw4'] = jnp.zeros((256,), jnp.float32)
    inp['Wf'] = w(ks[10], (1024, 512), 512)
    inp['Wc1'] = w(ks[11], (512, 2048), 2048)
    inp['Wc2'] = w(ks[12], (256, 512), 512)
    inp['Wc3'] = w(ks[13], (NUM_CLASSES, 256), 256)
    inp['bc3'] = jnp.zeros((NUM_CLASSES,), jnp.float32)
    return inp


def reference(x, coords, We1, Ww1, bw1, We2, Ww2, bw2, We3, Ww3, bw3, We4, Ww4, bw4, Wf, Wc1, Wc2, Wc3, bc3):
    return dgcnn_forward(x, coords, We1, Ww1, bw1, We2, Ww2, bw2, We3, Ww3, bw3, We4, Ww4, bw4, Wf, Wc1, Wc2, Wc3, bc3)

if __name__ == "__main__":
    import jax
    _d = setup_inputs()
    print(jax.jit(kernel)(*tuple(_d.values())))

</pallas_src>

<mosaic_0001>
#map = affine_map<(d0, d1) -> (0, 0)>
#map1 = affine_map<(d0, d1) -> (0)>
module attributes {stable_mosaic.version = 14 : i64} {
  func.func @body(%arg0: i32, %arg1: i32, %arg2: memref<8192x128xf32, #tpu.memory_space<hbm>>, %arg3: memref<73728xi32, #tpu.memory_space<hbm>>, %arg4: memref<73728x128xf32, #tpu.memory_space<hbm>>, %arg5: memref<72xi32, #tpu.memory_space<vmem>>, %arg6: memref<72x128xf32, #tpu.memory_space<vmem>>, %arg7: memref<!tpu.dma_semaphore, #tpu.memory_space<semaphore_mem>>) attributes {dimension_semantics = [#tpu.dimension_semantics<core_parallel>, #tpu.dimension_semantics<subcore_parallel>], iteration_bounds = array<i64: 2, 16>, scalar_prefetch = 0 : i64, scratch_operands = 3 : i64, tpu.core_type = #tpu.core_type<sc_vector_subcore>, window_params = [{transform_indices = #map}, {transform_indices = #map1}, {transform_indices = #map}]} {
    %mul3A = arith.constant 2 : i32
    %mul3A_0 = arith.muli %arg1, %mul3A : i32
    %add3A = arith.addi %mul3A_0, %arg0 : i32
    %scan3A = arith.constant 0 : i32
    %scan3A_1 = arith.constant 0 : i32
    %scan3A_2 = arith.constant 32 : i32
    %scan3A_3 = arith.addi %scan3A_1, %scan3A_2 : i32
    %scan3A_4 = arith.constant 1 : i32
    %scan3A_5 = scf.for %scan3A_7 = %scan3A_1 to %scan3A_3 step %scan3A_4 iter_args(%scan3A_8 = %scan3A) -> (i32)  : i32 {
      %mul3A_9 = arith.constant 256 : i32
      %mul3A_10 = arith.muli %add3A, %mul3A_9 : i32
      %mul3A_11 = arith.constant 8 : i32
      %mul3A_12 = arith.muli %scan3A_7, %mul3A_11 : i32
      %add3A_13 = arith.addi %mul3A_10, %mul3A_12 : i32
      %mul3A_14 = arith.constant 9 : i32
      %mul3A_15 = arith.muli %add3A_13, %mul3A_14 : i32
      "tpu.region"() ({
        %run_scoped3A = tpu.sem_alloc : memref<!tpu.dma_semaphore, #tpu.memory_space<semaphore_mem>>
        %dma_start3A_23 = tpu.memref_slice %arg3[%mul3A_15] : memref<73728xi32, #tpu.memory_space<hbm>> -> memref<72xi32, #tpu.memory_space<hbm>>
        %dma_start3A_24 = tpu.memref_slice %arg3[%mul3A_15] : memref<73728xi32, #tpu.memory_space<hbm>> -> memref<72xi32, #tpu.memory_space<hbm>>
        tpu.enqueue_dma source(%dma_start3A_24 : memref<72xi32, #tpu.memory_space<hbm>>) target(%arg5 : memref<72xi32, #tpu.memory_space<vmem>>) target_semaphore(%run_scoped3A : memref<!tpu.dma_semaphore, #tpu.memory_space<semaphore_mem>>)
        %dma_wait3A_25 = tpu.memref_slice %arg3[%mul3A_15] : memref<73728xi32, #tpu.memory_space<hbm>> -> memref<72xi32, #tpu.memory_space<hbm>>
        %dma_wait3A_26 = tpu.memref_slice %arg3[%mul3A_15] : memref<73728xi32, #tpu.memory_space<hbm>> -> memref<72xi32, #tpu.memory_space<hbm>>
        tpu.wait_dma2 semaphore(%run_scoped3A : memref<!tpu.dma_semaphore, #tpu.memory_space<semaphore_mem>>) src(%dma_wait3A_26 : memref<72xi32, #tpu.memory_space<hbm>>) dst(%arg5 : memref<72xi32, #tpu.memory_space<vmem>>)
        tpu.yield
      }) : () -> ()
      %dma_start3A = arith.constant 0 : i32
      %dma_start3A_16 = arith.constant 0 : i32
      %dma_start3A_17 = tpu.memref_slice %arg2[%dma_start3A, %dma_start3A_16] : memref<8192x128xf32, #tpu.memory_space<hbm>> -> memref<8192x128xf32, #tpu.memory_space<hbm>>
      tpu.enqueue_indirect_dma source(%dma_start3A_17 : memref<8192x128xf32, #tpu.memory_space<hbm>>) target(%arg6 : memref<72x128xf32, #tpu.memory_space<vmem>>) offsets(%arg5 : memref<72xi32, #tpu.memory_space<vmem>>) semaphore(%arg7 : memref<!tpu.dma_semaphore, #tpu.memory_space<semaphore_mem>>)
      %dma_wait3A = arith.constant 0 : i32
      %dma_wait3A_18 = arith.constant 0 : i32
      %dma_wait3A_19 = tpu.memref_slice %arg2[%dma_wait3A, %dma_wait3A_18] : memref<8192x128xf32, #tpu.memory_space<hbm>> -> memref<8192x128xf32, #tpu.memory_space<hbm>>
      tpu.wait_indirect_dma semaphore(%arg7 : memref<!tpu.dma_semaphore, #tpu.memory_space<semaphore_mem>>) src(%dma_wait3A_19 : memref<8192x128xf32, #tpu.memory_space<hbm>>) dst(%arg6 : memref<72x128xf32, #tpu.memory_space<vmem>>)
      %mul3A_20 = arith.constant 9 : i32
      %mul3A_21 = arith.muli %add3A_13, %mul3A_20 : i32
      "tpu.region"() ({
        %run_scoped3A = tpu.sem_alloc : memref<!tpu.dma_semaphore, #tpu.memory_space<semaphore_mem>>
        %dma_start3A_23 = arith.constant 0 : i32
        %dma_start3A_24 = tpu.memref_slice %arg4[%mul3A_21, %dma_start3A_23] : memref<73728x128xf32, #tpu.memory_space<hbm>> -> memref<72x128xf32, #tpu.memory_space<hbm>>
        %dma_start3A_25 = arith.constant 0 : i32
        %dma_start3A_26 = tpu.memref_slice %arg4[%mul3A_21, %dma_start3A_25] : memref<73728x128xf32, #tpu.memory_space<hbm>> -> memref<72x128xf32, #tpu.memory_space<hbm>>
        tpu.enqueue_dma source(%arg6 : memref<72x128xf32, #tpu.memory_space<vmem>>) target(%dma_start3A_26 : memref<72x128xf32, #tpu.memory_space<hbm>>) target_semaphore(%run_scoped3A : memref<!tpu.dma_semaphore, #tpu.memory_space<semaphore_mem>>)
        %dma_wait3A_27 = arith.constant 0 : i32
        %dma_wait3A_28 = tpu.memref_slice %arg4[%mul3A_21, %dma_wait3A_27] : memref<73728x128xf32, #tpu.memory_space<hbm>> -> memref<72x128xf32, #tpu.memory_space<hbm>>
        %dma_wait3A_29 = arith.constant 0 : i32
        %dma_wait3A_30 = tpu.memref_slice %arg4[%mul3A_21, %dma_wait3A_29] : memref<73728x128xf32, #tpu.memory_space<hbm>> -> memref<72x128xf32, #tpu.memory_space<hbm>>
        tpu.wait_dma2 semaphore(%run_scoped3A : memref<!tpu.dma_semaphore, #tpu.memory_space<semaphore_mem>>) src(%arg6 : memref<72x128xf32, #tpu.memory_space<vmem>>) dst(%dma_wait3A_30 : memref<72x128xf32, #tpu.memory_space<hbm>>)
        tpu.yield
      }) : () -> ()
      %scan3A_22 = arith.constant 0 : i32
      scf.yield %scan3A_22 : i32
    }
    %scan3A_6 = arith.constant 32 : i32
    return
  }
}

#map = affine_map<(d0, d1) -> (0, 0)>
#map1 = affine_map<(d0, d1) -> (0)>
module attributes {stable_mosaic.version = 14 : i64} {
  func.func @body(%arg0: i32, %arg1: i32, %arg2: memref<8192x128xf32, #tpu.memory_space<hbm>>, %arg3: memref<73728xi32, #tpu.memory_space<hbm>>, %arg4: memref<73728x128xf32, #tpu.memory_space<hbm>>, %arg5: memref<72xi32, #tpu.memory_space<vmem>>, %arg6: memref<72x128xf32, #tpu.memory_space<vmem>>, %arg7: memref<!tpu.dma_semaphore, #tpu.memory_space<semaphore_mem>>) attributes {dimension_semantics = [#tpu.dimension_semantics<core_parallel>, #tpu.dimension_semantics<subcore_parallel>], iteration_bounds = array<i64: 2, 16>, scalar_prefetch = 0 : i64, scratch_operands = 3 : i64, tpu.core_type = #tpu.core_type<sc_vector_subcore>, window_params = [{transform_indices = #map}, {transform_indices = #map1}, {transform_indices = #map}]} {
    %mul3A = arith.constant 2 : i32
    %mul3A_0 = arith.muli %arg1, %mul3A : i32
    %add3A = arith.addi %mul3A_0, %arg0 : i32
    %scan3A = arith.constant 0 : i32
    %scan3A_1 = arith.constant 0 : i32
    %scan3A_2 = arith.constant 32 : i32
    %scan3A_3 = arith.addi %scan3A_1, %scan3A_2 : i32
    %scan3A_4 = arith.constant 1 : i32
    %scan3A_5 = scf.for %scan3A_7 = %scan3A_1 to %scan3A_3 step %scan3A_4 iter_args(%scan3A_8 = %scan3A) -> (i32)  : i32 {
      %mul3A_9 = arith.constant 256 : i32
      %mul3A_10 = arith.muli %add3A, %mul3A_9 : i32
      %mul3A_11 = arith.constant 8 : i32
      %mul3A_12 = arith.muli %scan3A_7, %mul3A_11 : i32
      %add3A_13 = arith.addi %mul3A_10, %mul3A_12 : i32
      %mul3A_14 = arith.constant 9 : i32
      %mul3A_15 = arith.muli %add3A_13, %mul3A_14 : i32
      "tpu.region"() ({
        %run_scoped3A = tpu.sem_alloc : memref<!tpu.dma_semaphore, #tpu.memory_space<semaphore_mem>>
        %dma_start3A_23 = tpu.memref_slice %arg3[%mul3A_15] : memref<73728xi32, #tpu.memory_space<hbm>> -> memref<72xi32, #tpu.memory_space<hbm>>
        %dma_start3A_24 = tpu.memref_slice %arg3[%mul3A_15] : memref<73728xi32, #tpu.memory_space<hbm>> -> memref<72xi32, #tpu.memory_space<hbm>>
        tpu.enqueue_dma source(%dma_start3A_24 : memref<72xi32, #tpu.memory_space<hbm>>) target(%arg5 : memref<72xi32, #tpu.memory_space<vmem>>) target_semaphore(%run_scoped3A : memref<!tpu.dma_semaphore, #tpu.memory_space<semaphore_mem>>)
        %dma_wait3A_25 = tpu.memref_slice %arg3[%mul3A_15] : memref<73728xi32, #tpu.memory_space<hbm>> -> memref<72xi32, #tpu.memory_space<hbm>>
        %dma_wait3A_26 = tpu.memref_slice %arg3[%mul3A_15] : memref<73728xi32, #tpu.memory_space<hbm>> -> memref<72xi32, #tpu.memory_space<hbm>>
        tpu.wait_dma2 semaphore(%run_scoped3A : memref<!tpu.dma_semaphore, #tpu.memory_space<semaphore_mem>>) src(%dma_wait3A_26 : memref<72xi32, #tpu.memory_space<hbm>>) dst(%arg5 : memref<72xi32, #tpu.memory_space<vmem>>)
        tpu.yield
      }) : () -> ()
      %dma_start3A = arith.constant 0 : i32
      %dma_start3A_16 = arith.constant 0 : i32
      %dma_start3A_17 = tpu.memref_slice %arg2[%dma_start3A, %dma_start3A_16] : memref<8192x128xf32, #tpu.memory_space<hbm>> -> memref<8192x128xf32, #tpu.memory_space<hbm>>
      tpu.enqueue_indirect_dma source(%dma_start3A_17 : memref<8192x128xf32, #tpu.memory_space<hbm>>) target(%arg6 : memref<72x128xf32, #tpu.memory_space<vmem>>) offsets(%arg5 : memref<72xi32, #tpu.memory_space<vmem>>) semaphore(%arg7 : memref<!tpu.dma_semaphore, #tpu.memory_space<semaphore_mem>>)
      %dma_wait3A = arith.constant 0 : i32
      %dma_wait3A_18 = arith.constant 0 : i32
      %dma_wait3A_19 = tpu.memref_slice %arg2[%dma_wait3A, %dma_wait3A_18] : memref<8192x128xf32, #tpu.memory_space<hbm>> -> memref<8192x128xf32, #tpu.memory_space<hbm>>
      tpu.wait_indirect_dma semaphore(%arg7 : memref<!tpu.dma_semaphore, #tpu.memory_space<semaphore_mem>>) src(%dma_wait3A_19 : memref<8192x128xf32, #tpu.memory_space<hbm>>) dst(%arg6 : memref<72x128xf32, #tpu.memory_space<vmem>>)
      %mul3A_20 = arith.constant 9 : i32
      %mul3A_21 = arith.muli %add3A_13, %mul3A_20 : i32
      "tpu.region"() ({
        %run_scoped3A = tpu.sem_alloc : memref<!tpu.dma_semaphore, #tpu.memory_space<semaphore_mem>>
        %dma_start3A_23 = arith.constant 0 : i32
        %dma_start3A_24 = tpu.memref_slice %arg4[%mul3A_21, %dma_start3A_23] : memref<73728x128xf32, #tpu.memory_space<hbm>> -> memref<72x128xf32, #tpu.memory_space<hbm>>
        %dma_start3A_25 = arith.constant 0 : i32
        %dma_start3A_26 = tpu.memref_slice %arg4[%mul3A_21, %dma_start3A_25] : memref<73728x128xf32, #tpu.memory_space<hbm>> -> memref<72x128xf32, #tpu.memory_space<hbm>>
        tpu.enqueue_dma source(%arg6 : memref<72x128xf32, #tpu.memory_space<vmem>>) target(%dma_start3A_26 : memref<72x128xf32, #tpu.memory_space<hbm>>) target_semaphore(%run_scoped3A : memref<!tpu.dma_semaphore, #tpu.memory_space<semaphore_mem>>)
        %dma_wait3A_27 = arith.constant 0 : i32
        %dma_wait3A_28 = tpu.memref_slice %arg4[%mul3A_21, %dma_wait3A_27] : memref<73728x128xf32, #tpu.memory_space<hbm>> -> memref<72x128xf32, #tpu.memory_space<hbm>>
        %dma_wait3A_29 = arith.constant 0 : i32
        %dma_wait3A_30 = tpu.memref_slice %arg4[%mul3A_21, %dma_wait3A_29] : memref<73728x128xf32, #tpu.memory_space<hbm>> -> memref<72x128xf32, #tpu.memory_space<hbm>>
        tpu.wait_dma2 semaphore(%run_scoped3A : memref<!tpu.dma_semaphore, #tpu.memory_space<semaphore_mem>>) src(%arg6 : memref<72x128xf32, #tpu.memory_space<vmem>>) dst(%dma_wait3A_30 : memref<72x128xf32, #tpu.memory_space<hbm>>)
        tpu.yield
      }) : () -> ()
      %scan3A_22 = arith.constant 0 : i32
      scf.yield %scan3A_22 : i32
    }
    %scan3A_6 = arith.constant 32 : i32
    return
  }
}

#map = affine_map<(d0, d1) -> (0, 0)>
#map1 = affine_map<(d0, d1) -> (0)>
module attributes {stable_mosaic.version = 14 : i64} {
  func.func @body(%arg0: i32, %arg1: i32, %arg2: memref<8192x128xf32, #tpu.memory_space<hbm>>, %arg3: memref<73728xi32, #tpu.memory_space<hbm>>, %arg4: memref<73728x128xf32, #tpu.memory_space<hbm>>, %arg5: memref<72xi32, #tpu.memory_space<vmem>>, %arg6: memref<72x128xf32, #tpu.memory_space<vmem>>, %arg7: memref<!tpu.dma_semaphore, #tpu.memory_space<semaphore_mem>>) attributes {dimension_semantics = [#tpu.dimension_semantics<core_parallel>, #tpu.dimension_semantics<subcore_parallel>], iteration_bounds = array<i64: 2, 16>, scalar_prefetch = 0 : i64, scratch_operands = 3 : i64, tpu.core_type = #tpu.core_type<sc_vector_subcore>, window_params = [{transform_indices = #map}, {transform_indices = #map1}, {transform_indices = #map}]} {
    %mul3A = arith.constant 2 : i32
    %mul3A_0 = arith.muli %arg1, %mul3A : i32
    %add3A = arith.addi %mul3A_0, %arg0 : i32
    %scan3A = arith.constant 0 : i32
    %scan3A_1 = arith.constant 0 : i32
    %scan3A_2 = arith.constant 32 : i32
    %scan3A_3 = arith.addi %scan3A_1, %scan3A_2 : i32
    %scan3A_4 = arith.constant 1 : i32
    %scan3A_5 = scf.for %scan3A_7 = %scan3A_1 to %scan3A_3 step %scan3A_4 iter_args(%scan3A_8 = %scan3A) -> (i32)  : i32 {
      %mul3A_9 = arith.constant 256 : i32
      %mul3A_10 = arith.muli %add3A, %mul3A_9 : i32
      %mul3A_11 = arith.constant 8 : i32
      %mul3A_12 = arith.muli %scan3A_7, %mul3A_11 : i32
      %add3A_13 = arith.addi %mul3A_10, %mul3A_12 : i32
      %mul3A_14 = arith.constant 9 : i32
      %mul3A_15 = arith.muli %add3A_13, %mul3A_14 : i32
      "tpu.region"() ({
        %run_scoped3A = tpu.sem_alloc : memref<!tpu.dma_semaphore, #tpu.memory_space<semaphore_mem>>
        %dma_start3A_23 = tpu.memref_slice %arg3[%mul3A_15] : memref<73728xi32, #tpu.memory_space<hbm>> -> memref<72xi32, #tpu.memory_space<hbm>>
        %dma_start3A_24 = tpu.memref_slice %arg3[%mul3A_15] : memref<73728xi32, #tpu.memory_space<hbm>> -> memref<72xi32, #tpu.memory_space<hbm>>
        tpu.enqueue_dma source(%dma_start3A_24 : memref<72xi32, #tpu.memory_space<hbm>>) target(%arg5 : memref<72xi32, #tpu.memory_space<vmem>>) target_semaphore(%run_scoped3A : memref<!tpu.dma_semaphore, #tpu.memory_space<semaphore_mem>>)
        %dma_wait3A_25 = tpu.memref_slice %arg3[%mul3A_15] : memref<73728xi32, #tpu.memory_space<hbm>> -> memref<72xi32, #tpu.memory_space<hbm>>
        %dma_wait3A_26 = tpu.memref_slice %arg3[%mul3A_15] : memref<73728xi32, #tpu.memory_space<hbm>> -> memref<72xi32, #tpu.memory_space<hbm>>
        tpu.wait_dma2 semaphore(%run_scoped3A : memref<!tpu.dma_semaphore, #tpu.memory_space<semaphore_mem>>) src(%dma_wait3A_26 : memref<72xi32, #tpu.memory_space<hbm>>) dst(%arg5 : memref<72xi32, #tpu.memory_space<vmem>>)
        tpu.yield
      }) : () -> ()
      %dma_start3A = arith.constant 0 : i32
      %dma_start3A_16 = arith.constant 0 : i32
      %dma_start3A_17 = tpu.memref_slice %arg2[%dma_start3A, %dma_start3A_16] : memref<8192x128xf32, #tpu.memory_space<hbm>> -> memref<8192x128xf32, #tpu.memory_space<hbm>>
      tpu.enqueue_indirect_dma source(%dma_start3A_17 : memref<8192x128xf32, #tpu.memory_space<hbm>>) target(%arg6 : memref<72x128xf32, #tpu.memory_space<vmem>>) offsets(%arg5 : memref<72xi32, #tpu.memory_space<vmem>>) semaphore(%arg7 : memref<!tpu.dma_semaphore, #tpu.memory_space<semaphore_mem>>)
      %dma_wait3A = arith.constant 0 : i32
      %dma_wait3A_18 = arith.constant 0 : i32
      %dma_wait3A_19 = tpu.memref_slice %arg2[%dma_wait3A, %dma_wait3A_18] : memref<8192x128xf32, #tpu.memory_space<hbm>> -> memref<8192x128xf32, #tpu.memory_space<hbm>>
      tpu.wait_indirect_dma semaphore(%arg7 : memref<!tpu.dma_semaphore, #tpu.memory_space<semaphore_mem>>) src(%dma_wait3A_19 : memref<8192x128xf32, #tpu.memory_space<hbm>>) dst(%arg6 : memref<72x128xf32, #tpu.memory_space<vmem>>)
      %mul3A_20 = arith.constant 9 : i32
      %mul3A_21 = arith.muli %add3A_13, %mul3A_20 : i32
      "tpu.region"() ({
        %run_scoped3A = tpu.sem_alloc : memref<!tpu.dma_semaphore, #tpu.memory_space<semaphore_mem>>
        %dma_start3A_23 = arith.constant 0 : i32
        %dma_start3A_24 = tpu.memref_slice %arg4[%mul3A_21, %dma_start3A_23] : memref<73728x128xf32, #tpu.memory_space<hbm>> -> memref<72x128xf32, #tpu.memory_space<hbm>>
        %dma_start3A_25 = arith.constant 0 : i32
        %dma_start3A_26 = tpu.memref_slice %arg4[%mul3A_21, %dma_start3A_25] : memref<73728x128xf32, #tpu.memory_space<hbm>> -> memref<72x128xf32, #tpu.memory_space<hbm>>
        tpu.enqueue_dma source(%arg6 : memref<72x128xf32, #tpu.memory_space<vmem>>) target(%dma_start3A_26 : memref<72x128xf32, #tpu.memory_space<hbm>>) target_semaphore(%run_scoped3A : memref<!tpu.dma_semaphore, #tpu.memory_space<semaphore_mem>>)
        %dma_wait3A_27 = arith.constant 0 : i32
        %dma_wait3A_28 = tpu.memref_slice %arg4[%mul3A_21, %dma_wait3A_27] : memref<73728x128xf32, #tpu.memory_space<hbm>> -> memref<72x128xf32, #tpu.memory_space<hbm>>
        %dma_wait3A_29 = arith.constant 0 : i32
        %dma_wait3A_30 = tpu.memref_slice %arg4[%mul3A_21, %dma_wait3A_29] : memref<73728x128xf32, #tpu.memory_space<hbm>> -> memref<72x128xf32, #tpu.memory_space<hbm>>
        tpu.wait_dma2 semaphore(%run_scoped3A : memref<!tpu.dma_semaphore, #tpu.memory_space<semaphore_mem>>) src(%arg6 : memref<72x128xf32, #tpu.memory_space<vmem>>) dst(%dma_wait3A_30 : memref<72x128xf32, #tpu.memory_space<hbm>>)
        tpu.yield
      }) : () -> ()
      %scan3A_22 = arith.constant 0 : i32
      scf.yield %scan3A_22 : i32
    }
    %scan3A_6 = arith.constant 32 : i32
    return
  }
}

#map = affine_map<(d0, d1) -> (0, 0)>
#map1 = affine_map<(d0, d1) -> (0)>
module attributes {stable_mosaic.version = 14 : i64} {
  func.func @body(%arg0: i32, %arg1: i32, %arg2: memref<8192x128xf32, #tpu.memory_space<hbm>>, %arg3: memref<73728xi32, #tpu.memory_space<hbm>>, %arg4: memref<73728x128xf32, #tpu.memory_space<hbm>>, %arg5: memref<72xi32, #tpu.memory_space<vmem>>, %arg6: memref<72x128xf32, #tpu.memory_space<vmem>>, %arg7: memref<!tpu.dma_semaphore, #tpu.memory_space<semaphore_mem>>) attributes {dimension_semantics = [#tpu.dimension_semantics<core_parallel>, #tpu.dimension_semantics<subcore_parallel>], iteration_bounds = array<i64: 2, 16>, scalar_prefetch = 0 : i64, scratch_operands = 3 : i64, tpu.core_type = #tpu.core_type<sc_vector_subcore>, window_params = [{transform_indices = #map}, {transform_indices = #map1}, {transform_indices = #map}]} {
    %mul3A = arith.constant 2 : i32
    %mul3A_0 = arith.muli %arg1, %mul3A : i32
    %add3A = arith.addi %mul3A_0, %arg0 : i32
    %scan3A = arith.constant 0 : i32
    %scan3A_1 = arith.constant 0 : i32
    %scan3A_2 = arith.constant 32 : i32
    %scan3A_3 = arith.addi %scan3A_1, %scan3A_2 : i32
    %scan3A_4 = arith.constant 1 : i32
    %scan3A_5 = scf.for %scan3A_7 = %scan3A_1 to %scan3A_3 step %scan3A_4 iter_args(%scan3A_8 = %scan3A) -> (i32)  : i32 {
      %mul3A_9 = arith.constant 256 : i32
      %mul3A_10 = arith.muli %add3A, %mul3A_9 : i32
      %mul3A_11 = arith.constant 8 : i32
      %mul3A_12 = arith.muli %scan3A_7, %mul3A_11 : i32
      %add3A_13 = arith.addi %mul3A_10, %mul3A_12 : i32
      %mul3A_14 = arith.constant 9 : i32
      %mul3A_15 = arith.muli %add3A_13, %mul3A_14 : i32
      "tpu.region"() ({
        %run_scoped3A = tpu.sem_alloc : memref<!tpu.dma_semaphore, #tpu.memory_space<semaphore_mem>>
        %dma_start3A_23 = tpu.memref_slice %arg3[%mul3A_15] : memref<73728xi32, #tpu.memory_space<hbm>> -> memref<72xi32, #tpu.memory_space<hbm>>
        %dma_start3A_24 = tpu.memref_slice %arg3[%mul3A_15] : memref<73728xi32, #tpu.memory_space<hbm>> -> memref<72xi32, #tpu.memory_space<hbm>>
        tpu.enqueue_dma source(%dma_start3A_24 : memref<72xi32, #tpu.memory_space<hbm>>) target(%arg5 : memref<72xi32, #tpu.memory_space<vmem>>) target_semaphore(%run_scoped3A : memref<!tpu.dma_semaphore, #tpu.memory_space<semaphore_mem>>)
        %dma_wait3A_25 = tpu.memref_slice %arg3[%mul3A_15] : memref<73728xi32, #tpu.memory_space<hbm>> -> memref<72xi32, #tpu.memory_space<hbm>>
        %dma_wait3A_26 = tpu.memref_slice %arg3[%mul3A_15] : memref<73728xi32, #tpu.memory_space<hbm>> -> memref<72xi32, #tpu.memory_space<hbm>>
        tpu.wait_dma2 semaphore(%run_scoped3A : memref<!tpu.dma_semaphore, #tpu.memory_space<semaphore_mem>>) src(%dma_wait3A_26 : memref<72xi32, #tpu.memory_space<hbm>>) dst(%arg5 : memref<72xi32, #tpu.memory_space<vmem>>)
        tpu.yield
      }) : () -> ()
      %dma_start3A = arith.constant 0 : i32
      %dma_start3A_16 = arith.constant 0 : i32
      %dma_start3A_17 = tpu.memref_slice %arg2[%dma_start3A, %dma_start3A_16] : memref<8192x128xf32, #tpu.memory_space<hbm>> -> memref<8192x128xf32, #tpu.memory_space<hbm>>
      tpu.enqueue_indirect_dma source(%dma_start3A_17 : memref<8192x128xf32, #tpu.memory_space<hbm>>) target(%arg6 : memref<72x128xf32, #tpu.memory_space<vmem>>) offsets(%arg5 : memref<72xi32, #tpu.memory_space<vmem>>) semaphore(%arg7 : memref<!tpu.dma_semaphore, #tpu.memory_space<semaphore_mem>>)
      %dma_wait3A = arith.constant 0 : i32
      %dma_wait3A_18 = arith.constant 0 : i32
      %dma_wait3A_19 = tpu.memref_slice %arg2[%dma_wait3A, %dma_wait3A_18] : memref<8192x128xf32, #tpu.memory_space<hbm>> -> memref<8192x128xf32, #tpu.memory_space<hbm>>
      tpu.wait_indirect_dma semaphore(%arg7 : memref<!tpu.dma_semaphore, #tpu.memory_space<semaphore_mem>>) src(%dma_wait3A_19 : memref<8192x128xf32, #tpu.memory_space<hbm>>) dst(%arg6 : memref<72x128xf32, #tpu.memory_space<vmem>>)
      %mul3A_20 = arith.constant 9 : i32
      %mul3A_21 = arith.muli %add3A_13, %mul3A_20 : i32
      "tpu.region"() ({
        %run_scoped3A = tpu.sem_alloc : memref<!tpu.dma_semaphore, #tpu.memory_space<semaphore_mem>>
        %dma_start3A_23 = arith.constant 0 : i32
        %dma_start3A_24 = tpu.memref_slice %arg4[%mul3A_21, %dma_start3A_23] : memref<73728x128xf32, #tpu.memory_space<hbm>> -> memref<72x128xf32, #tpu.memory_space<hbm>>
        %dma_start3A_25 = arith.constant 0 : i32
        %dma_start3A_26 = tpu.memref_slice %arg4[%mul3A_21, %dma_start3A_25] : memref<73728x128xf32, #tpu.memory_space<hbm>> -> memref<72x128xf32, #tpu.memory_space<hbm>>
        tpu.enqueue_dma source(%arg6 : memref<72x128xf32, #tpu.memory_space<vmem>>) target(%dma_start3A_26 : memref<72x128xf32, #tpu.memory_space<hbm>>) target_semaphore(%run_scoped3A : memref<!tpu.dma_semaphore, #tpu.memory_space<semaphore_mem>>)
        %dma_wait3A_27 = arith.constant 0 : i32
        %dma_wait3A_28 = tpu.memref_slice %arg4[%mul3A_21, %dma_wait3A_27] : memref<73728x128xf32, #tpu.memory_space<hbm>> -> memref<72x128xf32, #tpu.memory_space<hbm>>
        %dma_wait3A_29 = arith.constant 0 : i32
        %dma_wait3A_30 = tpu.memref_slice %arg4[%mul3A_21, %dma_wait3A_29] : memref<73728x128xf32, #tpu.memory_space<hbm>> -> memref<72x128xf32, #tpu.memory_space<hbm>>
        tpu.wait_dma2 semaphore(%run_scoped3A : memref<!tpu.dma_semaphore, #tpu.memory_space<semaphore_mem>>) src(%arg6 : memref<72x128xf32, #tpu.memory_space<vmem>>) dst(%dma_wait3A_30 : memref<72x128xf32, #tpu.memory_space<hbm>>)
        tpu.yield
      }) : () -> ()
      %scan3A_22 = arith.constant 0 : i32
      scf.yield %scan3A_22 : i32
    }
    %scan3A_6 = arith.constant 32 : i32
    return
  }
}

module attributes {stable_mosaic.version = 14 : i64} {
  func.func @_knn_body(%arg0: i32, %arg1: i32, %arg2: memref<1x4096x3xf32, #tpu.memory_space<vmem>>, %arg3: memref<1x256x3xf32, #tpu.memory_space<vmem>>, %arg4: memref<1x1x4096xf32, #tpu.memory_space<vmem>>, %arg5: memref<1x1x256x1xf32, #tpu.memory_space<vmem>>, %arg6: memref<1x256x9xi32, #tpu.memory_space<vmem>>) attributes {dimension_semantics = [#tpu.dimension_semantics<arbitrary>, #tpu.dimension_semantics<arbitrary>], iteration_bounds = array<i64: 2, 16>, scalar_prefetch = 0 : i64, scratch_operands = 0 : i64, tpu.core_type = #tpu.core_type<tc>, window_params = [{transform_indices = @transform_0, window_bounds = array<i64: 1, 4096, 3>}, {transform_indices = @transform_1, window_bounds = array<i64: 1, 256, 3>}, {transform_indices = @transform_2, window_bounds = array<i64: 1, 1, 4096>}, {transform_indices = @transform_3, window_bounds = array<i64: 1, 1, 256, 1>}, {transform_indices = @transform_4, window_bounds = array<i64: 1, 256, 9>}]} {
    %get3A = arith.constant 0 : index
    %get3A_0 = arith.constant 0 : index
    %get3A_1 = arith.constant 0 : index
    %get3A_2 = vector.load %arg2[%get3A, %get3A_0, %get3A_1] : memref<1x4096x3xf32, #tpu.memory_space<vmem>>, vector<1x4096x3xf32>
    %get3A_3 = vector.shape_cast %get3A_2 : vector<1x4096x3xf32> to vector<4096x3xf32>
    %get3A_4 = arith.constant 0 : index
    %get3A_5 = arith.constant 0 : index
    %get3A_6 = arith.constant 0 : index
    %get3A_7 = vector.load %arg3[%get3A_4, %get3A_5, %get3A_6] : memref<1x256x3xf32, #tpu.memory_space<vmem>>, vector<1x256x3xf32>
    %get3A_8 = vector.shape_cast %get3A_7 : vector<1x256x3xf32> to vector<256x3xf32>
    %get3A_9 = arith.constant 0 : index
    %get3A_10 = arith.constant 0 : index
    %get3A_11 = arith.constant 0 : index
    %get3A_12 = vector.load %arg4[%get3A_9, %get3A_10, %get3A_11] : memref<1x1x4096xf32, #tpu.memory_space<vmem>>, vector<1x1x4096xf32>
    %get3A_13 = vector.shape_cast %get3A_12 : vector<1x1x4096xf32> to vector<1x4096xf32>
    %get3A_14 = arith.constant 0 : index
    %get3A_15 = arith.constant 0 : index
    %get3A_16 = arith.constant 0 : index
    %get3A_17 = arith.constant 0 : index
    %get3A_18 = vector.load %arg5[%get3A_14, %get3A_15, %get3A_16, %get3A_17] : memref<1x1x256x1xf32, #tpu.memory_space<vmem>>, vector<1x1x256x1xf32>
    %get3A_19 = vector.shape_cast %get3A_18 : vector<1x1x256x1xf32> to vector<256x1xf32>
    %dot_general3A = arith.constant dense<0.000000e+00> : vector<256x4096xf32>
    %dot_general3A_20 = tpu.matmul %get3A_8, %get3A_3, %dot_general3A {dimension_numbers = #tpu.dot_dimension_numbers<[1], [1], [0], [0], [0, 0, 1, 0], [], []>, transpose_lhs_hint = false} : vector<256x3xf32>, vector<4096x3xf32>, vector<256x4096xf32> -> vector<256x4096xf32>
    %mul3A = arith.constant 2.000000e+00 : f32
    %mul3A_21 = vector.broadcast %mul3A : f32 to vector<256x4096xf32>
    %mul3A_22 = arith.mulf %mul3A_21, %dot_general3A_20 : vector<256x4096xf32>
    %sub3A = vector.broadcast %get3A_19 : vector<256x1xf32> to vector<256x4096xf32>
    %sub3A_23 = arith.subf %sub3A, %mul3A_22 : vector<256x4096xf32>
    %add3A = vector.broadcast %get3A_13 : vector<1x4096xf32> to vector<256x4096xf32>
    %add3A_24 = arith.addf %sub3A_23, %add3A : vector<256x4096xf32>
    %iota3A = tpu.iota {dimensions = array<i32: 1>} : vector<256x4096xi32>
    %mul3A_25 = arith.constant 256 : i32
    %mul3A_26 = arith.muli %arg1, %mul3A_25 : i32
    %iota3A_27 = tpu.iota {dimensions = array<i32: 0>} : vector<256x1xi32>
    %add3A_28 = vector.broadcast %mul3A_26 : i32 to vector<256x1xi32>
    %add3A_29 = arith.addi %add3A_28, %iota3A_27 : vector<256x1xi32>
    %eq3A = vector.broadcast %add3A_29 : vector<256x1xi32> to vector<256x4096xi32>
    %eq3A_30 = arith.cmpi eq, %iota3A, %eq3A : vector<256x4096xi32>
    %add3A_31 = arith.constant 1.000000e+10 : f32
    %add3A_32 = vector.broadcast %add3A_31 : f32 to vector<256x4096xf32>
    %add3A_33 = arith.addf %add3A_24, %add3A_32 : vector<256x4096xf32>
    %select_n3A = arith.select %eq3A_30, %add3A_33, %add3A_24 : vector<256x4096xi1>, vector<256x4096xf32>
    %reduce_min3A = arith.constant dense<0x7F800000> : vector<256xf32>
    %reduce_min3A_34 = vector.multi_reduction <minimumf>, %select_n3A, %reduce_min3A [1] : vector<256x4096xf32> to vector<256xf32>
    %broadcast_in_dim3A = vector.shape_cast %reduce_min3A_34 : vector<256xf32> to vector<256x1xf32>
    %eq3A_35 = vector.broadcast %broadcast_in_dim3A : vector<256x1xf32> to vector<256x4096xf32>
    %eq3A_36 = arith.cmpf oeq, %select_n3A, %eq3A_35 : vector<256x4096xf32>
    %jit3A = arith.constant 4096 : i32
    %broadcast_in_dim3A_37 = vector.broadcast %jit3A : i32 to vector<256x4096xi32>
    %select_n3A_38 = arith.select %eq3A_36, %iota3A, %broadcast_in_dim3A_37 : vector<256x4096xi1>, vector<256x4096xi32>
    %reduce_min3A_39 = arith.constant dense<2147483647> : vector<256xi32>
    %reduce_min3A_40 = vector.multi_reduction <minsi>, %select_n3A_38, %reduce_min3A_39 [1] : vector<256x4096xi32> to vector<256xi32>
    %broadcast_in_dim3A_41 = vector.shape_cast %reduce_min3A_40 : vector<256xi32> to vector<256x1xi32>
    %eq3A_42 = vector.broadcast %broadcast_in_dim3A_41 : vector<256x1xi32> to vector<256x4096xi32>
    %eq3A_43 = arith.cmpi eq, %iota3A, %eq3A_42 : vector<256x4096xi32>
    %jit3A_44 = arith.constant 3.000000e+10 : f32
    %broadcast_in_dim3A_45 = vector.broadcast %jit3A_44 : f32 to vector<256x4096xf32>
    %select_n3A_46 = arith.select %eq3A_43, %broadcast_in_dim3A_45, %select_n3A : vector<256x4096xi1>, vector<256x4096xf32>
    %reduce_min3A_47 = arith.constant dense<0x7F800000> : vector<256xf32>
    %reduce_min3A_48 = vector.multi_reduction <minimumf>, %select_n3A_46, %reduce_min3A_47 [1] : vector<256x4096xf32> to vector<256xf32>
    %broadcast_in_dim3A_49 = vector.shape_cast %reduce_min3A_48 : vector<256xf32> to vector<256x1xf32>
    %eq3A_50 = vector.broadcast %broadcast_in_dim3A_49 : vector<256x1xf32> to vector<256x4096xf32>
    %eq3A_51 = arith.cmpf oeq, %select_n3A_46, %eq3A_50 : vector<256x4096xf32>
    %jit3A_52 = arith.constant 4096 : i32
    %broadcast_in_dim3A_53 = vector.broadcast %jit3A_52 : i32 to vector<256x4096xi32>
    %select_n3A_54 = arith.select %eq3A_51, %iota3A, %broadcast_in_dim3A_53 : vector<256x4096xi1>, vector<256x4096xi32>
    %reduce_min3A_55 = arith.constant dense<2147483647> : vector<256xi32>
    %reduce_min3A_56 = vector.multi_reduction <minsi>, %select_n3A_54, %reduce_min3A_55 [1] : vector<256x4096xi32> to vector<256xi32>
    %broadcast_in_dim3A_57 = vector.shape_cast %reduce_min3A_56 : vector<256xi32> to vector<256x1xi32>
    %eq3A_58 = vector.broadcast %broadcast_in_dim3A_57 : vector<256x1xi32> to vector<256x4096xi32>
    %eq3A_59 = arith.cmpi eq, %iota3A, %eq3A_58 : vector<256x4096xi32>
    %jit3A_60 = arith.constant 3.000000e+10 : f32
    %broadcast_in_dim3A_61 = vector.broadcast %jit3A_60 : f32 to vector<256x4096xf32>
    %select_n3A_62 = arith.select %eq3A_59, %broadcast_in_dim3A_61, %select_n3A_46 : vector<256x4096xi1>, vector<256x4096xf32>
    %reduce_min3A_63 = arith.constant dense<0x7F800000> : vector<256xf32>
    %reduce_min3A_64 = vector.multi_reduction <minimumf>, %select_n3A_62, %reduce_min3A_63 [1] : vector<256x4096xf32> to vector<256xf32>
    %broadcast_in_dim3A_65 = vector.shape_cast %reduce_min3A_64 : vector<256xf32> to vector<256x1xf32>
    %eq3A_66 = vector.broadcast %broadcast_in_dim3A_65 : vector<256x1xf32> to vector<256x4096xf32>
    %eq3A_67 = arith.cmpf oeq, %select_n3A_62, %eq3A_66 : vector<256x4096xf32>
    %jit3A_68 = arith.constant 4096 : i32
    %broadcast_in_dim3A_69 = vector.broadcast %jit3A_68 : i32 to vector<256x4096xi32>
    %select_n3A_70 = arith.select %eq3A_67, %iota3A, %broadcast_in_dim3A_69 : vector<256x4096xi1>, vector<256x4096xi32>
    %reduce_min3A_71 = arith.constant dense<2147483647> : vector<256xi32>
    %reduce_min3A_72 = vector.multi_reduction <minsi>, %select_n3A_70, %reduce_min3A_71 [1] : vector<256x4096xi32> to vector<256xi32>
    %broadcast_in_dim3A_73 = vector.shape_cast %reduce_min3A_72 : vector<256xi32> to vector<256x1xi32>
    %eq3A_74 = vector.broadcast %broadcast_in_dim3A_73 : vector<256x1xi32> to vector<256x4096xi32>
    %eq3A_75 = arith.cmpi eq, %iota3A, %eq3A_74 : vector<256x4096xi32>
    %jit3A_76 = arith.constant 3.000000e+10 : f32
    %broadcast_in_dim3A_77 = vector.broadcast %jit3A_76 : f32 to vector<256x4096xf32>
    %select_n3A_78 = arith.select %eq3A_75, %broadcast_in_dim3A_77, %select_n3A_62 : vector<256x4096xi1>, vector<256x4096xf32>
    %reduce_min3A_79 = arith.constant dense<0x7F800000> : vector<256xf32>
    %reduce_min3A_80 = vector.multi_reduction <minimumf>, %select_n3A_78, %reduce_min3A_79 [1] : vector<256x4096xf32> to vector<256xf32>
    %broadcast_in_dim3A_81 = vector.shape_cast %reduce_min3A_80 : vector<256xf32> to vector<256x1xf32>
    %eq3A_82 = vector.broadcast %broadcast_in_dim3A_81 : vector<256x1xf32> to vector<256x4096xf32>
    %eq3A_83 = arith.cmpf oeq, %select_n3A_78, %eq3A_82 : vector<256x4096xf32>
    %jit3A_84 = arith.constant 4096 : i32
    %broadcast_in_dim3A_85 = vector.broadcast %jit3A_84 : i32 to vector<256x4096xi32>
    %select_n3A_86 = arith.select %eq3A_83, %iota3A, %broadcast_in_dim3A_85 : vector<256x4096xi1>, vector<256x4096xi32>
    %reduce_min3A_87 = arith.constant dense<2147483647> : vector<256xi32>
    %reduce_min3A_88 = vector.multi_reduction <minsi>, %select_n3A_86, %reduce_min3A_87 [1] : vector<256x4096xi32> to vector<256xi32>
    %broadcast_in_dim3A_89 = vector.shape_cast %reduce_min3A_88 : vector<256xi32> to vector<256x1xi32>
    %eq3A_90 = vector.broadcast %broadcast_in_dim3A_89 : vector<256x1xi32> to vector<256x4096xi32>
    %eq3A_91 = arith.cmpi eq, %iota3A, %eq3A_90 : vector<256x4096xi32>
    %jit3A_92 = arith.constant 3.000000e+10 : f32
    %broadcast_in_dim3A_93 = vector.broadcast %jit3A_92 : f32 to vector<256x4096xf32>
    %select_n3A_94 = arith.select %eq3A_91, %broadcast_in_dim3A_93, %select_n3A_78 : vector<256x4096xi1>, vector<256x4096xf32>
    %reduce_min3A_95 = arith.constant dense<0x7F800000> : vector<256xf32>
    %reduce_min3A_96 = vector.multi_reduction <minimumf>, %select_n3A_94, %reduce_min3A_95 [1] : vector<256x4096xf32> to vector<256xf32>
    %broadcast_in_dim3A_97 = vector.shape_cast %reduce_min3A_96 : vector<256xf32> to vector<256x1xf32>
    %eq3A_98 = vector.broadcast %broadcast_in_dim3A_97 : vector<256x1xf32> to vector<256x4096xf32>
    %eq3A_99 = arith.cmpf oeq, %select_n3A_94, %eq3A_98 : vector<256x4096xf32>
    %jit3A_100 = arith.constant 4096 : i32
    %broadcast_in_dim3A_101 = vector.broadcast %jit3A_100 : i32 to vector<256x4096xi32>
    %select_n3A_102 = arith.select %eq3A_99, %iota3A, %broadcast_in_dim3A_101 : vector<256x4096xi1>, vector<256x4096xi32>
    %reduce_min3A_103 = arith.constant dense<2147483647> : vector<256xi32>
    %reduce_min3A_104 = vector.multi_reduction <minsi>, %select_n3A_102, %reduce_min3A_103 [1] : vector<256x4096xi32> to vector<256xi32>
    %broadcast_in_dim3A_105 = vector.shape_cast %reduce_min3A_104 : vector<256xi32> to vector<256x1xi32>
    %eq3A_106 = vector.broadcast %broadcast_in_dim3A_105 : vector<256x1xi32> to vector<256x4096xi32>
    %eq3A_107 = arith.cmpi eq, %iota3A, %eq3A_106 : vector<256x4096xi32>
    %jit3A_108 = arith.constant 3.000000e+10 : f32
    %broadcast_in_dim3A_109 = vector.broadcast %jit3A_108 : f32 to vector<256x4096xf32>
    %select_n3A_110 = arith.select %eq3A_107, %broadcast_in_dim3A_109, %select_n3A_94 : vector<256x4096xi1>, vector<256x4096xf32>
    %reduce_min3A_111 = arith.constant dense<0x7F800000> : vector<256xf32>
    %reduce_min3A_112 = vector.multi_reduction <minimumf>, %select_n3A_110, %reduce_min3A_111 [1] : vector<256x4096xf32> to vector<256xf32>
    %broadcast_in_dim3A_113 = vector.shape_cast %reduce_min3A_112 : vector<256xf32> to vector<256x1xf32>
    %eq3A_114 = vector.broadcast %broadcast_in_dim3A_113 : vector<256x1xf32> to vector<256x4096xf32>
    %eq3A_115 = arith.cmpf oeq, %select_n3A_110, %eq3A_114 : vector<256x4096xf32>
    %jit3A_116 = arith.constant 4096 : i32
    %broadcast_in_dim3A_117 = vector.broadcast %jit3A_116 : i32 to vector<256x4096xi32>
    %select_n3A_118 = arith.select %eq3A_115, %iota3A, %broadcast_in_dim3A_117 : vector<256x4096xi1>, vector<256x4096xi32>
    %reduce_min3A_119 = arith.constant dense<2147483647> : vector<256xi32>
    %reduce_min3A_120 = vector.multi_reduction <minsi>, %select_n3A_118, %reduce_min3A_119 [1] : vector<256x4096xi32> to vector<256xi32>
    %broadcast_in_dim3A_121 = vector.shape_cast %reduce_min3A_120 : vector<256xi32> to vector<256x1xi32>
    %eq3A_122 = vector.broadcast %broadcast_in_dim3A_121 : vector<256x1xi32> to vector<256x4096xi32>
    %eq3A_123 = arith.cmpi eq, %iota3A, %eq3A_122 : vector<256x4096xi32>
    %jit3A_124 = arith.constant 3.000000e+10 : f32
    %broadcast_in_dim3A_125 = vector.broadcast %jit3A_124 : f32 to vector<256x4096xf32>
    %select_n3A_126 = arith.select %eq3A_123, %broadcast_in_dim3A_125, %select_n3A_110 : vector<256x4096xi1>, vector<256x4096xf32>
    %reduce_min3A_127 = arith.constant dense<0x7F800000> : vector<256xf32>
    %reduce_min3A_128 = vector.multi_reduction <minimumf>, %select_n3A_126, %reduce_min3A_127 [1] : vector<256x4096xf32> to vector<256xf32>
    %broadcast_in_dim3A_129 = vector.shape_cast %reduce_min3A_128 : vector<256xf32> to vector<256x1xf32>
    %eq3A_130 = vector.broadcast %broadcast_in_dim3A_129 : vector<256x1xf32> to vector<256x4096xf32>
    %eq3A_131 = arith.cmpf oeq, %select_n3A_126, %eq3A_130 : vector<256x4096xf32>
    %jit3A_132 = arith.constant 4096 : i32
    %broadcast_in_dim3A_133 = vector.broadcast %jit3A_132 : i32 to vector<256x4096xi32>
    %select_n3A_134 = arith.select %eq3A_131, %iota3A, %broadcast_in_dim3A_133 : vector<256x4096xi1>, vector<256x4096xi32>
    %reduce_min3A_135 = arith.constant dense<2147483647> : vector<256xi32>
    %reduce_min3A_136 = vector.multi_reduction <minsi>, %select_n3A_134, %reduce_min3A_135 [1] : vector<256x4096xi32> to vector<256xi32>
    %broadcast_in_dim3A_137 = vector.shape_cast %reduce_min3A_136 : vector<256xi32> to vector<256x1xi32>
    %eq3A_138 = vector.broadcast %broadcast_in_dim3A_137 : vector<256x1xi32> to vector<256x4096xi32>
    %eq3A_139 = arith.cmpi eq, %iota3A, %eq3A_138 : vector<256x4096xi32>
    %jit3A_140 = arith.constant 3.000000e+10 : f32
    %broadcast_in_dim3A_141 = vector.broadcast %jit3A_140 : f32 to vector<256x4096xf32>
    %select_n3A_142 = arith.select %eq3A_139, %broadcast_in_dim3A_141, %select_n3A_126 : vector<256x4096xi1>, vector<256x4096xf32>
    %reduce_min3A_143 = arith.constant dense<0x7F800000> : vector<256xf32>
    %reduce_min3A_144 = vector.multi_reduction <minimumf>, %select_n3A_142, %reduce_min3A_143 [1] : vector<256x4096xf32> to vector<256xf32>
    %broadcast_in_dim3A_145 = vector.shape_cast %reduce_min3A_144 : vector<256xf32> to vector<256x1xf32>
    %eq3A_146 = vector.broadcast %broadcast_in_dim3A_145 : vector<256x1xf32> to vector<256x4096xf32>
    %eq3A_147 = arith.cmpf oeq, %select_n3A_142, %eq3A_146 : vector<256x4096xf32>
    %jit3A_148 = arith.constant 4096 : i32
    %broadcast_in_dim3A_149 = vector.broadcast %jit3A_148 : i32 to vector<256x4096xi32>
    %select_n3A_150 = arith.select %eq3A_147, %iota3A, %broadcast_in_dim3A_149 : vector<256x4096xi1>, vector<256x4096xi32>
    %reduce_min3A_151 = arith.constant dense<2147483647> : vector<256xi32>
    %reduce_min3A_152 = vector.multi_reduction <minsi>, %select_n3A_150, %reduce_min3A_151 [1] : vector<256x4096xi32> to vector<256xi32>
    %broadcast_in_dim3A_153 = vector.shape_cast %reduce_min3A_152 : vector<256xi32> to vector<256x1xi32>
    %eq3A_154 = vector.broadcast %broadcast_in_dim3A_153 : vector<256x1xi32> to vector<256x4096xi32>
    %eq3A_155 = arith.cmpi eq, %iota3A, %eq3A_154 : vector<256x4096xi32>
    %jit3A_156 = arith.constant 3.000000e+10 : f32
    %broadcast_in_dim3A_157 = vector.broadcast %jit3A_156 : f32 to vector<256x4096xf32>
    %select_n3A_158 = arith.select %eq3A_155, %broadcast_in_dim3A_157, %select_n3A_142 : vector<256x4096xi1>, vector<256x4096xf32>
    %reduce_min3A_159 = arith.constant dense<0x7F800000> : vector<256xf32>
    %reduce_min3A_160 = vector.multi_reduction <minimumf>, %select_n3A_158, %reduce_min3A_159 [1] : vector<256x4096xf32> to vector<256xf32>
    %broadcast_in_dim3A_161 = vector.shape_cast %reduce_min3A_160 : vector<256xf32> to vector<256x1xf32>
    %eq3A_162 = vector.broadcast %broadcast_in_dim3A_161 : vector<256x1xf32> to vector<256x4096xf32>
    %eq3A_163 = arith.cmpf oeq, %select_n3A_158, %eq3A_162 : vector<256x4096xf32>
    %jit3A_164 = arith.constant 4096 : i32
    %broadcast_in_dim3A_165 = vector.broadcast %jit3A_164 : i32 to vector<256x4096xi32>
    %select_n3A_166 = arith.select %eq3A_163, %iota3A, %broadcast_in_dim3A_165 : vector<256x4096xi1>, vector<256x4096xi32>
    %reduce_min3A_167 = arith.constant dense<2147483647> : vector<256xi32>
    %reduce_min3A_168 = vector.multi_reduction <minsi>, %select_n3A_166, %reduce_min3A_167 [1] : vector<256x4096xi32> to vector<256xi32>
    %broadcast_in_dim3A_169 = vector.shape_cast %reduce_min3A_168 : vector<256xi32> to vector<256x1xi32>
    %concatenate3A = tpu.concatenate %broadcast_in_dim3A_41, %broadcast_in_dim3A_57, %broadcast_in_dim3A_73, %broadcast_in_dim3A_89, %broadcast_in_dim3A_105, %broadcast_in_dim3A_121, %broadcast_in_dim3A_137, %broadcast_in_dim3A_153, %broadcast_in_dim3A_169 in 1 : vector<256x1xi32>, vector<256x1xi32>, vector<256x1xi32>, vector<256x1xi32>, vector<256x1xi32>, vector<256x1xi32>, vector<256x1xi32>, vector<256x1xi32>, vector<256x1xi32> -> vector<256x9xi32>
    %mul3A_170 = arith.constant 4096 : i32
    %mul3A_171 = arith.muli %arg0, %mul3A_170 : i32
    %add3A_172 = vector.broadcast %mul3A_171 : i32 to vector<256x9xi32>
    %add3A_173 = arith.addi %concatenate3A, %add3A_172 : vector<256x9xi32>
    %swap3A = arith.constant 0 : index
    %swap3A_174 = arith.constant 0 : index
    %swap3A_175 = arith.constant 0 : index
    %swap3A_176 = vector.load %arg6[%swap3A, %swap3A_174, %swap3A_175] : memref<1x256x9xi32, #tpu.memory_space<vmem>>, vector<1x256x9xi32>
    %swap3A_177 = vector.shape_cast %swap3A_176 : vector<1x256x9xi32> to vector<256x9xi32>
    %swap3A_178 = vector.shape_cast %add3A_173 : vector<256x9xi32> to vector<1x256x9xi32>
    tpu.vector_store %arg6[%swap3A, %swap3A_174, %swap3A_175], %swap3A_178 {strides = array<i32>} : memref<1x256x9xi32, #tpu.memory_space<vmem>>, vector<1x256x9xi32>,
    return
  }
  func.func @transform_0(%arg0: i32, %arg1: i32) -> (i32, i32, i32) {
    %c0_i32 = arith.constant 0 : i32
    %c0_i32_0 = arith.constant 0 : i32
    %c0_i32_1 = arith.constant 0 : i32
    return %arg0, %c0_i32, %c0_i32_0 : i32, i32, i32
  }
  func.func @transform_1(%arg0: i32, %arg1: i32) -> (i32, i32, i32) {
    %c0_i32 = arith.constant 0 : i32
    %c0_i32_0 = arith.constant 0 : i32
    return %arg0, %arg1, %c0_i32 : i32, i32, i32
  }
  func.func @transform_2(%arg0: i32, %arg1: i32) -> (i32, i32, i32) {
    %c0_i32 = arith.constant 0 : i32
    %c0_i32_0 = arith.constant 0 : i32
    %c0_i32_1 = arith.constant 0 : i32
    return %arg0, %c0_i32, %c0_i32_0 : i32, i32, i32
  }
  func.func @transform_3(%arg0: i32, %arg1: i32) -> (i32, i32, i32, i32) {
    %c0_i32 = arith.constant 0 : i32
    %c0_i32_0 = arith.constant 0 : i32
    %c0_i32_1 = arith.constant 0 : i32
    return %arg0, %arg1, %c0_i32, %c0_i32_0 : i32, i32, i32, i32
  }
  func.func @transform_4(%arg0: i32, %arg1: i32) -> (i32, i32, i32) {
    %c0_i32 = arith.constant 0 : i32
    %c0_i32_0 = arith.constant 0 : i32
    return %arg0, %arg1, %c0_i32 : i32, i32, i32
  }
}

module attributes {stable_mosaic.version = 14 : i64} {
  func.func @_hmax_body(%arg0: i32, %arg1: memref<512x3xf32, #tpu.memory_space<vmem>>, %arg2: memref<4608x128xf32, #tpu.memory_space<vmem>>, %arg3: memref<6x3xf32, #tpu.memory_space<vmem>>, %arg4: memref<512x3xf32, #tpu.memory_space<vmem>>, %arg5: memref<1x3x4608xf32, #tpu.memory_space<vmem>>) attributes {dimension_semantics = [#tpu.dimension_semantics<arbitrary>], iteration_bounds = array<i64: 16>, scalar_prefetch = 0 : i64, scratch_operands = 0 : i64, tpu.core_type = #tpu.core_type<tc>, window_params = [{transform_indices = @transform_0, window_bounds = array<i64: 512, 3>}, {transform_indices = @transform_1, window_bounds = array<i64: 4608, 128>}, {pipeline_mode = #tpu.pipeline_mode<synchronous>, transform_indices = @transform_2, window_bounds = array<i64: 6, 3>}, {transform_indices = @transform_3, window_bounds = array<i64: 512, 3>}, {transform_indices = @transform_4, window_bounds = array<i64: 1, 3, 4608>}]} {
    %get3A = arith.constant 0 : index
    %get3A_0 = arith.constant 0 : index
    %get3A_1 = vector.load %arg1[%get3A, %get3A_0] : memref<512x3xf32, #tpu.memory_space<vmem>>, vector<512x3xf32>
    %broadcast_in_dim3A = vector.shape_cast %get3A_1 : vector<512x3xf32> to vector<512x1x3xf32>
    %broadcast_in_dim3A_2 = vector.shape_cast %broadcast_in_dim3A : vector<512x1x3xf32> to vector<512x1x3xf32>
    %broadcast_in_dim3A_3 = vector.broadcast %broadcast_in_dim3A_2 : vector<512x1x3xf32> to vector<512x9x3xf32>
    %reshape3A = vector.shape_cast %broadcast_in_dim3A_3 : vector<512x9x3xf32> to vector<4608x3xf32>
    %get3A_4 = arith.constant 0 : index
    %get3A_5 = arith.constant 0 : index
    %get3A_6 = vector.load %arg2[%get3A_4, %get3A_5] : memref<4608x128xf32, #tpu.memory_space<vmem>>, vector<4608x3xf32>
    %sub3A = arith.subf %get3A_6, %reshape3A : vector<4608x3xf32>
    %concatenate3A = tpu.concatenate %reshape3A, %sub3A in 1 : vector<4608x3xf32>, vector<4608x3xf32> -> vector<4608x6xf32>
    %get3A_7 = arith.constant 0 : index
    %get3A_8 = arith.constant 0 : index
    %get3A_9 = vector.load %arg3[%get3A_7, %get3A_8] : memref<6x3xf32, #tpu.memory_space<vmem>>, vector<6x3xf32>
    %dot_general3A = arith.constant dense<0.000000e+00> : vector<4608x3xf32>
    %dot_general3A_10 = tpu.matmul %concatenate3A, %get3A_9, %dot_general3A {dimension_numbers = #tpu.dot_dimension_numbers<[1], [0], [0], [1], [0, 0, 1, 1], [], []>, transpose_lhs_hint = false} : vector<4608x6xf32>, vector<6x3xf32>, vector<4608x3xf32> -> vector<4608x3xf32>
    %reshape3A_11 = vector.shape_cast %dot_general3A_10 : vector<4608x3xf32> to vector<512x9x3xf32>
    %reduce_max3A = arith.constant dense<0xFF800000> : vector<512x3xf32>
    %reduce_max3A_12 = vector.multi_reduction <maximumf>, %reshape3A_11, %reduce_max3A [1] : vector<512x9x3xf32> to vector<512x3xf32>
    %swap3A = arith.constant 0 : index
    %swap3A_13 = arith.constant 0 : index
    %swap3A_14 = vector.load %arg4[%swap3A, %swap3A_13] : memref<512x3xf32, #tpu.memory_space<vmem>>, vector<512x3xf32>
    tpu.vector_store %arg4[%swap3A, %swap3A_13], %reduce_max3A_12 {strides = array<i32>} : memref<512x3xf32, #tpu.memory_space<vmem>>, vector<512x3xf32>,
    %transpose3A = tpu.transpose %dot_general3A_10, [1, 0] : vector<4608x3xf32> -> vector<3x4608xf32>
    %swap3A_15 = arith.constant 0 : index
    %swap3A_16 = arith.constant 0 : index
    %swap3A_17 = arith.constant 0 : index
    %swap3A_18 = vector.load %arg5[%swap3A_15, %swap3A_16, %swap3A_17] : memref<1x3x4608xf32, #tpu.memory_space<vmem>>, vector<1x3x4608xf32>
    %swap3A_19 = vector.shape_cast %swap3A_18 : vector<1x3x4608xf32> to vector<3x4608xf32>
    %swap3A_20 = vector.shape_cast %transpose3A : vector<3x4608xf32> to vector<1x3x4608xf32>
    tpu.vector_store %arg5[%swap3A_15, %swap3A_16, %swap3A_17], %swap3A_20 {strides = array<i32>} : memref<1x3x4608xf32, #tpu.memory_space<vmem>>, vector<1x3x4608xf32>,
    return
  }
  func.func @transform_0(%arg0: i32) -> (i32, i32) {
    %c0_i32 = arith.constant 0 : i32
    %c0_i32_0 = arith.constant 0 : i32
    return %arg0, %c0_i32 : i32, i32
  }
  func.func @transform_1(%arg0: i32) -> (i32, i32) {
    %c0_i32 = arith.constant 0 : i32
    %c0_i32_0 = arith.constant 0 : i32
    return %arg0, %c0_i32 : i32, i32
  }
  func.func @transform_2(%arg0: i32) -> (i32, i32) {
    %c0_i32 = arith.constant 0 : i32
    %c0_i32_0 = arith.constant 0 : i32
    %c0_i32_1 = arith.constant 0 : i32
    return %c0_i32, %c0_i32_0 : i32, i32
  }
  func.func @transform_3(%arg0: i32) -> (i32, i32) {
    %c0_i32 = arith.constant 0 : i32
    %c0_i32_0 = arith.constant 0 : i32
    return %arg0, %c0_i32 : i32, i32
  }
  func.func @transform_4(%arg0: i32) -> (i32, i32, i32) {
    %jit3A = arith.constant 8 : i32
    %div3A = arith.divsi %arg0, %jit3A : i32
    %sign3A = arith.constant 0 : i32
    %sign3A_0 = arith.cmpi sgt, %arg0, %sign3A : i32
    %sign3A_1 = arith.extui %sign3A_0 : i1 to i32
    %sign3A_2 = arith.constant 0 : i32
    %sign3A_3 = arith.cmpi slt, %arg0, %sign3A_2 : i32
    %sign3A_4 = arith.extui %sign3A_3 : i1 to i32
    %sign3A_5 = arith.subi %sign3A_1, %sign3A_4 : i32
    %sign3A_6 = arith.constant 0 : i32
    %sign3A_7 = arith.cmpi sgt, %jit3A, %sign3A_6 : i32
    %sign3A_8 = arith.extui %sign3A_7 : i1 to i32
    %sign3A_9 = arith.constant 0 : i32
    %sign3A_10 = arith.cmpi slt, %jit3A, %sign3A_9 : i32
    %sign3A_11 = arith.extui %sign3A_10 : i1 to i32
    %sign3A_12 = arith.subi %sign3A_8, %sign3A_11 : i32
    %ne3A = arith.cmpi ne, %sign3A_5, %sign3A_12 : i32
    %rem3A = arith.remsi %arg0, %jit3A : i32
    %ne3A_13 = arith.constant 0 : i32
    %ne3A_14 = arith.cmpi ne, %rem3A, %ne3A_13 : i32
    %and3A = arith.andi %ne3A, %ne3A_14 : i1
    %sub3A = arith.constant 1 : i32
    %sub3A_15 = arith.subi %div3A, %sub3A : i32
    %select_n3A = arith.select %and3A, %sub3A_15, %div3A : i32
    %jit3A_16 = arith.constant 8 : i32
    %eq3A = arith.constant 0 : i32
    %eq3A_17 = arith.cmpi eq, %jit3A_16, %eq3A : i32
    %jit3A_18 = arith.constant 1 : i32
    %select_n3A_19 = arith.select %eq3A_17, %jit3A_18, %jit3A_16 : i32
    %rem3A_20 = arith.remsi %arg0, %select_n3A_19 : i32
    %ne3A_21 = arith.constant 0 : i32
    %ne3A_22 = arith.cmpi ne, %rem3A_20, %ne3A_21 : i32
    %lt3A = arith.constant 0 : i32
    %lt3A_23 = arith.cmpi slt, %rem3A_20, %lt3A : i32
    %lt3A_24 = arith.constant 0 : i32
    %lt3A_25 = arith.cmpi slt, %select_n3A_19, %lt3A_24 : i32
    %ne3A_26 = arith.xori %lt3A_23, %lt3A_25 : i1
    %and3A_27 = arith.andi %ne3A_26, %ne3A_22 : i1
    %add3A = arith.addi %rem3A_20, %select_n3A_19 : i32
    %select_n3A_28 = arith.select %and3A_27, %add3A, %rem3A_20 : i32
    %c0_i32 = arith.constant 0 : i32
    %c0_i32_29 = arith.constant 0 : i32
    return %select_n3A, %c0_i32, %select_n3A_28 : i32, i32, i32
  }
}

module attributes {stable_mosaic.version = 14 : i64} {
  func.func @_edge_body(%arg0: i32, %arg1: i32, %arg2: memref<1x1024x3xf32, #tpu.memory_space<vmem>>, %arg3: memref<1x3xf32, #tpu.memory_space<vmem>>, %arg4: memref<1x3xf32, #tpu.memory_space<vmem>>, %arg5: memref<1x1024x3xf32, #tpu.memory_space<vmem>>) attributes {dimension_semantics = [#tpu.dimension_semantics<arbitrary>, #tpu.dimension_semantics<arbitrary>], iteration_bounds = array<i64: 2, 4>, scalar_prefetch = 0 : i64, scratch_operands = 0 : i64, tpu.core_type = #tpu.core_type<tc>, window_params = [{transform_indices = @transform_0, window_bounds = array<i64: 1, 1024, 3>}, {pipeline_mode = #tpu.pipeline_mode<synchronous>, transform_indices = @transform_1, window_bounds = array<i64: 1, 3>}, {pipeline_mode = #tpu.pipeline_mode<synchronous>, transform_indices = @transform_2, window_bounds = array<i64: 1, 3>}, {transform_indices = @transform_3, window_bounds = array<i64: 1, 1024, 3>}]} {
    %get3A = arith.constant 0 : index
    %get3A_0 = arith.constant 0 : index
    %get3A_1 = vector.load %arg4[%get3A, %get3A_0] : memref<1x3xf32, #tpu.memory_space<vmem>>, vector<1x3xf32>
    %add3A = arith.constant 9.99999974E-6 : f32
    %add3A_2 = vector.broadcast %add3A : f32 to vector<1x3xf32>
    %add3A_3 = arith.addf %get3A_1, %add3A_2 : vector<1x3xf32>
    %sqrt3A = math.sqrt %add3A_3 : vector<1x3xf32>
    %get3A_4 = arith.constant 0 : index
    %get3A_5 = arith.constant 0 : index
    %get3A_6 = arith.constant 0 : index
    %get3A_7 = vector.load %arg2[%get3A_4, %get3A_5, %get3A_6] : memref<1x1024x3xf32, #tpu.memory_space<vmem>>, vector<1x1024x3xf32>
    %get3A_8 = vector.shape_cast %get3A_7 : vector<1x1024x3xf32> to vector<1024x3xf32>
    %get3A_9 = arith.constant 0 : index
    %get3A_10 = arith.constant 0 : index
    %get3A_11 = vector.load %arg3[%get3A_9, %get3A_10] : memref<1x3xf32, #tpu.memory_space<vmem>>, vector<1x3xf32>
    %sub3A = vector.broadcast %get3A_11 : vector<1x3xf32> to vector<1024x3xf32>
    %sub3A_12 = arith.subf %get3A_8, %sub3A : vector<1024x3xf32>
    %div3A = vector.broadcast %sqrt3A : vector<1x3xf32> to vector<1024x3xf32>
    %div3A_13 = arith.divf %sub3A_12, %div3A : vector<1024x3xf32>
    %ge3A = arith.constant 0.000000e+00 : f32
    %ge3A_14 = vector.broadcast %ge3A : f32 to vector<1024x3xf32>
    %ge3A_15 = arith.cmpf oge, %div3A_13, %ge3A_14 : vector<1024x3xf32>
    %mul3A = arith.constant 2.000000e-01 : f32
    %mul3A_16 = vector.broadcast %mul3A : f32 to vector<1024x3xf32>
    %mul3A_17 = arith.mulf %mul3A_16, %div3A_13 : vector<1024x3xf32>
    %select_n3A = arith.select %ge3A_15, %div3A_13, %mul3A_17 : vector<1024x3xi1>, vector<1024x3xf32>
    %swap3A = arith.constant 0 : index
    %swap3A_18 = arith.constant 0 : index
    %swap3A_19 = arith.constant 0 : index
    %swap3A_20 = vector.load %arg5[%swap3A, %swap3A_18, %swap3A_19] : memref<1x1024x3xf32, #tpu.memory_space<vmem>>, vector<1x1024x3xf32>
    %swap3A_21 = vector.shape_cast %swap3A_20 : vector<1x1024x3xf32> to vector<1024x3xf32>
    %swap3A_22 = vector.shape_cast %select_n3A : vector<1024x3xf32> to vector<1x1024x3xf32>
    tpu.vector_store %arg5[%swap3A, %swap3A_18, %swap3A_19], %swap3A_22 {strides = array<i32>} : memref<1x1024x3xf32, #tpu.memory_space<vmem>>, vector<1x1024x3xf32>,
    return
  }
  func.func @transform_0(%arg0: i32, %arg1: i32) -> (i32, i32, i32) {
    %c0_i32 = arith.constant 0 : i32
    %c0_i32_0 = arith.constant 0 : i32
    return %arg0, %arg1, %c0_i32 : i32, i32, i32
  }
  func.func @transform_1(%arg0: i32, %arg1: i32) -> (i32, i32) {
    %c0_i32 = arith.constant 0 : i32
    %c0_i32_0 = arith.constant 0 : i32
    %c0_i32_1 = arith.constant 0 : i32
    return %c0_i32, %c0_i32_0 : i32, i32
  }
  func.func @transform_2(%arg0: i32, %arg1: i32) -> (i32, i32) {
    %c0_i32 = arith.constant 0 : i32
    %c0_i32_0 = arith.constant 0 : i32
    %c0_i32_1 = arith.constant 0 : i32
    return %c0_i32, %c0_i32_0 : i32, i32
  }
  func.func @transform_3(%arg0: i32, %arg1: i32) -> (i32, i32, i32) {
    %c0_i32 = arith.constant 0 : i32
    %c0_i32_0 = arith.constant 0 : i32
    return %arg0, %arg1, %c0_i32 : i32, i32, i32
  }
}

module attributes {stable_mosaic.version = 14 : i64} {
  func.func @_knn_body(%arg0: i32, %arg1: i32, %arg2: memref<1x4096x64xf32, #tpu.memory_space<vmem>>, %arg3: memref<1x256x64xf32, #tpu.memory_space<vmem>>, %arg4: memref<1x1x4096xf32, #tpu.memory_space<vmem>>, %arg5: memref<1x1x256x1xf32, #tpu.memory_space<vmem>>, %arg6: memref<1x256x9xi32, #tpu.memory_space<vmem>>) attributes {dimension_semantics = [#tpu.dimension_semantics<arbitrary>, #tpu.dimension_semantics<arbitrary>], iteration_bounds = array<i64: 2, 16>, scalar_prefetch = 0 : i64, scratch_operands = 0 : i64, tpu.core_type = #tpu.core_type<tc>, window_params = [{transform_indices = @transform_0, window_bounds = array<i64: 1, 4096, 64>}, {transform_indices = @transform_1, window_bounds = array<i64: 1, 256, 64>}, {transform_indices = @transform_2, window_bounds = array<i64: 1, 1, 4096>}, {transform_indices = @transform_3, window_bounds = array<i64: 1, 1, 256, 1>}, {transform_indices = @transform_4, window_bounds = array<i64: 1, 256, 9>}]} {
    %get3A = arith.constant 0 : index
    %get3A_0 = arith.constant 0 : index
    %get3A_1 = arith.constant 0 : index
    %get3A_2 = vector.load %arg2[%get3A, %get3A_0, %get3A_1] : memref<1x4096x64xf32, #tpu.memory_space<vmem>>, vector<1x4096x64xf32>
    %get3A_3 = vector.shape_cast %get3A_2 : vector<1x4096x64xf32> to vector<4096x64xf32>
    %get3A_4 = arith.constant 0 : index
    %get3A_5 = arith.constant 0 : index
    %get3A_6 = arith.constant 0 : index
    %get3A_7 = vector.load %arg3[%get3A_4, %get3A_5, %get3A_6] : memref<1x256x64xf32, #tpu.memory_space<vmem>>, vector<1x256x64xf32>
    %get3A_8 = vector.shape_cast %get3A_7 : vector<1x256x64xf32> to vector<256x64xf32>
    %get3A_9 = arith.constant 0 : index
    %get3A_10 = arith.constant 0 : index
    %get3A_11 = arith.constant 0 : index
    %get3A_12 = vector.load %arg4[%get3A_9, %get3A_10, %get3A_11] : memref<1x1x4096xf32, #tpu.memory_space<vmem>>, vector<1x1x4096xf32>
    %get3A_13 = vector.shape_cast %get3A_12 : vector<1x1x4096xf32> to vector<1x4096xf32>
    %get3A_14 = arith.constant 0 : index
    %get3A_15 = arith.constant 0 : index
    %get3A_16 = arith.constant 0 : index
    %get3A_17 = arith.constant 0 : index
    %get3A_18 = vector.load %arg5[%get3A_14, %get3A_15, %get3A_16, %get3A_17] : memref<1x1x256x1xf32, #tpu.memory_space<vmem>>, vector<1x1x256x1xf32>
    %get3A_19 = vector.shape_cast %get3A_18 : vector<1x1x256x1xf32> to vector<256x1xf32>
    %dot_general3A = arith.constant dense<0.000000e+00> : vector<256x4096xf32>
    %dot_general3A_20 = tpu.matmul %get3A_8, %get3A_3, %dot_general3A {dimension_numbers = #tpu.dot_dimension_numbers<[1], [1], [0], [0], [0, 0, 1, 0], [], []>, transpose_lhs_hint = false} : vector<256x64xf32>, vector<4096x64xf32>, vector<256x4096xf32> -> vector<256x4096xf32>
    %mul3A = arith.constant 2.000000e+00 : f32
    %mul3A_21 = vector.broadcast %mul3A : f32 to vector<256x4096xf32>
    %mul3A_22 = arith.mulf %mul3A_21, %dot_general3A_20 : vector<256x4096xf32>
    %sub3A = vector.broadcast %get3A_19 : vector<256x1xf32> to vector<256x4096xf32>
    %sub3A_23 = arith.subf %sub3A, %mul3A_22 : vector<256x4096xf32>
    %add3A = vector.broadcast %get3A_13 : vector<1x4096xf32> to vector<256x4096xf32>
    %add3A_24 = arith.addf %sub3A_23, %add3A : vector<256x4096xf32>
    %iota3A = tpu.iota {dimensions = array<i32: 1>} : vector<256x4096xi32>
    %mul3A_25 = arith.constant 256 : i32
    %mul3A_26 = arith.muli %arg1, %mul3A_25 : i32
    %iota3A_27 = tpu.iota {dimensions = array<i32: 0>} : vector<256x1xi32>
    %add3A_28 = vector.broadcast %mul3A_26 : i32 to vector<256x1xi32>
    %add3A_29 = arith.addi %add3A_28, %iota3A_27 : vector<256x1xi32>
    %eq3A = vector.broadcast %add3A_29 : vector<256x1xi32> to vector<256x4096xi32>
    %eq3A_30 = arith.cmpi eq, %iota3A, %eq3A : vector<256x4096xi32>
    %add3A_31 = arith.constant 1.000000e+10 : f32
    %add3A_32 = vector.broadcast %add3A_31 : f32 to vector<256x4096xf32>
    %add3A_33 = arith.addf %add3A_24, %add3A_32 : vector<256x4096xf32>
    %select_n3A = arith.select %eq3A_30, %add3A_33, %add3A_24 : vector<256x4096xi1>, vector<256x4096xf32>
    %reduce_min3A = arith.constant dense<0x7F800000> : vector<256xf32>
    %reduce_min3A_34 = vector.multi_reduction <minimumf>, %select_n3A, %reduce_min3A [1] : vector<256x4096xf32> to vector<256xf32>
    %broadcast_in_dim3A = vector.shape_cast %reduce_min3A_34 : vector<256xf32> to vector<256x1xf32>
    %eq3A_35 = vector.broadcast %broadcast_in_dim3A : vector<256x1xf32> to vector<256x4096xf32>
    %eq3A_36 = arith.cmpf oeq, %select_n3A, %eq3A_35 : vector<256x4096xf32>
    %jit3A = arith.constant 4096 : i32
    %broadcast_in_dim3A_37 = vector.broadcast %jit3A : i32 to vector<256x4096xi32>
    %select_n3A_38 = arith.select %eq3A_36, %iota3A, %broadcast_in_dim3A_37 : vector<256x4096xi1>, vector<256x4096xi32>
    %reduce_min3A_39 = arith.constant dense<2147483647> : vector<256xi32>
    %reduce_min3A_40 = vector.multi_reduction <minsi>, %select_n3A_38, %reduce_min3A_39 [1] : vector<256x4096xi32> to vector<256xi32>
    %broadcast_in_dim3A_41 = vector.shape_cast %reduce_min3A_40 : vector<256xi32> to vector<256x1xi32>
    %eq3A_42 = vector.broadcast %broadcast_in_dim3A_41 : vector<256x1xi32> to vector<256x4096xi32>
    %eq3A_43 = arith.cmpi eq, %iota3A, %eq3A_42 : vector<256x4096xi32>
    %jit3A_44 = arith.constant 3.000000e+10 : f32
    %broadcast_in_dim3A_45 = vector.broadcast %jit3A_44 : f32 to vector<256x4096xf32>
    %select_n3A_46 = arith.select %eq3A_43, %broadcast_in_dim3A_45, %select_n3A : vector<256x4096xi1>, vector<256x4096xf32>
    %reduce_min3A_47 = arith.constant dense<0x7F800000> : vector<256xf32>
    %reduce_min3A_48 = vector.multi_reduction <minimumf>, %select_n3A_46, %reduce_min3A_47 [1] : vector<256x4096xf32> to vector<256xf32>
    %broadcast_in_dim3A_49 = vector.shape_cast %reduce_min3A_48 : vector<256xf32> to vector<256x1xf32>
    %eq3A_50 = vector.broadcast %broadcast_in_dim3A_49 : vector<256x1xf32> to vector<256x4096xf32>
    %eq3A_51 = arith.cmpf oeq, %select_n3A_46, %eq3A_50 : vector<256x4096xf32>
    %jit3A_52 = arith.constant 4096 : i32
    %broadcast_in_dim3A_53 = vector.broadcast %jit3A_52 : i32 to vector<256x4096xi32>
    %select_n3A_54 = arith.select %eq3A_51, %iota3A, %broadcast_in_dim3A_53 : vector<256x4096xi1>, vector<256x4096xi32>
    %reduce_min3A_55 = arith.constant dense<2147483647> : vector<256xi32>
    %reduce_min3A_56 = vector.multi_reduction <minsi>, %select_n3A_54, %reduce_min3A_55 [1] : vector<256x4096xi32> to vector<256xi32>
    %broadcast_in_dim3A_57 = vector.shape_cast %reduce_min3A_56 : vector<256xi32> to vector<256x1xi32>
    %eq3A_58 = vector.broadcast %broadcast_in_dim3A_57 : vector<256x1xi32> to vector<256x4096xi32>
    %eq3A_59 = arith.cmpi eq, %iota3A, %eq3A_58 : vector<256x4096xi32>
    %jit3A_60 = arith.constant 3.000000e+10 : f32
    %broadcast_in_dim3A_61 = vector.broadcast %jit3A_60 : f32 to vector<256x4096xf32>
    %select_n3A_62 = arith.select %eq3A_59, %broadcast_in_dim3A_61, %select_n3A_46 : vector<256x4096xi1>, vector<256x4096xf32>
    %reduce_min3A_63 = arith.constant dense<0x7F800000> : vector<256xf32>
    %reduce_min3A_64 = vector.multi_reduction <minimumf>, %select_n3A_62, %reduce_min3A_63 [1] : vector<256x4096xf32> to vector<256xf32>
    %broadcast_in_dim3A_65 = vector.shape_cast %reduce_min3A_64 : vector<256xf32> to vector<256x1xf32>
    %eq3A_66 = vector.broadcast %broadcast_in_dim3A_65 : vector<256x1xf32> to vector<256x4096xf32>
    %eq3A_67 = arith.cmpf oeq, %select_n3A_62, %eq3A_66 : vector<256x4096xf32>
    %jit3A_68 = arith.constant 4096 : i32
    %broadcast_in_dim3A_69 = vector.broadcast %jit3A_68 : i32 to vector<256x4096xi32>
    %select_n3A_70 = arith.select %eq3A_67, %iota3A, %broadcast_in_dim3A_69 : vector<256x4096xi1>, vector<256x4096xi32>
    %reduce_min3A_71 = arith.constant dense<2147483647> : vector<256xi32>
    %reduce_min3A_72 = vector.multi_reduction <minsi>, %select_n3A_70, %reduce_min3A_71 [1] : vector<256x4096xi32> to vector<256xi32>
    %broadcast_in_dim3A_73 = vector.shape_cast %reduce_min3A_72 : vector<256xi32> to vector<256x1xi32>
    %eq3A_74 = vector.broadcast %broadcast_in_dim3A_73 : vector<256x1xi32> to vector<256x4096xi32>
    %eq3A_75 = arith.cmpi eq, %iota3A, %eq3A_74 : vector<256x4096xi32>
    %jit3A_76 = arith.constant 3.000000e+10 : f32
    %broadcast_in_dim3A_77 = vector.broadcast %jit3A_76 : f32 to vector<256x4096xf32>
    %select_n3A_78 = arith.select %eq3A_75, %broadcast_in_dim3A_77, %select_n3A_62 : vector<256x4096xi1>, vector<256x4096xf32>
    %reduce_min3A_79 = arith.constant dense<0x7F800000> : vector<256xf32>
    %reduce_min3A_80 = vector.multi_reduction <minimumf>, %select_n3A_78, %reduce_min3A_79 [1] : vector<256x4096xf32> to vector<256xf32>
    %broadcast_in_dim3A_81 = vector.shape_cast %reduce_min3A_80 : vector<256xf32> to vector<256x1xf32>
    %eq3A_82 = vector.broadcast %broadcast_in_dim3A_81 : vector<256x1xf32> to vector<256x4096xf32>
    %eq3A_83 = arith.cmpf oeq, %select_n3A_78, %eq3A_82 : vector<256x4096xf32>
    %jit3A_84 = arith.constant 4096 : i32
    %broadcast_in_dim3A_85 = vector.broadcast %jit3A_84 : i32 to vector<256x4096xi32>
    %select_n3A_86 = arith.select %eq3A_83, %iota3A, %broadcast_in_dim3A_85 : vector<256x4096xi1>, vector<256x4096xi32>
    %reduce_min3A_87 = arith.constant dense<2147483647> : vector<256xi32>
    %reduce_min3A_88 = vector.multi_reduction <minsi>, %select_n3A_86, %reduce_min3A_87 [1] : vector<256x4096xi32> to vector<256xi32>
    %broadcast_in_dim3A_89 = vector.shape_cast %reduce_min3A_88 : vector<256xi32> to vector<256x1xi32>
    %eq3A_90 = vector.broadcast %broadcast_in_dim3A_89 : vector<256x1xi32> to vector<256x4096xi32>
    %eq3A_91 = arith.cmpi eq, %iota3A, %eq3A_90 : vector<256x4096xi32>
    %jit3A_92 = arith.constant 3.000000e+10 : f32
    %broadcast_in_dim3A_93 = vector.broadcast %jit3A_92 : f32 to vector<256x4096xf32>
    %select_n3A_94 = arith.select %eq3A_91, %broadcast_in_dim3A_93, %select_n3A_78 : vector<256x4096xi1>, vector<256x4096xf32>
    %reduce_min3A_95 = arith.constant dense<0x7F800000> : vector<256xf32>
    %reduce_min3A_96 = vector.multi_reduction <minimumf>, %select_n3A_94, %reduce_min3A_95 [1] : vector<256x4096xf32> to vector<256xf32>
    %broadcast_in_dim3A_97 = vector.shape_cast %reduce_min3A_96 : vector<256xf32> to vector<256x1xf32>
    %eq3A_98 = vector.broadcast %broadcast_in_dim3A_97 : vector<256x1xf32> to vector<256x4096xf32>
    %eq3A_99 = arith.cmpf oeq, %select_n3A_94, %eq3A_98 : vector<256x4096xf32>
    %jit3A_100 = arith.constant 4096 : i32
    %broadcast_in_dim3A_101 = vector.broadcast %jit3A_100 : i32 to vector<256x4096xi32>
    %select_n3A_102 = arith.select %eq3A_99, %iota3A, %broadcast_in_dim3A_101 : vector<256x4096xi1>, vector<256x4096xi32>
    %reduce_min3A_103 = arith.constant dense<2147483647> : vector<256xi32>
    %reduce_min3A_104 = vector.multi_reduction <minsi>, %select_n3A_102, %reduce_min3A_103 [1] : vector<256x4096xi32> to vector<256xi32>
    %broadcast_in_dim3A_105 = vector.shape_cast %reduce_min3A_104 : vector<256xi32> to vector<256x1xi32>
    %eq3A_106 = vector.broadcast %broadcast_in_dim3A_105 : vector<256x1xi32> to vector<256x4096xi32>
    %eq3A_107 = arith.cmpi eq, %iota3A, %eq3A_106 : vector<256x4096xi32>
    %jit3A_108 = arith.constant 3.000000e+10 : f32
    %broadcast_in_dim3A_109 = vector.broadcast %jit3A_108 : f32 to vector<256x4096xf32>
    %select_n3A_110 = arith.select %eq3A_107, %broadcast_in_dim3A_109, %select_n3A_94 : vector<256x4096xi1>, vector<256x4096xf32>
    %reduce_min3A_111 = arith.constant dense<0x7F800000> : vector<256xf32>
    %reduce_min3A_112 = vector.multi_reduction <minimumf>, %select_n3A_110, %reduce_min3A_111 [1] : vector<256x4096xf32> to vector<256xf32>
    %broadcast_in_dim3A_113 = vector.shape_cast %reduce_min3A_112 : vector<256xf32> to vector<256x1xf32>
    %eq3A_114 = vector.broadcast %broadcast_in_dim3A_113 : vector<256x1xf32> to vector<256x4096xf32>
    %eq3A_115 = arith.cmpf oeq, %select_n3A_110, %eq3A_114 : vector<256x4096xf32>
    %jit3A_116 = arith.constant 4096 : i32
    %broadcast_in_dim3A_117 = vector.broadcast %jit3A_116 : i32 to vector<256x4096xi32>
    %select_n3A_118 = arith.select %eq3A_115, %iota3A, %broadcast_in_dim3A_117 : vector<256x4096xi1>, vector<256x4096xi32>
    %reduce_min3A_119 = arith.constant dense<2147483647> : vector<256xi32>
    %reduce_min3A_120 = vector.multi_reduction <minsi>, %select_n3A_118, %reduce_min3A_119 [1] : vector<256x4096xi32> to vector<256xi32>
    %broadcast_in_dim3A_121 = vector.shape_cast %reduce_min3A_120 : vector<256xi32> to vector<256x1xi32>
    %eq3A_122 = vector.broadcast %broadcast_in_dim3A_121 : vector<256x1xi32> to vector<256x4096xi32>
    %eq3A_123 = arith.cmpi eq, %iota3A, %eq3A_122 : vector<256x4096xi32>
    %jit3A_124 = arith.constant 3.000000e+10 : f32
    %broadcast_in_dim3A_125 = vector.broadcast %jit3A_124 : f32 to vector<256x4096xf32>
    %select_n3A_126 = arith.select %eq3A_123, %broadcast_in_dim3A_125, %select_n3A_110 : vector<256x4096xi1>, vector<256x4096xf32>
    %reduce_min3A_127 = arith.constant dense<0x7F800000> : vector<256xf32>
    %reduce_min3A_128 = vector.multi_reduction <minimumf>, %select_n3A_126, %reduce_min3A_127 [1] : vector<256x4096xf32> to vector<256xf32>
    %broadcast_in_dim3A_129 = vector.shape_cast %reduce_min3A_128 : vector<256xf32> to vector<256x1xf32>
    %eq3A_130 = vector.broadcast %broadcast_in_dim3A_129 : vector<256x1xf32> to vector<256x4096xf32>
    %eq3A_131 = arith.cmpf oeq, %select_n3A_126, %eq3A_130 : vector<256x4096xf32>
    %jit3A_132 = arith.constant 4096 : i32
    %broadcast_in_dim3A_133 = vector.broadcast %jit3A_132 : i32 to vector<256x4096xi32>
    %select_n3A_134 = arith.select %eq3A_131, %iota3A, %broadcast_in_dim3A_133 : vector<256x4096xi1>, vector<256x4096xi32>
    %reduce_min3A_135 = arith.constant dense<2147483647> : vector<256xi32>
    %reduce_min3A_136 = vector.multi_reduction <minsi>, %select_n3A_134, %reduce_min3A_135 [1] : vector<256x4096xi32> to vector<256xi32>
    %broadcast_in_dim3A_137 = vector.shape_cast %reduce_min3A_136 : vector<256xi32> to vector<256x1xi32>
    %eq3A_138 = vector.broadcast %broadcast_in_dim3A_137 : vector<256x1xi32> to vector<256x4096xi32>
    %eq3A_139 = arith.cmpi eq, %iota3A, %eq3A_138 : vector<256x4096xi32>
    %jit3A_140 = arith.constant 3.000000e+10 : f32
    %broadcast_in_dim3A_141 = vector.broadcast %jit3A_140 : f32 to vector<256x4096xf32>
    %select_n3A_142 = arith.select %eq3A_139, %broadcast_in_dim3A_141, %select_n3A_126 : vector<256x4096xi1>, vector<256x4096xf32>
    %reduce_min3A_143 = arith.constant dense<0x7F800000> : vector<256xf32>
    %reduce_min3A_144 = vector.multi_reduction <minimumf>, %select_n3A_142, %reduce_min3A_143 [1] : vector<256x4096xf32> to vector<256xf32>
    %broadcast_in_dim3A_145 = vector.shape_cast %reduce_min3A_144 : vector<256xf32> to vector<256x1xf32>
    %eq3A_146 = vector.broadcast %broadcast_in_dim3A_145 : vector<256x1xf32> to vector<256x4096xf32>
    %eq3A_147 = arith.cmpf oeq, %select_n3A_142, %eq3A_146 : vector<256x4096xf32>
    %jit3A_148 = arith.constant 4096 : i32
    %broadcast_in_dim3A_149 = vector.broadcast %jit3A_148 : i32 to vector<256x4096xi32>
    %select_n3A_150 = arith.select %eq3A_147, %iota3A, %broadcast_in_dim3A_149 : vector<256x4096xi1>, vector<256x4096xi32>
    %reduce_min3A_151 = arith.constant dense<2147483647> : vector<256xi32>
    %reduce_min3A_152 = vector.multi_reduction <minsi>, %select_n3A_150, %reduce_min3A_151 [1] : vector<256x4096xi32> to vector<256xi32>
    %broadcast_in_dim3A_153 = vector.shape_cast %reduce_min3A_152 : vector<256xi32> to vector<256x1xi32>
    %eq3A_154 = vector.broadcast %broadcast_in_dim3A_153 : vector<256x1xi32> to vector<256x4096xi32>
    %eq3A_155 = arith.cmpi eq, %iota3A, %eq3A_154 : vector<256x4096xi32>
    %jit3A_156 = arith.constant 3.000000e+10 : f32
    %broadcast_in_dim3A_157 = vector.broadcast %jit3A_156 : f32 to vector<256x4096xf32>
    %select_n3A_158 = arith.select %eq3A_155, %broadcast_in_dim3A_157, %select_n3A_142 : vector<256x4096xi1>, vector<256x4096xf32>
    %reduce_min3A_159 = arith.constant dense<0x7F800000> : vector<256xf32>
    %reduce_min3A_160 = vector.multi_reduction <minimumf>, %select_n3A_158, %reduce_min3A_159 [1] : vector<256x4096xf32> to vector<256xf32>
    %broadcast_in_dim3A_161 = vector.shape_cast %reduce_min3A_160 : vector<256xf32> to vector<256x1xf32>
    %eq3A_162 = vector.broadcast %broadcast_in_dim3A_161 : vector<256x1xf32> to vector<256x4096xf32>
    %eq3A_163 = arith.cmpf oeq, %select_n3A_158, %eq3A_162 : vector<256x4096xf32>
    %jit3A_164 = arith.constant 4096 : i32
    %broadcast_in_dim3A_165 = vector.broadcast %jit3A_164 : i32 to vector<256x4096xi32>
    %select_n3A_166 = arith.select %eq3A_163, %iota3A, %broadcast_in_dim3A_165 : vector<256x4096xi1>, vector<256x4096xi32>
    %reduce_min3A_167 = arith.constant dense<2147483647> : vector<256xi32>
    %reduce_min3A_168 = vector.multi_reduction <minsi>, %select_n3A_166, %reduce_min3A_167 [1] : vector<256x4096xi32> to vector<256xi32>
    %broadcast_in_dim3A_169 = vector.shape_cast %reduce_min3A_168 : vector<256xi32> to vector<256x1xi32>
    %concatenate3A = tpu.concatenate %broadcast_in_dim3A_41, %broadcast_in_dim3A_57, %broadcast_in_dim3A_73, %broadcast_in_dim3A_89, %broadcast_in_dim3A_105, %broadcast_in_dim3A_121, %broadcast_in_dim3A_137, %broadcast_in_dim3A_153, %broadcast_in_dim3A_169 in 1 : vector<256x1xi32>, vector<256x1xi32>, vector<256x1xi32>, vector<256x1xi32>, vector<256x1xi32>, vector<256x1xi32>, vector<256x1xi32>, vector<256x1xi32>, vector<256x1xi32> -> vector<256x9xi32>
    %mul3A_170 = arith.constant 4096 : i32
    %mul3A_171 = arith.muli %arg0, %mul3A_170 : i32
    %add3A_172 = vector.broadcast %mul3A_171 : i32 to vector<256x9xi32>
    %add3A_173 = arith.addi %concatenate3A, %add3A_172 : vector<256x9xi32>
    %swap3A = arith.constant 0 : index
    %swap3A_174 = arith.constant 0 : index
    %swap3A_175 = arith.constant 0 : index
    %swap3A_176 = vector.load %arg6[%swap3A, %swap3A_174, %swap3A_175] : memref<1x256x9xi32, #tpu.memory_space<vmem>>, vector<1x256x9xi32>
    %swap3A_177 = vector.shape_cast %swap3A_176 : vector<1x256x9xi32> to vector<256x9xi32>
    %swap3A_178 = vector.shape_cast %add3A_173 : vector<256x9xi32> to vector<1x256x9xi32>
    tpu.vector_store %arg6[%swap3A, %swap3A_174, %swap3A_175], %swap3A_178 {strides = array<i32>} : memref<1x256x9xi32, #tpu.memory_space<vmem>>, vector<1x256x9xi32>,
    return
  }
  func.func @transform_0(%arg0: i32, %arg1: i32) -> (i32, i32, i32) {
    %c0_i32 = arith.constant 0 : i32
    %c0_i32_0 = arith.constant 0 : i32
    %c0_i32_1 = arith.constant 0 : i32
    return %arg0, %c0_i32, %c0_i32_0 : i32, i32, i32
  }
  func.func @transform_1(%arg0: i32, %arg1: i32) -> (i32, i32, i32) {
    %c0_i32 = arith.constant 0 : i32
    %c0_i32_0 = arith.constant 0 : i32
    return %arg0, %arg1, %c0_i32 : i32, i32, i32
  }
  func.func @transform_2(%arg0: i32, %arg1: i32) -> (i32, i32, i32) {
    %c0_i32 = arith.constant 0 : i32
    %c0_i32_0 = arith.constant 0 : i32
    %c0_i32_1 = arith.constant 0 : i32
    return %arg0, %c0_i32, %c0_i32_0 : i32, i32, i32
  }
  func.func @transform_3(%arg0: i32, %arg1: i32) -> (i32, i32, i32, i32) {
    %c0_i32 = arith.constant 0 : i32
    %c0_i32_0 = arith.constant 0 : i32
    %c0_i32_1 = arith.constant 0 : i32
    return %arg0, %arg1, %c0_i32, %c0_i32_0 : i32, i32, i32, i32
  }
  func.func @transform_4(%arg0: i32, %arg1: i32) -> (i32, i32, i32) {
    %c0_i32 = arith.constant 0 : i32
    %c0_i32_0 = arith.constant 0 : i32
    return %arg0, %arg1, %c0_i32 : i32, i32, i32
  }
}

module attributes {stable_mosaic.version = 14 : i64} {
  func.func @_hmax_body(%arg0: i32, %arg1: memref<512x64xf32, #tpu.memory_space<vmem>>, %arg2: memref<4608x128xf32, #tpu.memory_space<vmem>>, %arg3: memref<128x64xf32, #tpu.memory_space<vmem>>, %arg4: memref<512x64xf32, #tpu.memory_space<vmem>>, %arg5: memref<1x64x4608xf32, #tpu.memory_space<vmem>>) attributes {dimension_semantics = [#tpu.dimension_semantics<arbitrary>], iteration_bounds = array<i64: 16>, scalar_prefetch = 0 : i64, scratch_operands = 0 : i64, tpu.core_type = #tpu.core_type<tc>, window_params = [{transform_indices = @transform_0, window_bounds = array<i64: 512, 64>}, {transform_indices = @transform_1, window_bounds = array<i64: 4608, 128>}, {pipeline_mode = #tpu.pipeline_mode<synchronous>, transform_indices = @transform_2, window_bounds = array<i64: 128, 64>}, {transform_indices = @transform_3, window_bounds = array<i64: 512, 64>}, {transform_indices = @transform_4, window_bounds = array<i64: 1, 64, 4608>}]} {
    %get3A = arith.constant 0 : index
    %get3A_0 = arith.constant 0 : index
    %get3A_1 = vector.load %arg1[%get3A, %get3A_0] : memref<512x64xf32, #tpu.memory_space<vmem>>, vector<512x64xf32>
    %broadcast_in_dim3A = vector.shape_cast %get3A_1 : vector<512x64xf32> to vector<512x1x64xf32>
    %broadcast_in_dim3A_2 = vector.shape_cast %broadcast_in_dim3A : vector<512x1x64xf32> to vector<512x1x64xf32>
    %broadcast_in_dim3A_3 = vector.broadcast %broadcast_in_dim3A_2 : vector<512x1x64xf32> to vector<512x9x64xf32>
    %reshape3A = vector.shape_cast %broadcast_in_dim3A_3 : vector<512x9x64xf32> to vector<4608x64xf32>
    %get3A_4 = arith.constant 0 : index
    %get3A_5 = arith.constant 0 : index
    %get3A_6 = vector.load %arg2[%get3A_4, %get3A_5] : memref<4608x128xf32, #tpu.memory_space<vmem>>, vector<4608x64xf32>
    %sub3A = arith.subf %get3A_6, %reshape3A : vector<4608x64xf32>
    %concatenate3A = tpu.concatenate %reshape3A, %sub3A in 1 : vector<4608x64xf32>, vector<4608x64xf32> -> vector<4608x128xf32>
    %get3A_7 = arith.constant 0 : index
    %get3A_8 = arith.constant 0 : index
    %get3A_9 = vector.load %arg3[%get3A_7, %get3A_8] : memref<128x64xf32, #tpu.memory_space<vmem>>, vector<128x64xf32>
    %dot_general3A = arith.constant dense<0.000000e+00> : vector<4608x64xf32>
    %dot_general3A_10 = tpu.matmul %concatenate3A, %get3A_9, %dot_general3A {dimension_numbers = #tpu.dot_dimension_numbers<[1], [0], [0], [1], [0, 0, 1, 1], [], []>, transpose_lhs_hint = false} : vector<4608x128xf32>, vector<128x64xf32>, vector<4608x64xf32> -> vector<4608x64xf32>
    %reshape3A_11 = vector.shape_cast %dot_general3A_10 : vector<4608x64xf32> to vector<512x9x64xf32>
    %reduce_max3A = arith.constant dense<0xFF800000> : vector<512x64xf32>
    %reduce_max3A_12 = vector.multi_reduction <maximumf>, %reshape3A_11, %reduce_max3A [1] : vector<512x9x64xf32> to vector<512x64xf32>
    %swap3A = arith.constant 0 : index
    %swap3A_13 = arith.constant 0 : index
    %swap3A_14 = vector.load %arg4[%swap3A, %swap3A_13] : memref<512x64xf32, #tpu.memory_space<vmem>>, vector<512x64xf32>
    tpu.vector_store %arg4[%swap3A, %swap3A_13], %reduce_max3A_12 {strides = array<i32>} : memref<512x64xf32, #tpu.memory_space<vmem>>, vector<512x64xf32>,
    %transpose3A = tpu.transpose %dot_general3A_10, [1, 0] : vector<4608x64xf32> -> vector<64x4608xf32>
    %swap3A_15 = arith.constant 0 : index
    %swap3A_16 = arith.constant 0 : index
    %swap3A_17 = arith.constant 0 : index
    %swap3A_18 = vector.load %arg5[%swap3A_15, %swap3A_16, %swap3A_17] : memref<1x64x4608xf32, #tpu.memory_space<vmem>>, vector<1x64x4608xf32>
    %swap3A_19 = vector.shape_cast %swap3A_18 : vector<1x64x4608xf32> to vector<64x4608xf32>
    %swap3A_20 = vector.shape_cast %transpose3A : vector<64x4608xf32> to vector<1x64x4608xf32>
    tpu.vector_store %arg5[%swap3A_15, %swap3A_16, %swap3A_17], %swap3A_20 {strides = array<i32>} : memref<1x64x4608xf32, #tpu.memory_space<vmem>>, vector<1x64x4608xf32>,
    return
  }
  func.func @transform_0(%arg0: i32) -> (i32, i32) {
    %c0_i32 = arith.constant 0 : i32
    %c0_i32_0 = arith.constant 0 : i32
    return %arg0, %c0_i32 : i32, i32
  }
  func.func @transform_1(%arg0: i32) -> (i32, i32) {
    %c0_i32 = arith.constant 0 : i32
    %c0_i32_0 = arith.constant 0 : i32
    return %arg0, %c0_i32 : i32, i32
  }
  func.func @transform_2(%arg0: i32) -> (i32, i32) {
    %c0_i32 = arith.constant 0 : i32
    %c0_i32_0 = arith.constant 0 : i32
    %c0_i32_1 = arith.constant 0 : i32
    return %c0_i32, %c0_i32_0 : i32, i32
  }
  func.func @transform_3(%arg0: i32) -> (i32, i32) {
    %c0_i32 = arith.constant 0 : i32
    %c0_i32_0 = arith.constant 0 : i32
    return %arg0, %c0_i32 : i32, i32
  }
  func.func @transform_4(%arg0: i32) -> (i32, i32, i32) {
    %jit3A = arith.constant 8 : i32
    %div3A = arith.divsi %arg0, %jit3A : i32
    %sign3A = arith.constant 0 : i32
    %sign3A_0 = arith.cmpi sgt, %arg0, %sign3A : i32
    %sign3A_1 = arith.extui %sign3A_0 : i1 to i32
    %sign3A_2 = arith.constant 0 : i32
    %sign3A_3 = arith.cmpi slt, %arg0, %sign3A_2 : i32
    %sign3A_4 = arith.extui %sign3A_3 : i1 to i32
    %sign3A_5 = arith.subi %sign3A_1, %sign3A_4 : i32
    %sign3A_6 = arith.constant 0 : i32
    %sign3A_7 = arith.cmpi sgt, %jit3A, %sign3A_6 : i32
    %sign3A_8 = arith.extui %sign3A_7 : i1 to i32
    %sign3A_9 = arith.constant 0 : i32
    %sign3A_10 = arith.cmpi slt, %jit3A, %sign3A_9 : i32
    %sign3A_11 = arith.extui %sign3A_10 : i1 to i32
    %sign3A_12 = arith.subi %sign3A_8, %sign3A_11 : i32
    %ne3A = arith.cmpi ne, %sign3A_5, %sign3A_12 : i32
    %rem3A = arith.remsi %arg0, %jit3A : i32
    %ne3A_13 = arith.constant 0 : i32
    %ne3A_14 = arith.cmpi ne, %rem3A, %ne3A_13 : i32
    %and3A = arith.andi %ne3A, %ne3A_14 : i1
    %sub3A = arith.constant 1 : i32
    %sub3A_15 = arith.subi %div3A, %sub3A : i32
    %select_n3A = arith.select %and3A, %sub3A_15, %div3A : i32
    %jit3A_16 = arith.constant 8 : i32
    %eq3A = arith.constant 0 : i32
    %eq3A_17 = arith.cmpi eq, %jit3A_16, %eq3A : i32
    %jit3A_18 = arith.constant 1 : i32
    %select_n3A_19 = arith.select %eq3A_17, %jit3A_18, %jit3A_16 : i32
    %rem3A_20 = arith.remsi %arg0, %select_n3A_19 : i32
    %ne3A_21 = arith.constant 0 : i32
    %ne3A_22 = arith.cmpi ne, %rem3A_20, %ne3A_21 : i32
    %lt3A = arith.constant 0 : i32
    %lt3A_23 = arith.cmpi slt, %rem3A_20, %lt3A : i32
    %lt3A_24 = arith.constant 0 : i32
    %lt3A_25 = arith.cmpi slt, %select_n3A_19, %lt3A_24 : i32
    %ne3A_26 = arith.xori %lt3A_23, %lt3A_25 : i1
    %and3A_27 = arith.andi %ne3A_26, %ne3A_22 : i1
    %add3A = arith.addi %rem3A_20, %select_n3A_19 : i32
    %select_n3A_28 = arith.select %and3A_27, %add3A, %rem3A_20 : i32
    %c0_i32 = arith.constant 0 : i32
    %c0_i32_29 = arith.constant 0 : i32
    return %select_n3A, %c0_i32, %select_n3A_28 : i32, i32, i32
  }
}

module attributes {stable_mosaic.version = 14 : i64} {
  func.func @_edge_body(%arg0: i32, %arg1: i32, %arg2: memref<1x1024x64xf32, #tpu.memory_space<vmem>>, %arg3: memref<1x64xf32, #tpu.memory_space<vmem>>, %arg4: memref<1x64xf32, #tpu.memory_space<vmem>>, %arg5: memref<1x1024x64xf32, #tpu.memory_space<vmem>>) attributes {dimension_semantics = [#tpu.dimension_semantics<arbitrary>, #tpu.dimension_semantics<arbitrary>], iteration_bounds = array<i64: 2, 4>, scalar_prefetch = 0 : i64, scratch_operands = 0 : i64, tpu.core_type = #tpu.core_type<tc>, window_params = [{transform_indices = @transform_0, window_bounds = array<i64: 1, 1024, 64>}, {pipeline_mode = #tpu.pipeline_mode<synchronous>, transform_indices = @transform_1, window_bounds = array<i64: 1, 64>}, {pipeline_mode = #tpu.pipeline_mode<synchronous>, transform_indices = @transform_2, window_bounds = array<i64: 1, 64>}, {transform_indices = @transform_3, window_bounds = array<i64: 1, 1024, 64>}]} {
    %get3A = arith.constant 0 : index
    %get3A_0 = arith.constant 0 : index
    %get3A_1 = vector.load %arg4[%get3A, %get3A_0] : memref<1x64xf32, #tpu.memory_space<vmem>>, vector<1x64xf32>
    %add3A = arith.constant 9.99999974E-6 : f32
    %add3A_2 = vector.broadcast %add3A : f32 to vector<1x64xf32>
    %add3A_3 = arith.addf %get3A_1, %add3A_2 : vector<1x64xf32>
    %sqrt3A = math.sqrt %add3A_3 : vector<1x64xf32>
    %get3A_4 = arith.constant 0 : index
    %get3A_5 = arith.constant 0 : index
    %get3A_6 = arith.constant 0 : index
    %get3A_7 = vector.load %arg2[%get3A_4, %get3A_5, %get3A_6] : memref<1x1024x64xf32, #tpu.memory_space<vmem>>, vector<1x1024x64xf32>
    %get3A_8 = vector.shape_cast %get3A_7 : vector<1x1024x64xf32> to vector<1024x64xf32>
    %get3A_9 = arith.constant 0 : index
    %get3A_10 = arith.constant 0 : index
    %get3A_11 = vector.load %arg3[%get3A_9, %get3A_10] : memref<1x64xf32, #tpu.memory_space<vmem>>, vector<1x64xf32>
    %sub3A = vector.broadcast %get3A_11 : vector<1x64xf32> to vector<1024x64xf32>
    %sub3A_12 = arith.subf %get3A_8, %sub3A : vector<1024x64xf32>
    %div3A = vector.broadcast %sqrt3A : vector<1x64xf32> to vector<1024x64xf32>
    %div3A_13 = arith.divf %sub3A_12, %div3A : vector<1024x64xf32>
    %ge3A = arith.constant 0.000000e+00 : f32
    %ge3A_14 = vector.broadcast %ge3A : f32 to vector<1024x64xf32>
    %ge3A_15 = arith.cmpf oge, %div3A_13, %ge3A_14 : vector<1024x64xf32>
    %mul3A = arith.constant 2.000000e-01 : f32
    %mul3A_16 = vector.broadcast %mul3A : f32 to vector<1024x64xf32>
    %mul3A_17 = arith.mulf %mul3A_16, %div3A_13 : vector<1024x64xf32>
    %select_n3A = arith.select %ge3A_15, %div3A_13, %mul3A_17 : vector<1024x64xi1>, vector<1024x64xf32>
    %swap3A = arith.constant 0 : index
    %swap3A_18 = arith.constant 0 : index
    %swap3A_19 = arith.constant 0 : index
    %swap3A_20 = vector.load %arg5[%swap3A, %swap3A_18, %swap3A_19] : memref<1x1024x64xf32, #tpu.memory_space<vmem>>, vector<1x1024x64xf32>
    %swap3A_21 = vector.shape_cast %swap3A_20 : vector<1x1024x64xf32> to vector<1024x64xf32>
    %swap3A_22 = vector.shape_cast %select_n3A : vector<1024x64xf32> to vector<1x1024x64xf32>
    tpu.vector_store %arg5[%swap3A, %swap3A_18, %swap3A_19], %swap3A_22 {strides = array<i32>} : memref<1x1024x64xf32, #tpu.memory_space<vmem>>, vector<1x1024x64xf32>,
    return
  }
  func.func @transform_0(%arg0: i32, %arg1: i32) -> (i32, i32, i32) {
    %c0_i32 = arith.constant 0 : i32
    %c0_i32_0 = arith.constant 0 : i32
    return %arg0, %arg1, %c0_i32 : i32, i32, i32
  }
  func.func @transform_1(%arg0: i32, %arg1: i32) -> (i32, i32) {
    %c0_i32 = arith.constant 0 : i32
    %c0_i32_0 = arith.constant 0 : i32
    %c0_i32_1 = arith.constant 0 : i32
    return %c0_i32, %c0_i32_0 : i32, i32
  }
  func.func @transform_2(%arg0: i32, %arg1: i32) -> (i32, i32) {
    %c0_i32 = arith.constant 0 : i32
    %c0_i32_0 = arith.constant 0 : i32
    %c0_i32_1 = arith.constant 0 : i32
    return %c0_i32, %c0_i32_0 : i32, i32
  }
  func.func @transform_3(%arg0: i32, %arg1: i32) -> (i32, i32, i32) {
    %c0_i32 = arith.constant 0 : i32
    %c0_i32_0 = arith.constant 0 : i32
    return %arg0, %arg1, %c0_i32 : i32, i32, i32
  }
}

module attributes {stable_mosaic.version = 14 : i64} {
  func.func @_knn_body(%arg0: i32, %arg1: i32, %arg2: memref<1x4096x128xf32, #tpu.memory_space<vmem>>, %arg3: memref<1x256x128xf32, #tpu.memory_space<vmem>>, %arg4: memref<1x1x4096xf32, #tpu.memory_space<vmem>>, %arg5: memref<1x1x256x1xf32, #tpu.memory_space<vmem>>, %arg6: memref<1x256x9xi32, #tpu.memory_space<vmem>>) attributes {dimension_semantics = [#tpu.dimension_semantics<arbitrary>, #tpu.dimension_semantics<arbitrary>], iteration_bounds = array<i64: 2, 16>, scalar_prefetch = 0 : i64, scratch_operands = 0 : i64, tpu.core_type = #tpu.core_type<tc>, window_params = [{transform_indices = @transform_0, window_bounds = array<i64: 1, 4096, 128>}, {transform_indices = @transform_1, window_bounds = array<i64: 1, 256, 128>}, {transform_indices = @transform_2, window_bounds = array<i64: 1, 1, 4096>}, {transform_indices = @transform_3, window_bounds = array<i64: 1, 1, 256, 1>}, {transform_indices = @transform_4, window_bounds = array<i64: 1, 256, 9>}]} {
    %get3A = arith.constant 0 : index
    %get3A_0 = arith.constant 0 : index
    %get3A_1 = arith.constant 0 : index
    %get3A_2 = vector.load %arg2[%get3A, %get3A_0, %get3A_1] : memref<1x4096x128xf32, #tpu.memory_space<vmem>>, vector<1x4096x128xf32>
    %get3A_3 = vector.shape_cast %get3A_2 : vector<1x4096x128xf32> to vector<4096x128xf32>
    %get3A_4 = arith.constant 0 : index
    %get3A_5 = arith.constant 0 : index
    %get3A_6 = arith.constant 0 : index
    %get3A_7 = vector.load %arg3[%get3A_4, %get3A_5, %get3A_6] : memref<1x256x128xf32, #tpu.memory_space<vmem>>, vector<1x256x128xf32>
    %get3A_8 = vector.shape_cast %get3A_7 : vector<1x256x128xf32> to vector<256x128xf32>
    %get3A_9 = arith.constant 0 : index
    %get3A_10 = arith.constant 0 : index
    %get3A_11 = arith.constant 0 : index
    %get3A_12 = vector.load %arg4[%get3A_9, %get3A_10, %get3A_11] : memref<1x1x4096xf32, #tpu.memory_space<vmem>>, vector<1x1x4096xf32>
    %get3A_13 = vector.shape_cast %get3A_12 : vector<1x1x4096xf32> to vector<1x4096xf32>
    %get3A_14 = arith.constant 0 : index
    %get3A_15 = arith.constant 0 : index
    %get3A_16 = arith.constant 0 : index
    %get3A_17 = arith.constant 0 : index
    %get3A_18 = vector.load %arg5[%get3A_14, %get3A_15, %get3A_16, %get3A_17] : memref<1x1x256x1xf32, #tpu.memory_space<vmem>>, vector<1x1x256x1xf32>
    %get3A_19 = vector.shape_cast %get3A_18 : vector<1x1x256x1xf32> to vector<256x1xf32>
    %dot_general3A = arith.constant dense<0.000000e+00> : vector<256x4096xf32>
    %dot_general3A_20 = tpu.matmul %get3A_8, %get3A_3, %dot_general3A {dimension_numbers = #tpu.dot_dimension_numbers<[1], [1], [0], [0], [0, 0, 1, 0], [], []>, transpose_lhs_hint = false} : vector<256x128xf32>, vector<4096x128xf32>, vector<256x4096xf32> -> vector<256x4096xf32>
    %mul3A = arith.constant 2.000000e+00 : f32
    %mul3A_21 = vector.broadcast %mul3A : f32 to vector<256x4096xf32>
    %mul3A_22 = arith.mulf %mul3A_21, %dot_general3A_20 : vector<256x4096xf32>
    %sub3A = vector.broadcast %get3A_19 : vector<256x1xf32> to vector<256x4096xf32>
    %sub3A_23 = arith.subf %sub3A, %mul3A_22 : vector<256x4096xf32>
    %add3A = vector.broadcast %get3A_13 : vector<1x4096xf32> to vector<256x4096xf32>
    %add3A_24 = arith.addf %sub3A_23, %add3A : vector<256x4096xf32>
    %iota3A = tpu.iota {dimensions = array<i32: 1>} : vector<256x4096xi32>
    %mul3A_25 = arith.constant 256 : i32
    %mul3A_26 = arith.muli %arg1, %mul3A_25 : i32
    %iota3A_27 = tpu.iota {dimensions = array<i32: 0>} : vector<256x1xi32>
    %add3A_28 = vector.broadcast %mul3A_26 : i32 to vector<256x1xi32>
    %add3A_29 = arith.addi %add3A_28, %iota3A_27 : vector<256x1xi32>
    %eq3A = vector.broadcast %add3A_29 : vector<256x1xi32> to vector<256x4096xi32>
    %eq3A_30 = arith.cmpi eq, %iota3A, %eq3A : vector<256x4096xi32>
    %add3A_31 = arith.constant 1.000000e+10 : f32
    %add3A_32 = vector.broadcast %add3A_31 : f32 to vector<256x4096xf32>
    %add3A_33 = arith.addf %add3A_24, %add3A_32 : vector<256x4096xf32>
    %select_n3A = arith.select %eq3A_30, %add3A_33, %add3A_24 : vector<256x4096xi1>, vector<256x4096xf32>
    %reduce_min3A = arith.constant dense<0x7F800000> : vector<256xf32>
    %reduce_min3A_34 = vector.multi_reduction <minimumf>, %select_n3A, %reduce_min3A [1] : vector<256x4096xf32> to vector<256xf32>
    %broadcast_in_dim3A = vector.shape_cast %reduce_min3A_34 : vector<256xf32> to vector<256x1xf32>
    %eq3A_35 = vector.broadcast %broadcast_in_dim3A : vector<256x1xf32> to vector<256x4096xf32>
    %eq3A_36 = arith.cmpf oeq, %select_n3A, %eq3A_35 : vector<256x4096xf32>
    %jit3A = arith.constant 4096 : i32
    %broadcast_in_dim3A_37 = vector.broadcast %jit3A : i32 to vector<256x4096xi32>
    %select_n3A_38 = arith.select %eq3A_36, %iota3A, %broadcast_in_dim3A_37 : vector<256x4096xi1>, vector<256x4096xi32>
    %reduce_min3A_39 = arith.constant dense<2147483647> : vector<256xi32>
    %reduce_min3A_40 = vector.multi_reduction <minsi>, %select_n3A_38, %reduce_min3A_39 [1] : vector<256x4096xi32> to vector<256xi32>
    %broadcast_in_dim3A_41 = vector.shape_cast %reduce_min3A_40 : vector<256xi32> to vector<256x1xi32>
    %eq3A_42 = vector.broadcast %broadcast_in_dim3A_41 : vector<256x1xi32> to vector<256x4096xi32>
    %eq3A_43 = arith.cmpi eq, %iota3A, %eq3A_42 : vector<256x4096xi32>
    %jit3A_44 = arith.constant 3.000000e+10 : f32
    %broadcast_in_dim3A_45 = vector.broadcast %jit3A_44 : f32 to vector<256x4096xf32>
    %select_n3A_46 = arith.select %eq3A_43, %broadcast_in_dim3A_45, %select_n3A : vector<256x4096xi1>, vector<256x4096xf32>
    %reduce_min3A_47 = arith.constant dense<0x7F800000> : vector<256xf32>
    %reduce_min3A_48 = vector.multi_reduction <minimumf>, %select_n3A_46, %reduce_min3A_47 [1] : vector<256x4096xf32> to vector<256xf32>
    %broadcast_in_dim3A_49 = vector.shape_cast %reduce_min3A_48 : vector<256xf32> to vector<256x1xf32>
    %eq3A_50 = vector.broadcast %broadcast_in_dim3A_49 : vector<256x1xf32> to vector<256x4096xf32>
    %eq3A_51 = arith.cmpf oeq, %select_n3A_46, %eq3A_50 : vector<256x4096xf32>
    %jit3A_52 = arith.constant 4096 : i32
    %broadcast_in_dim3A_53 = vector.broadcast %jit3A_52 : i32 to vector<256x4096xi32>
    %select_n3A_54 = arith.select %eq3A_51, %iota3A, %broadcast_in_dim3A_53 : vector<256x4096xi1>, vector<256x4096xi32>
    %reduce_min3A_55 = arith.constant dense<2147483647> : vector<256xi32>
    %reduce_min3A_56 = vector.multi_reduction <minsi>, %select_n3A_54, %reduce_min3A_55 [1] : vector<256x4096xi32> to vector<256xi32>
    %broadcast_in_dim3A_57 = vector.shape_cast %reduce_min3A_56 : vector<256xi32> to vector<256x1xi32>
    %eq3A_58 = vector.broadcast %broadcast_in_dim3A_57 : vector<256x1xi32> to vector<256x4096xi32>
    %eq3A_59 = arith.cmpi eq, %iota3A, %eq3A_58 : vector<256x4096xi32>
    %jit3A_60 = arith.constant 3.000000e+10 : f32
    %broadcast_in_dim3A_61 = vector.broadcast %jit3A_60 : f32 to vector<256x4096xf32>
    %select_n3A_62 = arith.select %eq3A_59, %broadcast_in_dim3A_61, %select_n3A_46 : vector<256x4096xi1>, vector<256x4096xf32>
    %reduce_min3A_63 = arith.constant dense<0x7F800000> : vector<256xf32>
    %reduce_min3A_64 = vector.multi_reduction <minimumf>, %select_n3A_62, %reduce_min3A_63 [1] : vector<256x4096xf32> to vector<256xf32>
    %broadcast_in_dim3A_65 = vector.shape_cast %reduce_min3A_64 : vector<256xf32> to vector<256x1xf32>
    %eq3A_66 = vector.broadcast %broadcast_in_dim3A_65 : vector<256x1xf32> to vector<256x4096xf32>
    %eq3A_67 = arith.cmpf oeq, %select_n3A_62, %eq3A_66 : vector<256x4096xf32>
    %jit3A_68 = arith.constant 4096 : i32
    %broadcast_in_dim3A_69 = vector.broadcast %jit3A_68 : i32 to vector<256x4096xi32>
    %select_n3A_70 = arith.select %eq3A_67, %iota3A, %broadcast_in_dim3A_69 : vector<256x4096xi1>, vector<256x4096xi32>
    %reduce_min3A_71 = arith.constant dense<2147483647> : vector<256xi32>
    %reduce_min3A_72 = vector.multi_reduction <minsi>, %select_n3A_70, %reduce_min3A_71 [1] : vector<256x4096xi32> to vector<256xi32>
    %broadcast_in_dim3A_73 = vector.shape_cast %reduce_min3A_72 : vector<256xi32> to vector<256x1xi32>
    %eq3A_74 = vector.broadcast %broadcast_in_dim3A_73 : vector<256x1xi32> to vector<256x4096xi32>
    %eq3A_75 = arith.cmpi eq, %iota3A, %eq3A_74 : vector<256x4096xi32>
    %jit3A_76 = arith.constant 3.000000e+10 : f32
    %broadcast_in_dim3A_77 = vector.broadcast %jit3A_76 : f32 to vector<256x4096xf32>
    %select_n3A_78 = arith.select %eq3A_75, %broadcast_in_dim3A_77, %select_n3A_62 : vector<256x4096xi1>, vector<256x4096xf32>
    %reduce_min3A_79 = arith.constant dense<0x7F800000> : vector<256xf32>
    %reduce_min3A_80 = vector.multi_reduction <minimumf>, %select_n3A_78, %reduce_min3A_79 [1] : vector<256x4096xf32> to vector<256xf32>
    %broadcast_in_dim3A_81 = vector.shape_cast %reduce_min3A_80 : vector<256xf32> to vector<256x1xf32>
    %eq3A_82 = vector.broadcast %broadcast_in_dim3A_81 : vector<256x1xf32> to vector<256x4096xf32>
    %eq3A_83 = arith.cmpf oeq, %select_n3A_78, %eq3A_82 : vector<256x4096xf32>
    %jit3A_84 = arith.constant 4096 : i32
    %broadcast_in_dim3A_85 = vector.broadcast %jit3A_84 : i32 to vector<256x4096xi32>
    %select_n3A_86 = arith.select %eq3A_83, %iota3A, %broadcast_in_dim3A_85 : vector<256x4096xi1>, vector<256x4096xi32>
    %reduce_min3A_87 = arith.constant dense<2147483647> : vector<256xi32>
    %reduce_min3A_88 = vector.multi_reduction <minsi>, %select_n3A_86, %reduce_min3A_87 [1] : vector<256x4096xi32> to vector<256xi32>
    %broadcast_in_dim3A_89 = vector.shape_cast %reduce_min3A_88 : vector<256xi32> to vector<256x1xi32>
    %eq3A_90 = vector.broadcast %broadcast_in_dim3A_89 : vector<256x1xi32> to vector<256x4096xi32>
    %eq3A_91 = arith.cmpi eq, %iota3A, %eq3A_90 : vector<256x4096xi32>
    %jit3A_92 = arith.constant 3.000000e+10 : f32
    %broadcast_in_dim3A_93 = vector.broadcast %jit3A_92 : f32 to vector<256x4096xf32>
    %select_n3A_94 = arith.select %eq3A_91, %broadcast_in_dim3A_93, %select_n3A_78 : vector<256x4096xi1>, vector<256x4096xf32>
    %reduce_min3A_95 = arith.constant dense<0x7F800000> : vector<256xf32>
    %reduce_min3A_96 = vector.multi_reduction <minimumf>, %select_n3A_94, %reduce_min3A_95 [1] : vector<256x4096xf32> to vector<256xf32>
    %broadcast_in_dim3A_97 = vector.shape_cast %reduce_min3A_96 : vector<256xf32> to vector<256x1xf32>
    %eq3A_98 = vector.broadcast %broadcast_in_dim3A_97 : vector<256x1xf32> to vector<256x4096xf32>
    %eq3A_99 = arith.cmpf oeq, %select_n3A_94, %eq3A_98 : vector<256x4096xf32>
    %jit3A_100 = arith.constant 4096 : i32
    %broadcast_in_dim3A_101 = vector.broadcast %jit3A_100 : i32 to vector<256x4096xi32>
    %select_n3A_102 = arith.select %eq3A_99, %iota3A, %broadcast_in_dim3A_101 : vector<256x4096xi1>, vector<256x4096xi32>
    %reduce_min3A_103 = arith.constant dense<2147483647> : vector<256xi32>
    %reduce_min3A_104 = vector.multi_reduction <minsi>, %select_n3A_102, %reduce_min3A_103 [1] : vector<256x4096xi32> to vector<256xi32>
    %broadcast_in_dim3A_105 = vector.shape_cast %reduce_min3A_104 : vector<256xi32> to vector<256x1xi32>
    %eq3A_106 = vector.broadcast %broadcast_in_dim3A_105 : vector<256x1xi32> to vector<256x4096xi32>
    %eq3A_107 = arith.cmpi eq, %iota3A, %eq3A_106 : vector<256x4096xi32>
    %jit3A_108 = arith.constant 3.000000e+10 : f32
    %broadcast_in_dim3A_109 = vector.broadcast %jit3A_108 : f32 to vector<256x4096xf32>
    %select_n3A_110 = arith.select %eq3A_107, %broadcast_in_dim3A_109, %select_n3A_94 : vector<256x4096xi1>, vector<256x4096xf32>
    %reduce_min3A_111 = arith.constant dense<0x7F800000> : vector<256xf32>
    %reduce_min3A_112 = vector.multi_reduction <minimumf>, %select_n3A_110, %reduce_min3A_111 [1] : vector<256x4096xf32> to vector<256xf32>
    %broadcast_in_dim3A_113 = vector.shape_cast %reduce_min3A_112 : vector<256xf32> to vector<256x1xf32>
    %eq3A_114 = vector.broadcast %broadcast_in_dim3A_113 : vector<256x1xf32> to vector<256x4096xf32>
    %eq3A_115 = arith.cmpf oeq, %select_n3A_110, %eq3A_114 : vector<256x4096xf32>
    %jit3A_116 = arith.constant 4096 : i32
    %broadcast_in_dim3A_117 = vector.broadcast %jit3A_116 : i32 to vector<256x4096xi32>
    %select_n3A_118 = arith.select %eq3A_115, %iota3A, %broadcast_in_dim3A_117 : vector<256x4096xi1>, vector<256x4096xi32>
    %reduce_min3A_119 = arith.constant dense<2147483647> : vector<256xi32>
    %reduce_min3A_120 = vector.multi_reduction <minsi>, %select_n3A_118, %reduce_min3A_119 [1] : vector<256x4096xi32> to vector<256xi32>
    %broadcast_in_dim3A_121 = vector.shape_cast %reduce_min3A_120 : vector<256xi32> to vector<256x1xi32>
    %eq3A_122 = vector.broadcast %broadcast_in_dim3A_121 : vector<256x1xi32> to vector<256x4096xi32>
    %eq3A_123 = arith.cmpi eq, %iota3A, %eq3A_122 : vector<256x4096xi32>
    %jit3A_124 = arith.constant 3.000000e+10 : f32
    %broadcast_in_dim3A_125 = vector.broadcast %jit3A_124 : f32 to vector<256x4096xf32>
    %select_n3A_126 = arith.select %eq3A_123, %broadcast_in_dim3A_125, %select_n3A_110 : vector<256x4096xi1>, vector<256x4096xf32>
    %reduce_min3A_127 = arith.constant dense<0x7F800000> : vector<256xf32>
    %reduce_min3A_128 = vector.multi_reduction <minimumf>, %select_n3A_126, %reduce_min3A_127 [1] : vector<256x4096xf32> to vector<256xf32>
    %broadcast_in_dim3A_129 = vector.shape_cast %reduce_min3A_128 : vector<256xf32> to vector<256x1xf32>
    %eq3A_130 = vector.broadcast %broadcast_in_dim3A_129 : vector<256x1xf32> to vector<256x4096xf32>
    %eq3A_131 = arith.cmpf oeq, %select_n3A_126, %eq3A_130 : vector<256x4096xf32>
    %jit3A_132 = arith.constant 4096 : i32
    %broadcast_in_dim3A_133 = vector.broadcast %jit3A_132 : i32 to vector<256x4096xi32>
    %select_n3A_134 = arith.select %eq3A_131, %iota3A, %broadcast_in_dim3A_133 : vector<256x4096xi1>, vector<256x4096xi32>
    %reduce_min3A_135 = arith.constant dense<2147483647> : vector<256xi32>
    %reduce_min3A_136 = vector.multi_reduction <minsi>, %select_n3A_134, %reduce_min3A_135 [1] : vector<256x4096xi32> to vector<256xi32>
    %broadcast_in_dim3A_137 = vector.shape_cast %reduce_min3A_136 : vector<256xi32> to vector<256x1xi32>
    %eq3A_138 = vector.broadcast %broadcast_in_dim3A_137 : vector<256x1xi32> to vector<256x4096xi32>
    %eq3A_139 = arith.cmpi eq, %iota3A, %eq3A_138 : vector<256x4096xi32>
    %jit3A_140 = arith.constant 3.000000e+10 : f32
    %broadcast_in_dim3A_141 = vector.broadcast %jit3A_140 : f32 to vector<256x4096xf32>
    %select_n3A_142 = arith.select %eq3A_139, %broadcast_in_dim3A_141, %select_n3A_126 : vector<256x4096xi1>, vector<256x4096xf32>
    %reduce_min3A_143 = arith.constant dense<0x7F800000> : vector<256xf32>
    %reduce_min3A_144 = vector.multi_reduction <minimumf>, %select_n3A_142, %reduce_min3A_143 [1] : vector<256x4096xf32> to vector<256xf32>
    %broadcast_in_dim3A_145 = vector.shape_cast %reduce_min3A_144 : vector<256xf32> to vector<256x1xf32>
    %eq3A_146 = vector.broadcast %broadcast_in_dim3A_145 : vector<256x1xf32> to vector<256x4096xf32>
    %eq3A_147 = arith.cmpf oeq, %select_n3A_142, %eq3A_146 : vector<256x4096xf32>
    %jit3A_148 = arith.constant 4096 : i32
    %broadcast_in_dim3A_149 = vector.broadcast %jit3A_148 : i32 to vector<256x4096xi32>
    %select_n3A_150 = arith.select %eq3A_147, %iota3A, %broadcast_in_dim3A_149 : vector<256x4096xi1>, vector<256x4096xi32>
    %reduce_min3A_151 = arith.constant dense<2147483647> : vector<256xi32>
    %reduce_min3A_152 = vector.multi_reduction <minsi>, %select_n3A_150, %reduce_min3A_151 [1] : vector<256x4096xi32> to vector<256xi32>
    %broadcast_in_dim3A_153 = vector.shape_cast %reduce_min3A_152 : vector<256xi32> to vector<256x1xi32>
    %eq3A_154 = vector.broadcast %broadcast_in_dim3A_153 : vector<256x1xi32> to vector<256x4096xi32>
    %eq3A_155 = arith.cmpi eq, %iota3A, %eq3A_154 : vector<256x4096xi32>
    %jit3A_156 = arith.constant 3.000000e+10 : f32
    %broadcast_in_dim3A_157 = vector.broadcast %jit3A_156 : f32 to vector<256x4096xf32>
    %select_n3A_158 = arith.select %eq3A_155, %broadcast_in_dim3A_157, %select_n3A_142 : vector<256x4096xi1>, vector<256x4096xf32>
    %reduce_min3A_159 = arith.constant dense<0x7F800000> : vector<256xf32>
    %reduce_min3A_160 = vector.multi_reduction <minimumf>, %select_n3A_158, %reduce_min3A_159 [1] : vector<256x4096xf32> to vector<256xf32>
    %broadcast_in_dim3A_161 = vector.shape_cast %reduce_min3A_160 : vector<256xf32> to vector<256x1xf32>
    %eq3A_162 = vector.broadcast %broadcast_in_dim3A_161 : vector<256x1xf32> to vector<256x4096xf32>
    %eq3A_163 = arith.cmpf oeq, %select_n3A_158, %eq3A_162 : vector<256x4096xf32>
    %jit3A_164 = arith.constant 4096 : i32
    %broadcast_in_dim3A_165 = vector.broadcast %jit3A_164 : i32 to vector<256x4096xi32>
    %select_n3A_166 = arith.select %eq3A_163, %iota3A, %broadcast_in_dim3A_165 : vector<256x4096xi1>, vector<256x4096xi32>
    %reduce_min3A_167 = arith.constant dense<2147483647> : vector<256xi32>
    %reduce_min3A_168 = vector.multi_reduction <minsi>, %select_n3A_166, %reduce_min3A_167 [1] : vector<256x4096xi32> to vector<256xi32>
    %broadcast_in_dim3A_169 = vector.shape_cast %reduce_min3A_168 : vector<256xi32> to vector<256x1xi32>
    %concatenate3A = tpu.concatenate %broadcast_in_dim3A_41, %broadcast_in_dim3A_57, %broadcast_in_dim3A_73, %broadcast_in_dim3A_89, %broadcast_in_dim3A_105, %broadcast_in_dim3A_121, %broadcast_in_dim3A_137, %broadcast_in_dim3A_153, %broadcast_in_dim3A_169 in 1 : vector<256x1xi32>, vector<256x1xi32>, vector<256x1xi32>, vector<256x1xi32>, vector<256x1xi32>, vector<256x1xi32>, vector<256x1xi32>, vector<256x1xi32>, vector<256x1xi32> -> vector<256x9xi32>
    %mul3A_170 = arith.constant 4096 : i32
    %mul3A_171 = arith.muli %arg0, %mul3A_170 : i32
    %add3A_172 = vector.broadcast %mul3A_171 : i32 to vector<256x9xi32>
    %add3A_173 = arith.addi %concatenate3A, %add3A_172 : vector<256x9xi32>
    %swap3A = arith.constant 0 : index
    %swap3A_174 = arith.constant 0 : index
    %swap3A_175 = arith.constant 0 : index
    %swap3A_176 = vector.load %arg6[%swap3A, %swap3A_174, %swap3A_175] : memref<1x256x9xi32, #tpu.memory_space<vmem>>, vector<1x256x9xi32>
    %swap3A_177 = vector.shape_cast %swap3A_176 : vector<1x256x9xi32> to vector<256x9xi32>
    %swap3A_178 = vector.shape_cast %add3A_173 : vector<256x9xi32> to vector<1x256x9xi32>
    tpu.vector_store %arg6[%swap3A, %swap3A_174, %swap3A_175], %swap3A_178 {strides = array<i32>} : memref<1x256x9xi32, #tpu.memory_space<vmem>>, vector<1x256x9xi32>,
    return
  }
  func.func @transform_0(%arg0: i32, %arg1: i32) -> (i32, i32, i32) {
    %c0_i32 = arith.constant 0 : i32
    %c0_i32_0 = arith.constant 0 : i32
    %c0_i32_1 = arith.constant 0 : i32
    return %arg0, %c0_i32, %c0_i32_0 : i32, i32, i32
  }
  func.func @transform_1(%arg0: i32, %arg1: i32) -> (i32, i32, i32) {
    %c0_i32 = arith.constant 0 : i32
    %c0_i32_0 = arith.constant 0 : i32
    return %arg0, %arg1, %c0_i32 : i32, i32, i32
  }
  func.func @transform_2(%arg0: i32, %arg1: i32) -> (i32, i32, i32) {
    %c0_i32 = arith.constant 0 : i32
    %c0_i32_0 = arith.constant 0 : i32
    %c0_i32_1 = arith.constant 0 : i32
    return %arg0, %c0_i32, %c0_i32_0 : i32, i32, i32
  }
  func.func @transform_3(%arg0: i32, %arg1: i32) -> (i32, i32, i32, i32) {
    %c0_i32 = arith.constant 0 : i32
    %c0_i32_0 = arith.constant 0 : i32
    %c0_i32_1 = arith.constant 0 : i32
    return %arg0, %arg1, %c0_i32, %c0_i32_0 : i32, i32, i32, i32
  }
  func.func @transform_4(%arg0: i32, %arg1: i32) -> (i32, i32, i32) {
    %c0_i32 = arith.constant 0 : i32
    %c0_i32_0 = arith.constant 0 : i32
    return %arg0, %arg1, %c0_i32 : i32, i32, i32
  }
}

module attributes {stable_mosaic.version = 14 : i64} {
  func.func @_hmax_body(%arg0: i32, %arg1: memref<512x128xf32, #tpu.memory_space<vmem>>, %arg2: memref<4608x128xf32, #tpu.memory_space<vmem>>, %arg3: memref<256x128xf32, #tpu.memory_space<vmem>>, %arg4: memref<512x128xf32, #tpu.memory_space<vmem>>, %arg5: memref<1x128x4608xf32, #tpu.memory_space<vmem>>) attributes {dimension_semantics = [#tpu.dimension_semantics<arbitrary>], iteration_bounds = array<i64: 16>, scalar_prefetch = 0 : i64, scratch_operands = 0 : i64, tpu.core_type = #tpu.core_type<tc>, window_params = [{transform_indices = @transform_0, window_bounds = array<i64: 512, 128>}, {transform_indices = @transform_1, window_bounds = array<i64: 4608, 128>}, {pipeline_mode = #tpu.pipeline_mode<synchronous>, transform_indices = @transform_2, window_bounds = array<i64: 256, 128>}, {transform_indices = @transform_3, window_bounds = array<i64: 512, 128>}, {transform_indices = @transform_4, window_bounds = array<i64: 1, 128, 4608>}]} {
    %get3A = arith.constant 0 : index
    %get3A_0 = arith.constant 0 : index
    %get3A_1 = vector.load %arg1[%get3A, %get3A_0] : memref<512x128xf32, #tpu.memory_space<vmem>>, vector<512x128xf32>
    %broadcast_in_dim3A = vector.shape_cast %get3A_1 : vector<512x128xf32> to vector<512x1x128xf32>
    %broadcast_in_dim3A_2 = vector.shape_cast %broadcast_in_dim3A : vector<512x1x128xf32> to vector<512x1x128xf32>
    %broadcast_in_dim3A_3 = vector.broadcast %broadcast_in_dim3A_2 : vector<512x1x128xf32> to vector<512x9x128xf32>
    %reshape3A = vector.shape_cast %broadcast_in_dim3A_3 : vector<512x9x128xf32> to vector<4608x128xf32>
    %get3A_4 = arith.constant 0 : index
    %get3A_5 = arith.constant 0 : index
    %get3A_6 = vector.load %arg2[%get3A_4, %get3A_5] : memref<4608x128xf32, #tpu.memory_space<vmem>>, vector<4608x128xf32>
    %sub3A = arith.subf %get3A_6, %reshape3A : vector<4608x128xf32>
    %concatenate3A = tpu.concatenate %reshape3A, %sub3A in 1 : vector<4608x128xf32>, vector<4608x128xf32> -> vector<4608x256xf32>
    %get3A_7 = arith.constant 0 : index
    %get3A_8 = arith.constant 0 : index
    %get3A_9 = vector.load %arg3[%get3A_7, %get3A_8] : memref<256x128xf32, #tpu.memory_space<vmem>>, vector<256x128xf32>
    %dot_general3A = arith.constant dense<0.000000e+00> : vector<4608x128xf32>
    %dot_general3A_10 = tpu.matmul %concatenate3A, %get3A_9, %dot_general3A {dimension_numbers = #tpu.dot_dimension_numbers<[1], [0], [0], [1], [0, 0, 1, 1], [], []>, transpose_lhs_hint = false} : vector<4608x256xf32>, vector<256x128xf32>, vector<4608x128xf32> -> vector<4608x128xf32>
    %reshape3A_11 = vector.shape_cast %dot_general3A_10 : vector<4608x128xf32> to vector<512x9x128xf32>
    %reduce_max3A = arith.constant dense<0xFF800000> : vector<512x128xf32>
    %reduce_max3A_12 = vector.multi_reduction <maximumf>, %reshape3A_11, %reduce_max3A [1] : vector<512x9x128xf32> to vector<512x128xf32>
    %swap3A = arith.constant 0 : index
    %swap3A_13 = arith.constant 0 : index
    %swap3A_14 = vector.load %arg4[%swap3A, %swap3A_13] : memref<512x128xf32, #tpu.memory_space<vmem>>, vector<512x128xf32>
    tpu.vector_store %arg4[%swap3A, %swap3A_13], %reduce_max3A_12 {strides = array<i32>} : memref<512x128xf32, #tpu.memory_space<vmem>>, vector<512x128xf32>,
    %transpose3A = tpu.transpose %dot_general3A_10, [1, 0] : vector<4608x128xf32> -> vector<128x4608xf32>
    %swap3A_15 = arith.constant 0 : index
    %swap3A_16 = arith.constant 0 : index
    %swap3A_17 = arith.constant 0 : index
    %swap3A_18 = vector.load %arg5[%swap3A_15, %swap3A_16, %swap3A_17] : memref<1x128x4608xf32, #tpu.memory_space<vmem>>, vector<1x128x4608xf32>
    %swap3A_19 = vector.shape_cast %swap3A_18 : vector<1x128x4608xf32> to vector<128x4608xf32>
    %swap3A_20 = vector.shape_cast %transpose3A : vector<128x4608xf32> to vector<1x128x4608xf32>
    tpu.vector_store %arg5[%swap3A_15, %swap3A_16, %swap3A_17], %swap3A_20 {strides = array<i32>} : memref<1x128x4608xf32, #tpu.memory_space<vmem>>, vector<1x128x4608xf32>,
    return
  }
  func.func @transform_0(%arg0: i32) -> (i32, i32) {
    %c0_i32 = arith.constant 0 : i32
    %c0_i32_0 = arith.constant 0 : i32
    return %arg0, %c0_i32 : i32, i32
  }
  func.func @transform_1(%arg0: i32) -> (i32, i32) {
    %c0_i32 = arith.constant 0 : i32
    %c0_i32_0 = arith.constant 0 : i32
    return %arg0, %c0_i32 : i32, i32
  }
  func.func @transform_2(%arg0: i32) -> (i32, i32) {
    %c0_i32 = arith.constant 0 : i32
    %c0_i32_0 = arith.constant 0 : i32
    %c0_i32_1 = arith.constant 0 : i32
    return %c0_i32, %c0_i32_0 : i32, i32
  }
  func.func @transform_3(%arg0: i32) -> (i32, i32) {
    %c0_i32 = arith.constant 0 : i32
    %c0_i32_0 = arith.constant 0 : i32
    return %arg0, %c0_i32 : i32, i32
  }
  func.func @transform_4(%arg0: i32) -> (i32, i32, i32) {
    %jit3A = arith.constant 8 : i32
    %div3A = arith.divsi %arg0, %jit3A : i32
    %sign3A = arith.constant 0 : i32
    %sign3A_0 = arith.cmpi sgt, %arg0, %sign3A : i32
    %sign3A_1 = arith.extui %sign3A_0 : i1 to i32
    %sign3A_2 = arith.constant 0 : i32
    %sign3A_3 = arith.cmpi slt, %arg0, %sign3A_2 : i32
    %sign3A_4 = arith.extui %sign3A_3 : i1 to i32
    %sign3A_5 = arith.subi %sign3A_1, %sign3A_4 : i32
    %sign3A_6 = arith.constant 0 : i32
    %sign3A_7 = arith.cmpi sgt, %jit3A, %sign3A_6 : i32
    %sign3A_8 = arith.extui %sign3A_7 : i1 to i32
    %sign3A_9 = arith.constant 0 : i32
    %sign3A_10 = arith.cmpi slt, %jit3A, %sign3A_9 : i32
    %sign3A_11 = arith.extui %sign3A_10 : i1 to i32
    %sign3A_12 = arith.subi %sign3A_8, %sign3A_11 : i32
    %ne3A = arith.cmpi ne, %sign3A_5, %sign3A_12 : i32
    %rem3A = arith.remsi %arg0, %jit3A : i32
    %ne3A_13 = arith.constant 0 : i32
    %ne3A_14 = arith.cmpi ne, %rem3A, %ne3A_13 : i32
    %and3A = arith.andi %ne3A, %ne3A_14 : i1
    %sub3A = arith.constant 1 : i32
    %sub3A_15 = arith.subi %div3A, %sub3A : i32
    %select_n3A = arith.select %and3A, %sub3A_15, %div3A : i32
    %jit3A_16 = arith.constant 8 : i32
    %eq3A = arith.constant 0 : i32
    %eq3A_17 = arith.cmpi eq, %jit3A_16, %eq3A : i32
    %jit3A_18 = arith.constant 1 : i32
    %select_n3A_19 = arith.select %eq3A_17, %jit3A_18, %jit3A_16 : i32
    %rem3A_20 = arith.remsi %arg0, %select_n3A_19 : i32
    %ne3A_21 = arith.constant 0 : i32
    %ne3A_22 = arith.cmpi ne, %rem3A_20, %ne3A_21 : i32
    %lt3A = arith.constant 0 : i32
    %lt3A_23 = arith.cmpi slt, %rem3A_20, %lt3A : i32
    %lt3A_24 = arith.constant 0 : i32
    %lt3A_25 = arith.cmpi slt, %select_n3A_19, %lt3A_24 : i32
    %ne3A_26 = arith.xori %lt3A_23, %lt3A_25 : i1
    %and3A_27 = arith.andi %ne3A_26, %ne3A_22 : i1
    %add3A = arith.addi %rem3A_20, %select_n3A_19 : i32
    %select_n3A_28 = arith.select %and3A_27, %add3A, %rem3A_20 : i32
    %c0_i32 = arith.constant 0 : i32
    %c0_i32_29 = arith.constant 0 : i32
    return %select_n3A, %c0_i32, %select_n3A_28 : i32, i32, i32
  }
}

module attributes {stable_mosaic.version = 14 : i64} {
  func.func @_edge_body(%arg0: i32, %arg1: i32, %arg2: memref<1x1024x128xf32, #tpu.memory_space<vmem>>, %arg3: memref<1x128xf32, #tpu.memory_space<vmem>>, %arg4: memref<1x128xf32, #tpu.memory_space<vmem>>, %arg5: memref<1x1024x128xf32, #tpu.memory_space<vmem>>) attributes {dimension_semantics = [#tpu.dimension_semantics<arbitrary>, #tpu.dimension_semantics<arbitrary>], iteration_bounds = array<i64: 2, 4>, scalar_prefetch = 0 : i64, scratch_operands = 0 : i64, tpu.core_type = #tpu.core_type<tc>, window_params = [{transform_indices = @transform_0, window_bounds = array<i64: 1, 1024, 128>}, {pipeline_mode = #tpu.pipeline_mode<synchronous>, transform_indices = @transform_1, window_bounds = array<i64: 1, 128>}, {pipeline_mode = #tpu.pipeline_mode<synchronous>, transform_indices = @transform_2, window_bounds = array<i64: 1, 128>}, {transform_indices = @transform_3, window_bounds = array<i64: 1, 1024, 128>}]} {
    %get3A = arith.constant 0 : index
    %get3A_0 = arith.constant 0 : index
    %get3A_1 = vector.load %arg4[%get3A, %get3A_0] : memref<1x128xf32, #tpu.memory_space<vmem>>, vector<1x128xf32>
    %add3A = arith.constant 9.99999974E-6 : f32
    %add3A_2 = vector.broadcast %add3A : f32 to vector<1x128xf32>
    %add3A_3 = arith.addf %get3A_1, %add3A_2 : vector<1x128xf32>
    %sqrt3A = math.sqrt %add3A_3 : vector<1x128xf32>
    %get3A_4 = arith.constant 0 : index
    %get3A_5 = arith.constant 0 : index
    %get3A_6 = arith.constant 0 : index
    %get3A_7 = vector.load %arg2[%get3A_4, %get3A_5, %get3A_6] : memref<1x1024x128xf32, #tpu.memory_space<vmem>>, vector<1x1024x128xf32>
    %get3A_8 = vector.shape_cast %get3A_7 : vector<1x1024x128xf32> to vector<1024x128xf32>
    %get3A_9 = arith.constant 0 : index
    %get3A_10 = arith.constant 0 : index
    %get3A_11 = vector.load %arg3[%get3A_9, %get3A_10] : memref<1x128xf32, #tpu.memory_space<vmem>>, vector<1x128xf32>
    %sub3A = vector.broadcast %get3A_11 : vector<1x128xf32> to vector<1024x128xf32>
    %sub3A_12 = arith.subf %get3A_8, %sub3A : vector<1024x128xf32>
    %div3A = vector.broadcast %sqrt3A : vector<1x128xf32> to vector<1024x128xf32>
    %div3A_13 = arith.divf %sub3A_12, %div3A : vector<1024x128xf32>
    %ge3A = arith.constant 0.000000e+00 : f32
    %ge3A_14 = vector.broadcast %ge3A : f32 to vector<1024x128xf32>
    %ge3A_15 = arith.cmpf oge, %div3A_13, %ge3A_14 : vector<1024x128xf32>
    %mul3A = arith.constant 2.000000e-01 : f32
    %mul3A_16 = vector.broadcast %mul3A : f32 to vector<1024x128xf32>
    %mul3A_17 = arith.mulf %mul3A_16, %div3A_13 : vector<1024x128xf32>
    %select_n3A = arith.select %ge3A_15, %div3A_13, %mul3A_17 : vector<1024x128xi1>, vector<1024x128xf32>
    %swap3A = arith.constant 0 : index
    %swap3A_18 = arith.constant 0 : index
    %swap3A_19 = arith.constant 0 : index
    %swap3A_20 = vector.load %arg5[%swap3A, %swap3A_18, %swap3A_19] : memref<1x1024x128xf32, #tpu.memory_space<vmem>>, vector<1x1024x128xf32>
    %swap3A_21 = vector.shape_cast %swap3A_20 : vector<1x1024x128xf32> to vector<1024x128xf32>
    %swap3A_22 = vector.shape_cast %select_n3A : vector<1024x128xf32> to vector<1x1024x128xf32>
    tpu.vector_store %arg5[%swap3A, %swap3A_18, %swap3A_19], %swap3A_22 {strides = array<i32>} : memref<1x1024x128xf32, #tpu.memory_space<vmem>>, vector<1x1024x128xf32>,
    return
  }
  func.func @transform_0(%arg0: i32, %arg1: i32) -> (i32, i32, i32) {
    %c0_i32 = arith.constant 0 : i32
    %c0_i32_0 = arith.constant 0 : i32
    return %arg0, %arg1, %c0_i32 : i32, i32, i32
  }
  func.func @transform_1(%arg0: i32, %arg1: i32) -> (i32, i32) {
    %c0_i32 = arith.constant 0 : i32
    %c0_i32_0 = arith.constant 0 : i32
    %c0_i32_1 = arith.constant 0 : i32
    return %c0_i32, %c0_i32_0 : i32, i32
  }
  func.func @transform_2(%arg0: i32, %arg1: i32) -> (i32, i32) {
    %c0_i32 = arith.constant 0 : i32
    %c0_i32_0 = arith.constant 0 : i32
    %c0_i32_1 = arith.constant 0 : i32
    return %c0_i32, %c0_i32_0 : i32, i32
  }
  func.func @transform_3(%arg0: i32, %arg1: i32) -> (i32, i32, i32) {
    %c0_i32 = arith.constant 0 : i32
    %c0_i32_0 = arith.constant 0 : i32
    return %arg0, %arg1, %c0_i32 : i32, i32, i32
  }
}

module attributes {stable_mosaic.version = 14 : i64} {
  func.func @_wconv_body(%arg0: i32, %arg1: i32, %arg2: memref<1x1024x128xf32, #tpu.memory_space<vmem>>, %arg3: memref<1x1024x128xf32, #tpu.memory_space<vmem>>, %arg4: memref<1x1024x128xf32, #tpu.memory_space<vmem>>, %arg5: memref<1x1024x5xf32, #tpu.memory_space<vmem>>, %arg6: memref<640x256xf32, #tpu.memory_space<vmem>>, %arg7: memref<1x256xf32, #tpu.memory_space<vmem>>, %arg8: memref<1x1024x256xf32, #tpu.memory_space<vmem>>) attributes {dimension_semantics = [#tpu.dimension_semantics<arbitrary>, #tpu.dimension_semantics<arbitrary>], iteration_bounds = array<i64: 2, 4>, scalar_prefetch = 0 : i64, scratch_operands = 0 : i64, tpu.core_type = #tpu.core_type<tc>, window_params = [{transform_indices = @transform_0, window_bounds = array<i64: 1, 1024, 128>}, {transform_indices = @transform_1, window_bounds = array<i64: 1, 1024, 128>}, {transform_indices = @transform_2, window_bounds = array<i64: 1, 1024, 128>}, {transform_indices = @transform_3, window_bounds = array<i64: 1, 1024, 5>}, {pipeline_mode = #tpu.pipeline_mode<synchronous>, transform_indices = @transform_4, window_bounds = array<i64: 640, 256>}, {pipeline_mode = #tpu.pipeline_mode<synchronous>, transform_indices = @transform_5, window_bounds = array<i64: 1, 256>}, {transform_indices = @transform_6, window_bounds = array<i64: 1, 1024, 256>}]} {
    %get3A = arith.constant 0 : index
    %get3A_0 = arith.constant 0 : index
    %get3A_1 = arith.constant 0 : index
    %get3A_2 = vector.load %arg2[%get3A, %get3A_0, %get3A_1] : memref<1x1024x128xf32, #tpu.memory_space<vmem>>, vector<1x1024x128xf32>
    %get3A_3 = vector.shape_cast %get3A_2 : vector<1x1024x128xf32> to vector<1024x128xf32>
    %get3A_4 = arith.constant 0 : index
    %get3A_5 = arith.constant 0 : index
    %get3A_6 = arith.constant 0 : index
    %get3A_7 = vector.load %arg3[%get3A_4, %get3A_5, %get3A_6] : memref<1x1024x128xf32, #tpu.memory_space<vmem>>, vector<1x1024x128xf32>
    %get3A_8 = vector.shape_cast %get3A_7 : vector<1x1024x128xf32> to vector<1024x128xf32>
    %get3A_9 = arith.constant 0 : index
    %get3A_10 = arith.constant 0 : index
    %get3A_11 = arith.constant 0 : index
    %get3A_12 = vector.load %arg4[%get3A_9, %get3A_10, %get3A_11] : memref<1x1024x128xf32, #tpu.memory_space<vmem>>, vector<1x1024x128xf32>
    %get3A_13 = vector.shape_cast %get3A_12 : vector<1x1024x128xf32> to vector<1024x128xf32>
    %concatenate3A = tpu.concatenate %get3A_3, %get3A_8, %get3A_13 in 0 : vector<1024x128xf32>, vector<1024x128xf32>, vector<1024x128xf32> -> vector<3072x128xf32>
    %sub3A = arith.constant 1 : i32
    %sub3A_14 = arith.subi %arg1, %sub3A : i32
    %mul3A = arith.constant 1024 : i32
    %mul3A_15 = arith.muli %sub3A_14, %mul3A : i32
    %iota3A = tpu.iota {dimensions = array<i32: 0>} : vector<3072x1xi32>
    %add3A = vector.broadcast %mul3A_15 : i32 to vector<3072x1xi32>
    %add3A_16 = arith.addi %add3A, %iota3A : vector<3072x1xi32>
    %ge3A = arith.constant 0 : i32
    %ge3A_17 = vector.broadcast %ge3A : i32 to vector<3072x1xi32>
    %ge3A_18 = arith.cmpi sge, %add3A_16, %ge3A_17 : vector<3072x1xi32>
    %lt3A = arith.constant 4096 : i32
    %lt3A_19 = vector.broadcast %lt3A : i32 to vector<3072x1xi32>
    %lt3A_20 = arith.cmpi slt, %add3A_16, %lt3A_19 : vector<3072x1xi32>
    %and3A = arith.andi %ge3A_18, %lt3A_20 : vector<3072x1xi1>
    %jit3A = arith.constant 0.000000e+00 : f32
    %broadcast_in_dim3A = vector.shape_cast %and3A : vector<3072x1xi1> to vector<3072x1xi1>
    %broadcast_in_dim3A_21 = vector.broadcast %broadcast_in_dim3A : vector<3072x1xi1> to vector<3072x128xi1>
    %broadcast_in_dim3A_22 = vector.broadcast %jit3A : f32 to vector<3072x128xf32>
    %select_n3A = arith.select %broadcast_in_dim3A_21, %concatenate3A, %broadcast_in_dim3A_22 : vector<3072x128xi1>, vector<3072x128xf32>
    %get3A_23 = arith.constant 0 : index
    %get3A_24 = arith.constant 0 : index
    %get3A_25 = arith.constant 0 : index
    %get3A_26 = vector.load %arg5[%get3A_23, %get3A_24, %get3A_25] : memref<1x1024x5xf32, #tpu.memory_space<vmem>>, vector<1x1024x5xf32>
    %get3A_27 = vector.shape_cast %get3A_26 : vector<1x1024x5xf32> to vector<1024x5xf32>
    %slice3A = vector.extract_strided_slice %select_n3A {offsets = [1008, 0], sizes = [1024, 128], strides = [1, 1]} : vector<3072x128xf32> to vector<1024x128xf32>
    %slice3A_28 = vector.extract_strided_slice %get3A_27 {offsets = [0, 0], sizes = [1024, 1], strides = [1, 1]} : vector<1024x5xf32> to vector<1024x1xf32>
    %mul3A_29 = vector.broadcast %slice3A_28 : vector<1024x1xf32> to vector<1024x128xf32>
    %mul3A_30 = arith.mulf %slice3A, %mul3A_29 : vector<1024x128xf32>
    %slice3A_31 = vector.extract_strided_slice %select_n3A {offsets = [1016, 0], sizes = [1024, 128], strides = [1, 1]} : vector<3072x128xf32> to vector<1024x128xf32>
    %slice3A_32 = vector.extract_strided_slice %get3A_27 {offsets = [0, 1], sizes = [1024, 1], strides = [1, 1]} : vector<1024x5xf32> to vector<1024x1xf32>
    %mul3A_33 = vector.broadcast %slice3A_32 : vector<1024x1xf32> to vector<1024x128xf32>
    %mul3A_34 = arith.mulf %slice3A_31, %mul3A_33 : vector<1024x128xf32>
    %slice3A_35 = vector.extract_strided_slice %select_n3A {offsets = [1024, 0], sizes = [1024, 128], strides = [1, 1]} : vector<3072x128xf32> to vector<1024x128xf32>
    %slice3A_36 = vector.extract_strided_slice %get3A_27 {offsets = [0, 2], sizes = [1024, 1], strides = [1, 1]} : vector<1024x5xf32> to vector<1024x1xf32>
    %mul3A_37 = vector.broadcast %slice3A_36 : vector<1024x1xf32> to vector<1024x128xf32>
    %mul3A_38 = arith.mulf %slice3A_35, %mul3A_37 : vector<1024x128xf32>
    %slice3A_39 = vector.extract_strided_slice %select_n3A {offsets = [1032, 0], sizes = [1024, 128], strides = [1, 1]} : vector<3072x128xf32> to vector<1024x128xf32>
    %slice3A_40 = vector.extract_strided_slice %get3A_27 {offsets = [0, 3], sizes = [1024, 1], strides = [1, 1]} : vector<1024x5xf32> to vector<1024x1xf32>
    %mul3A_41 = vector.broadcast %slice3A_40 : vector<1024x1xf32> to vector<1024x128xf32>
    %mul3A_42 = arith.mulf %slice3A_39, %mul3A_41 : vector<1024x128xf32>
    %slice3A_43 = vector.extract_strided_slice %select_n3A {offsets = [1040, 0], sizes = [1024, 128], strides = [1, 1]} : vector<3072x128xf32> to vector<1024x128xf32>
    %slice3A_44 = vector.extract_strided_slice %get3A_27 {offsets = [0, 4], sizes = [1024, 1], strides = [1, 1]} : vector<1024x5xf32> to vector<1024x1xf32>
    %mul3A_45 = vector.broadcast %slice3A_44 : vector<1024x1xf32> to vector<1024x128xf32>
    %mul3A_46 = arith.mulf %slice3A_43, %mul3A_45 : vector<1024x128xf32>
    %concatenate3A_47 = tpu.concatenate %mul3A_30, %mul3A_34, %mul3A_38, %mul3A_42, %mul3A_46 in 1 : vector<1024x128xf32>, vector<1024x128xf32>, vector<1024x128xf32>, vector<1024x128xf32>, vector<1024x128xf32> -> vector<1024x640xf32>
    %get3A_48 = arith.constant 0 : index
    %get3A_49 = arith.constant 0 : index
    %get3A_50 = vector.load %arg6[%get3A_48, %get3A_49] : memref<640x256xf32, #tpu.memory_space<vmem>>, vector<640x256xf32>
    %dot_general3A = arith.constant dense<0.000000e+00> : vector<1024x256xf32>
    %dot_general3A_51 = tpu.matmul %concatenate3A_47, %get3A_50, %dot_general3A {dimension_numbers = #tpu.dot_dimension_numbers<[1], [0], [0], [1], [0, 0, 1, 1], [], []>, transpose_lhs_hint = false} : vector<1024x640xf32>, vector<640x256xf32>, vector<1024x256xf32> -> vector<1024x256xf32>
    %get3A_52 = arith.constant 0 : index
    %get3A_53 = arith.constant 0 : index
    %get3A_54 = vector.load %arg7[%get3A_52, %get3A_53] : memref<1x256xf32, #tpu.memory_space<vmem>>, vector<1x256xf32>
    %add3A_55 = vector.broadcast %get3A_54 : vector<1x256xf32> to vector<1024x256xf32>
    %add3A_56 = arith.addf %dot_general3A_51, %add3A_55 : vector<1024x256xf32>
    %swap3A = arith.constant 0 : index
    %swap3A_57 = arith.constant 0 : index
    %swap3A_58 = arith.constant 0 : index
    %swap3A_59 = vector.load %arg8[%swap3A, %swap3A_57, %swap3A_58] : memref<1x1024x256xf32, #tpu.memory_space<vmem>>, vector<1x1024x256xf32>
    %swap3A_60 = vector.shape_cast %swap3A_59 : vector<1x1024x256xf32> to vector<1024x256xf32>
    %swap3A_61 = vector.shape_cast %add3A_56 : vector<1024x256xf32> to vector<1x1024x256xf32>
    tpu.vector_store %arg8[%swap3A, %swap3A_57, %swap3A_58], %swap3A_61 {strides = array<i32>} : memref<1x1024x256xf32, #tpu.memory_space<vmem>>, vector<1x1024x256xf32>,
    return
  }
  func.func @transform_0(%arg0: i32, %arg1: i32) -> (i32, i32, i32) {
    %add3A = arith.constant -1 : i32
    %add3A_0 = arith.addi %arg1, %add3A : i32
    %jit3A = arith.constant 0 : i32
    %jit3A_1 = arith.constant 3 : i32
    %max3A = arith.maxsi %jit3A, %add3A_0 : i32
    %min3A = arith.minsi %jit3A_1, %max3A : i32
    %c0_i32 = arith.constant 0 : i32
    %c0_i32_2 = arith.constant 0 : i32
    return %arg0, %min3A, %c0_i32 : i32, i32, i32
  }
  func.func @transform_1(%arg0: i32, %arg1: i32) -> (i32, i32, i32) {
    %add3A = arith.constant 0 : i32
    %add3A_0 = arith.addi %arg1, %add3A : i32
    %jit3A = arith.constant 0 : i32
    %jit3A_1 = arith.constant 3 : i32
    %max3A = arith.maxsi %jit3A, %add3A_0 : i32
    %min3A = arith.minsi %jit3A_1, %max3A : i32
    %c0_i32 = arith.constant 0 : i32
    %c0_i32_2 = arith.constant 0 : i32
    return %arg0, %min3A, %c0_i32 : i32, i32, i32
  }
  func.func @transform_2(%arg0: i32, %arg1: i32) -> (i32, i32, i32) {
    %add3A = arith.constant 1 : i32
    %add3A_0 = arith.addi %arg1, %add3A : i32
    %jit3A = arith.constant 0 : i32
    %jit3A_1 = arith.constant 3 : i32
    %max3A = arith.maxsi %jit3A, %add3A_0 : i32
    %min3A = arith.minsi %jit3A_1, %max3A : i32
    %c0_i32 = arith.constant 0 : i32
    %c0_i32_2 = arith.constant 0 : i32
    return %arg0, %min3A, %c0_i32 : i32, i32, i32
  }
  func.func @transform_3(%arg0: i32, %arg1: i32) -> (i32, i32, i32) {
    %c0_i32 = arith.constant 0 : i32
    %c0_i32_0 = arith.constant 0 : i32
    return %arg0, %arg1, %c0_i32 : i32, i32, i32
  }
  func.func @transform_4(%arg0: i32, %arg1: i32) -> (i32, i32) {
    %c0_i32 = arith.constant 0 : i32
    %c0_i32_0 = arith.constant 0 : i32
    %c0_i32_1 = arith.constant 0 : i32
    return %c0_i32, %c0_i32_0 : i32, i32
  }
  func.func @transform_5(%arg0: i32, %arg1: i32) -> (i32, i32) {
    %c0_i32 = arith.constant 0 : i32
    %c0_i32_0 = arith.constant 0 : i32
    %c0_i32_1 = arith.constant 0 : i32
    return %c0_i32, %c0_i32_0 : i32, i32
  }
  func.func @transform_6(%arg0: i32, %arg1: i32) -> (i32, i32, i32) {
    %c0_i32 = arith.constant 0 : i32
    %c0_i32_0 = arith.constant 0 : i32
    return %arg0, %arg1, %c0_i32 : i32, i32, i32
  }
}

module attributes {stable_mosaic.version = 14 : i64} {
  func.func @_fuse1_body(%arg0: i32, %arg1: i32, %arg2: memref<1x512x64xf32, #tpu.memory_space<vmem>>, %arg3: memref<1x512x64xf32, #tpu.memory_space<vmem>>, %arg4: memref<1x512x128xf32, #tpu.memory_space<vmem>>, %arg5: memref<1x512x256xf32, #tpu.memory_space<vmem>>, %arg6: memref<1024x512xf32, #tpu.memory_space<vmem>>, %arg7: memref<1x512x1024xf32, #tpu.memory_space<vmem>>, %arg8: memref<8x1024xf32, #tpu.memory_space<vmem>>) attributes {dimension_semantics = [#tpu.dimension_semantics<arbitrary>, #tpu.dimension_semantics<arbitrary>], iteration_bounds = array<i64: 2, 8>, scalar_prefetch = 0 : i64, scratch_operands = 0 : i64, tpu.core_type = #tpu.core_type<tc>, window_params = [{transform_indices = @transform_0, window_bounds = array<i64: 1, 512, 64>}, {transform_indices = @transform_1, window_bounds = array<i64: 1, 512, 64>}, {transform_indices = @transform_2, window_bounds = array<i64: 1, 512, 128>}, {transform_indices = @transform_3, window_bounds = array<i64: 1, 512, 256>}, {pipeline_mode = #tpu.pipeline_mode<synchronous>, transform_indices = @transform_4, window_bounds = array<i64: 1024, 512>}, {transform_indices = @transform_5, window_bounds = array<i64: 1, 512, 1024>}, {pipeline_mode = #tpu.pipeline_mode<synchronous>, transform_indices = @transform_6, window_bounds = array<i64: 8, 1024>}]} {
    %mul3A = arith.constant 8 : i32
    %mul3A_0 = arith.muli %arg0, %mul3A : i32
    %add3A = arith.addi %mul3A_0, %arg1 : i32
    %get3A = arith.constant 0 : index
    %get3A_1 = arith.constant 0 : index
    %get3A_2 = arith.constant 0 : index
    %get3A_3 = vector.load %arg2[%get3A, %get3A_1, %get3A_2] : memref<1x512x64xf32, #tpu.memory_space<vmem>>, vector<1x512x64xf32>
    %get3A_4 = vector.shape_cast %get3A_3 : vector<1x512x64xf32> to vector<512x64xf32>
    %get3A_5 = arith.constant 0 : index
    %get3A_6 = arith.constant 0 : index
    %get3A_7 = arith.constant 0 : index
    %get3A_8 = vector.load %arg3[%get3A_5, %get3A_6, %get3A_7] : memref<1x512x64xf32, #tpu.memory_space<vmem>>, vector<1x512x64xf32>
    %get3A_9 = vector.shape_cast %get3A_8 : vector<1x512x64xf32> to vector<512x64xf32>
    %get3A_10 = arith.constant 0 : index
    %get3A_11 = arith.constant 0 : index
    %get3A_12 = arith.constant 0 : index
    %get3A_13 = vector.load %arg4[%get3A_10, %get3A_11, %get3A_12] : memref<1x512x128xf32, #tpu.memory_space<vmem>>, vector<1x512x128xf32>
    %get3A_14 = vector.shape_cast %get3A_13 : vector<1x512x128xf32> to vector<512x128xf32>
    %get3A_15 = arith.constant 0 : index
    %get3A_16 = arith.constant 0 : index
    %get3A_17 = arith.constant 0 : index
    %get3A_18 = vector.load %arg5[%get3A_15, %get3A_16, %get3A_17] : memref<1x512x256xf32, #tpu.memory_space<vmem>>, vector<1x512x256xf32>
    %get3A_19 = vector.shape_cast %get3A_18 : vector<1x512x256xf32> to vector<512x256xf32>
    %concatenate3A = tpu.concatenate %get3A_4, %get3A_9, %get3A_14, %get3A_19 in 1 : vector<512x64xf32>, vector<512x64xf32>, vector<512x128xf32>, vector<512x256xf32> -> vector<512x512xf32>
    %get3A_20 = arith.constant 0 : index
    %get3A_21 = arith.constant 0 : index
    %get3A_22 = vector.load %arg6[%get3A_20, %get3A_21] : memref<1024x512xf32, #tpu.memory_space<vmem>>, vector<1024x512xf32>
    %dot_general3A = arith.constant dense<0.000000e+00> : vector<512x1024xf32>
    %dot_general3A_23 = tpu.matmul %concatenate3A, %get3A_22, %dot_general3A {dimension_numbers = #tpu.dot_dimension_numbers<[1], [1], [0], [0], [0, 0, 1, 0], [], []>, transpose_lhs_hint = false} : vector<512x512xf32>, vector<1024x512xf32>, vector<512x1024xf32> -> vector<512x1024xf32>
    %swap3A = arith.constant 0 : index
    %swap3A_24 = arith.constant 0 : index
    %swap3A_25 = arith.constant 0 : index
    %swap3A_26 = vector.load %arg7[%swap3A, %swap3A_24, %swap3A_25] : memref<1x512x1024xf32, #tpu.memory_space<vmem>>, vector<1x512x1024xf32>
    %swap3A_27 = vector.shape_cast %swap3A_26 : vector<1x512x1024xf32> to vector<512x1024xf32>
    %swap3A_28 = vector.shape_cast %dot_general3A_23 : vector<512x1024xf32> to vector<1x512x1024xf32>
    tpu.vector_store %arg7[%swap3A, %swap3A_24, %swap3A_25], %swap3A_28 {strides = array<i32>} : memref<1x512x1024xf32, #tpu.memory_space<vmem>>, vector<1x512x1024xf32>,
    %reduce_sum3A = arith.constant dense<0.000000e+00> : vector<1024xf32>
    %reduce_sum3A_29 = vector.multi_reduction <add>, %dot_general3A_23, %reduce_sum3A [0] : vector<512x1024xf32> to vector<1024xf32>
    %broadcast_in_dim3A = vector.shape_cast %reduce_sum3A_29 : vector<1024xf32> to vector<1x1024xf32>
    %mul3A_30 = arith.mulf %dot_general3A_23, %dot_general3A_23 : vector<512x1024xf32>
    %reduce_sum3A_31 = arith.constant dense<0.000000e+00> : vector<1024xf32>
    %reduce_sum3A_32 = vector.multi_reduction <add>, %mul3A_30, %reduce_sum3A_31 [0] : vector<512x1024xf32> to vector<1024xf32>
    %broadcast_in_dim3A_33 = vector.shape_cast %reduce_sum3A_32 : vector<1024xf32> to vector<1x1024xf32>
    %broadcast_in_dim3A_34 = arith.constant 0.000000e+00 : f32
    %broadcast_in_dim3A_35 = vector.broadcast %broadcast_in_dim3A_34 : f32 to vector<6x1024xf32>
    %concatenate3A_36 = tpu.concatenate %broadcast_in_dim3A, %broadcast_in_dim3A_33, %broadcast_in_dim3A_35 in 0 : vector<1x1024xf32>, vector<1x1024xf32>, vector<6x1024xf32> -> vector<8x1024xf32>
    %eq3A = arith.constant 0 : i32
    %eq3A_37 = arith.cmpi eq, %add3A, %eq3A : i32
    %convert_element_type3A = arith.extui %eq3A_37 : i1 to i32
    %cond3A = arith.constant 0 : i32
    %cond3A_38 = arith.cmpi ne, %convert_element_type3A, %cond3A : i32
    scf.if %cond3A_38 {
      %swap3A_43 = arith.constant 0 : index
      %swap3A_44 = arith.constant 0 : index
      %swap3A_45 = vector.load %arg8[%swap3A_43, %swap3A_44] : memref<8x1024xf32, #tpu.memory_space<vmem>>, vector<8x1024xf32>
      tpu.vector_store %arg8[%swap3A_43, %swap3A_44], %concatenate3A_36 {strides = array<i32>} : memref<8x1024xf32, #tpu.memory_space<vmem>>, vector<8x1024xf32>,
    } else {
    }
    %gt3A = arith.constant 0 : i32
    %gt3A_39 = arith.cmpi sgt, %add3A, %gt3A : i32
    %convert_element_type3A_40 = arith.extui %gt3A_39 : i1 to i32
    %cond3A_41 = arith.constant 0 : i32
    %cond3A_42 = arith.cmpi ne, %convert_element_type3A_40, %cond3A_41 : i32
    scf.if %cond3A_42 {
      %get3A_43 = arith.constant 0 : index
      %get3A_44 = arith.constant 0 : index
      %get3A_45 = vector.load %arg8[%get3A_43, %get3A_44] : memref<8x1024xf32, #tpu.memory_space<vmem>>, vector<8x1024xf32>
      %add3A_46 = arith.addf %get3A_45, %concatenate3A_36 : vector<8x1024xf32>
      %swap3A_47 = arith.constant 0 : index
      %swap3A_48 = arith.constant 0 : index
      %swap3A_49 = vector.load %arg8[%swap3A_47, %swap3A_48] : memref<8x1024xf32, #tpu.memory_space<vmem>>, vector<8x1024xf32>
      tpu.vector_store %arg8[%swap3A_47, %swap3A_48], %add3A_46 {strides = array<i32>} : memref<8x1024xf32, #tpu.memory_space<vmem>>, vector<8x1024xf32>,
    } else {
    }
    return
  }
  func.func @transform_0(%arg0: i32, %arg1: i32) -> (i32, i32, i32) {
    %c0_i32 = arith.constant 0 : i32
    %c0_i32_0 = arith.constant 0 : i32
    return %arg0, %arg1, %c0_i32 : i32, i32, i32
  }
  func.func @transform_1(%arg0: i32, %arg1: i32) -> (i32, i32, i32) {
    %c0_i32 = arith.constant 0 : i32
    %c0_i32_0 = arith.constant 0 : i32
    return %arg0, %arg1, %c0_i32 : i32, i32, i32
  }
  func.func @transform_2(%arg0: i32, %arg1: i32) -> (i32, i32, i32) {
    %c0_i32 = arith.constant 0 : i32
    %c0_i32_0 = arith.constant 0 : i32
    return %arg0, %arg1, %c0_i32 : i32, i32, i32
  }
  func.func @transform_3(%arg0: i32, %arg1: i32) -> (i32, i32, i32) {
    %c0_i32 = arith.constant 0 : i32
    %c0_i32_0 = arith.constant 0 : i32
    return %arg0, %arg1, %c0_i32 : i32, i32, i32
  }
  func.func @transform_4(%arg0: i32, %arg1: i32) -> (i32, i32) {
    %c0_i32 = arith.constant 0 : i32
    %c0_i32_0 = arith.constant 0 : i32
    %c0_i32_1 = arith.constant 0 : i32
    return %c0_i32, %c0_i32_0 : i32, i32
  }
  func.func @transform_5(%arg0: i32, %arg1: i32) -> (i32, i32, i32) {
    %c0_i32 = arith.constant 0 : i32
    %c0_i32_0 = arith.constant 0 : i32
    return %arg0, %arg1, %c0_i32 : i32, i32, i32
  }
  func.func @transform_6(%arg0: i32, %arg1: i32) -> (i32, i32) {
    %c0_i32 = arith.constant 0 : i32
    %c0_i32_0 = arith.constant 0 : i32
    %c0_i32_1 = arith.constant 0 : i32
    return %c0_i32, %c0_i32_0 : i32, i32
  }
}

module attributes {stable_mosaic.version = 14 : i64} {
  func.func @_fuse2_body(%arg0: i32, %arg1: i32, %arg2: memref<1x1024x1024xf32, #tpu.memory_space<vmem>>, %arg3: memref<8x1024xf32, #tpu.memory_space<vmem>>, %arg4: memref<512x2048xf32, #tpu.memory_space<vmem>>, %arg5: memref<256x512xf32, #tpu.memory_space<vmem>>, %arg6: memref<40x256xf32, #tpu.memory_space<vmem>>, %arg7: memref<1x40xf32, #tpu.memory_space<vmem>>, %arg8: memref<2x40xf32, #tpu.memory_space<vmem>>, %arg9: memref<8x1024xf32, #tpu.memory_space<vmem>>, %arg10: memref<8x1024xf32, #tpu.memory_space<vmem>>) attributes {dimension_semantics = [#tpu.dimension_semantics<arbitrary>, #tpu.dimension_semantics<arbitrary>], iteration_bounds = array<i64: 2, 4>, scalar_prefetch = 0 : i64, scratch_operands = 2 : i64, tpu.core_type = #tpu.core_type<tc>, window_params = [{transform_indices = @transform_0, window_bounds = array<i64: 1, 1024, 1024>}, {pipeline_mode = #tpu.pipeline_mode<synchronous>, transform_indices = @transform_1, window_bounds = array<i64: 8, 1024>}, {pipeline_mode = #tpu.pipeline_mode<synchronous>, transform_indices = @transform_2, window_bounds = array<i64: 512, 2048>}, {pipeline_mode = #tpu.pipeline_mode<synchronous>, transform_indices = @transform_3, window_bounds = array<i64: 256, 512>}, {pipeline_mode = #tpu.pipeline_mode<synchronous>, transform_indices = @transform_4, window_bounds = array<i64: 40, 256>}, {pipeline_mode = #tpu.pipeline_mode<synchronous>, transform_indices = @transform_5, window_bounds = array<i64: 1, 40>}, {pipeline_mode = #tpu.pipeline_mode<synchronous>, transform_indices = @transform_6, window_bounds = array<i64: 2, 40>}]} {
    %get3A = arith.constant 0 : index
    %get3A_0 = arith.constant 0 : index
    %get3A_1 = vector.load %arg3[%get3A, %get3A_0] : memref<8x1024xf32, #tpu.memory_space<vmem>>, vector<1x1024xf32>
    %div3A = arith.constant 8.192000e+03 : f32
    %div3A_2 = vector.broadcast %div3A : f32 to vector<1x1024xf32>
    %div3A_3 = arith.divf %get3A_1, %div3A_2 : vector<1x1024xf32>
    %get3A_4 = arith.constant 1 : index
    %get3A_5 = arith.constant 0 : index
    %get3A_6 = vector.load %arg3[%get3A_4, %get3A_5] : memref<8x1024xf32, #tpu.memory_space<vmem>>, vector<1x1024xf32>
    %div3A_7 = arith.constant 8.192000e+03 : f32
    %div3A_8 = vector.broadcast %div3A_7 : f32 to vector<1x1024xf32>
    %div3A_9 = arith.divf %get3A_6, %div3A_8 : vector<1x1024xf32>
    %mul3A = arith.mulf %div3A_3, %div3A_3 : vector<1x1024xf32>
    %sub3A = arith.subf %div3A_9, %mul3A : vector<1x1024xf32>
    %get3A_10 = arith.constant 0 : index
    %get3A_11 = arith.constant 0 : index
    %get3A_12 = arith.constant 0 : index
    %get3A_13 = vector.load %arg2[%get3A_10, %get3A_11, %get3A_12] : memref<1x1024x1024xf32, #tpu.memory_space<vmem>>, vector<1x1024x1024xf32>
    %get3A_14 = vector.shape_cast %get3A_13 : vector<1x1024x1024xf32> to vector<1024x1024xf32>
    %sub3A_15 = vector.broadcast %div3A_3 : vector<1x1024xf32> to vector<1024x1024xf32>
    %sub3A_16 = arith.subf %get3A_14, %sub3A_15 : vector<1024x1024xf32>
    %add3A = arith.constant 9.99999974E-6 : f32
    %add3A_17 = vector.broadcast %add3A : f32 to vector<1x1024xf32>
    %add3A_18 = arith.addf %sub3A, %add3A_17 : vector<1x1024xf32>
    %rsqrt3A = math.rsqrt %add3A_18 : vector<1x1024xf32>
    %mul3A_19 = vector.broadcast %rsqrt3A : vector<1x1024xf32> to vector<1024x1024xf32>
    %mul3A_20 = arith.mulf %sub3A_16, %mul3A_19 : vector<1024x1024xf32>
    %ge3A = arith.constant 0.000000e+00 : f32
    %ge3A_21 = vector.broadcast %ge3A : f32 to vector<1024x1024xf32>
    %ge3A_22 = arith.cmpf oge, %mul3A_20, %ge3A_21 : vector<1024x1024xf32>
    %mul3A_23 = arith.constant 2.000000e-01 : f32
    %mul3A_24 = vector.broadcast %mul3A_23 : f32 to vector<1024x1024xf32>
    %mul3A_25 = arith.mulf %mul3A_24, %mul3A_20 : vector<1024x1024xf32>
    %select_n3A = arith.select %ge3A_22, %mul3A_20, %mul3A_25 : vector<1024x1024xi1>, vector<1024x1024xf32>
    %reduce_max3A = arith.constant dense<0xFF800000> : vector<1024xf32>
    %reduce_max3A_26 = vector.multi_reduction <maximumf>, %select_n3A, %reduce_max3A [0] : vector<1024x1024xf32> to vector<1024xf32>
    %broadcast_in_dim3A = vector.shape_cast %reduce_max3A_26 : vector<1024xf32> to vector<1x1024xf32>
    %reduce_sum3A = arith.constant dense<0.000000e+00> : vector<1024xf32>
    %reduce_sum3A_27 = vector.multi_reduction <add>, %select_n3A, %reduce_sum3A [0] : vector<1024x1024xf32> to vector<1024xf32>
    %broadcast_in_dim3A_28 = vector.shape_cast %reduce_sum3A_27 : vector<1024xf32> to vector<1x1024xf32>
    %eq3A = arith.constant 0 : i32
    %eq3A_29 = arith.cmpi eq, %arg1, %eq3A : i32
    %convert_element_type3A = arith.extui %eq3A_29 : i1 to i32
    %cond3A = arith.constant 0 : i32
    %cond3A_30 = arith.cmpi ne, %convert_element_type3A, %cond3A : i32
    scf.if %cond3A_30 {
      %swap3A = arith.index_cast %arg0 : i32 to index
      %swap3A_42 = arith.constant 0 : index
      %swap3A_43 = vector.load %arg9[%swap3A, %swap3A_42] : memref<8x1024xf32, #tpu.memory_space<vmem>>, vector<1x1024xf32>
      tpu.vector_store %arg9[%swap3A, %swap3A_42], %broadcast_in_dim3A {strides = array<i32>} : memref<8x1024xf32, #tpu.memory_space<vmem>>, vector<1x1024xf32>,
      %swap3A_44 = arith.index_cast %arg0 : i32 to index
      %swap3A_45 = arith.constant 0 : index
      %swap3A_46 = vector.load %arg10[%swap3A_44, %swap3A_45] : memref<8x1024xf32, #tpu.memory_space<vmem>>, vector<1x1024xf32>
      tpu.vector_store %arg10[%swap3A_44, %swap3A_45], %broadcast_in_dim3A_28 {strides = array<i32>} : memref<8x1024xf32, #tpu.memory_space<vmem>>, vector<1x1024xf32>,
    } else {
    }
    %gt3A = arith.constant 0 : i32
    %gt3A_31 = arith.cmpi sgt, %arg1, %gt3A : i32
    %convert_element_type3A_32 = arith.extui %gt3A_31 : i1 to i32
    %cond3A_33 = arith.constant 0 : i32
    %cond3A_34 = arith.cmpi ne, %convert_element_type3A_32, %cond3A_33 : i32
    scf.if %cond3A_34 {
      %get3A_42 = arith.index_cast %arg0 : i32 to index
      %get3A_43 = arith.constant 0 : index
      %get3A_44 = vector.load %arg9[%get3A_42, %get3A_43] : memref<8x1024xf32, #tpu.memory_space<vmem>>, vector<1x1024xf32>
      %max3A = arith.maximumf %get3A_44, %broadcast_in_dim3A : vector<1x1024xf32>
      %swap3A = arith.index_cast %arg0 : i32 to index
      %swap3A_45 = arith.constant 0 : index
      %swap3A_46 = vector.load %arg9[%swap3A, %swap3A_45] : memref<8x1024xf32, #tpu.memory_space<vmem>>, vector<1x1024xf32>
      tpu.vector_store %arg9[%swap3A, %swap3A_45], %max3A {strides = array<i32>} : memref<8x1024xf32, #tpu.memory_space<vmem>>, vector<1x1024xf32>,
      %get3A_47 = arith.index_cast %arg0 : i32 to index
      %get3A_48 = arith.constant 0 : index
      %get3A_49 = vector.load %arg10[%get3A_47, %get3A_48] : memref<8x1024xf32, #tpu.memory_space<vmem>>, vector<1x1024xf32>
      %add3A_50 = arith.addf %get3A_49, %broadcast_in_dim3A_28 : vector<1x1024xf32>
      %swap3A_51 = arith.index_cast %arg0 : i32 to index
      %swap3A_52 = arith.constant 0 : index
      %swap3A_53 = vector.load %arg10[%swap3A_51, %swap3A_52] : memref<8x1024xf32, #tpu.memory_space<vmem>>, vector<1x1024xf32>
      tpu.vector_store %arg10[%swap3A_51, %swap3A_52], %add3A_50 {strides = array<i32>} : memref<8x1024xf32, #tpu.memory_space<vmem>>, vector<1x1024xf32>,
    } else {
    }
    %eq3A_35 = arith.constant 1 : i32
    %eq3A_36 = arith.cmpi eq, %arg0, %eq3A_35 : i32
    %eq3A_37 = arith.constant 3 : i32
    %eq3A_38 = arith.cmpi eq, %arg1, %eq3A_37 : i32
    %and3A = arith.andi %eq3A_36, %eq3A_38 : i1
    %convert_element_type3A_39 = arith.extui %and3A : i1 to i32
    %cond3A_40 = arith.constant 0 : i32
    %cond3A_41 = arith.cmpi ne, %convert_element_type3A_39, %cond3A_40 : i32
    scf.if %cond3A_41 {
      %get3A_42 = arith.constant 0 : index
      %get3A_43 = arith.constant 0 : index
      %get3A_44 = vector.load %arg9[%get3A_42, %get3A_43] : memref<8x1024xf32, #tpu.memory_space<vmem>>, vector<2x1024xf32>
      %get3A_45 = arith.constant 0 : index
      %get3A_46 = arith.constant 0 : index
      %get3A_47 = vector.load %arg10[%get3A_45, %get3A_46] : memref<8x1024xf32, #tpu.memory_space<vmem>>, vector<2x1024xf32>
      %mul3A_48 = arith.constant 2.44140625E-4 : f32
      %mul3A_49 = vector.broadcast %mul3A_48 : f32 to vector<2x1024xf32>
      %mul3A_50 = arith.mulf %get3A_47, %mul3A_49 : vector<2x1024xf32>
      %concatenate3A = tpu.concatenate %get3A_44, %mul3A_50 in 1 : vector<2x1024xf32>, vector<2x1024xf32> -> vector<2x2048xf32>
      %get3A_51 = arith.constant 0 : index
      %get3A_52 = arith.constant 0 : index
      %get3A_53 = vector.load %arg4[%get3A_51, %get3A_52] : memref<512x2048xf32, #tpu.memory_space<vmem>>, vector<512x2048xf32>
      %dot_general3A = arith.constant dense<0.000000e+00> : vector<2x512xf32>
      %dot_general3A_54 = tpu.matmul %concatenate3A, %get3A_53, %dot_general3A {dimension_numbers = #tpu.dot_dimension_numbers<[1], [1], [0], [0], [0, 0, 1, 0], [], []>, transpose_lhs_hint = false} : vector<2x2048xf32>, vector<512x2048xf32>, vector<2x512xf32> -> vector<2x512xf32>
      %reduce_sum3A_55 = arith.constant dense<0.000000e+00> : vector<512xf32>
      %reduce_sum3A_56 = vector.multi_reduction <add>, %dot_general3A_54, %reduce_sum3A_55 [0] : vector<2x512xf32> to vector<512xf32>
      %broadcast_in_dim3A_57 = vector.shape_cast %reduce_sum3A_56 : vector<512xf32> to vector<1x512xf32>
      %div3A_58 = arith.constant 2.000000e+00 : f32
      %div3A_59 = vector.broadcast %div3A_58 : f32 to vector<1x512xf32>
      %div3A_60 = arith.divf %broadcast_in_dim3A_57, %div3A_59 : vector<1x512xf32>
      %mul3A_61 = arith.mulf %dot_general3A_54, %dot_general3A_54 : vector<2x512xf32>
      %reduce_sum3A_62 = arith.constant dense<0.000000e+00> : vector<512xf32>
      %reduce_sum3A_63 = vector.multi_reduction <add>, %mul3A_61, %reduce_sum3A_62 [0] : vector<2x512xf32> to vector<512xf32>
      %broadcast_in_dim3A_64 = vector.shape_cast %reduce_sum3A_63 : vector<512xf32> to vector<1x512xf32>
      %div3A_65 = arith.constant 2.000000e+00 : f32
      %div3A_66 = vector.broadcast %div3A_65 : f32 to vector<1x512xf32>
      %div3A_67 = arith.divf %broadcast_in_dim3A_64, %div3A_66 : vector<1x512xf32>
      %mul3A_68 = arith.mulf %div3A_60, %div3A_60 : vector<1x512xf32>
      %sub3A_69 = arith.subf %div3A_67, %mul3A_68 : vector<1x512xf32>
      %sub3A_70 = vector.broadcast %div3A_60 : vector<1x512xf32> to vector<2x512xf32>
      %sub3A_71 = arith.subf %dot_general3A_54, %sub3A_70 : vector<2x512xf32>
      %add3A_72 = arith.constant 9.99999974E-6 : f32
      %add3A_73 = vector.broadcast %add3A_72 : f32 to vector<1x512xf32>
      %add3A_74 = arith.addf %sub3A_69, %add3A_73 : vector<1x512xf32>
      %rsqrt3A_75 = math.rsqrt %add3A_74 : vector<1x512xf32>
      %mul3A_76 = vector.broadcast %rsqrt3A_75 : vector<1x512xf32> to vector<2x512xf32>
      %mul3A_77 = arith.mulf %sub3A_71, %mul3A_76 : vector<2x512xf32>
      %ge3A_78 = arith.constant 0.000000e+00 : f32
      %ge3A_79 = vector.broadcast %ge3A_78 : f32 to vector<2x512xf32>
      %ge3A_80 = arith.cmpf oge, %mul3A_77, %ge3A_79 : vector<2x512xf32>
      %mul3A_81 = arith.constant 2.000000e-01 : f32
      %mul3A_82 = vector.broadcast %mul3A_81 : f32 to vector<2x512xf32>
      %mul3A_83 = arith.mulf %mul3A_82, %mul3A_77 : vector<2x512xf32>
      %select_n3A_84 = arith.select %ge3A_80, %mul3A_77, %mul3A_83 : vector<2x512xi1>, vector<2x512xf32>
      %get3A_85 = arith.constant 0 : index
      %get3A_86 = arith.constant 0 : index
      %get3A_87 = vector.load %arg5[%get3A_85, %get3A_86] : memref<256x512xf32, #tpu.memory_space<vmem>>, vector<256x512xf32>
      %dot_general3A_88 = arith.constant dense<0.000000e+00> : vector<2x256xf32>
      %dot_general3A_89 = tpu.matmul %select_n3A_84, %get3A_87, %dot_general3A_88 {dimension_numbers = #tpu.dot_dimension_numbers<[1], [1], [0], [0], [0, 0, 1, 0], [], []>, transpose_lhs_hint = false} : vector<2x512xf32>, vector<256x512xf32>, vector<2x256xf32> -> vector<2x256xf32>
      %reduce_sum3A_90 = arith.constant dense<0.000000e+00> : vector<256xf32>
      %reduce_sum3A_91 = vector.multi_reduction <add>, %dot_general3A_89, %reduce_sum3A_90 [0] : vector<2x256xf32> to vector<256xf32>
      %broadcast_in_dim3A_92 = vector.shape_cast %reduce_sum3A_91 : vector<256xf32> to vector<1x256xf32>
      %div3A_93 = arith.constant 2.000000e+00 : f32
      %div3A_94 = vector.broadcast %div3A_93 : f32 to vector<1x256xf32>
      %div3A_95 = arith.divf %broadcast_in_dim3A_92, %div3A_94 : vector<1x256xf32>
      %mul3A_96 = arith.mulf %dot_general3A_89, %dot_general3A_89 : vector<2x256xf32>
      %reduce_sum3A_97 = arith.constant dense<0.000000e+00> : vector<256xf32>
      %reduce_sum3A_98 = vector.multi_reduction <add>, %mul3A_96, %reduce_sum3A_97 [0] : vector<2x256xf32> to vector<256xf32>
      %broadcast_in_dim3A_99 = vector.shape_cast %reduce_sum3A_98 : vector<256xf32> to vector<1x256xf32>
      %div3A_100 = arith.constant 2.000000e+00 : f32
      %div3A_101 = vector.broadcast %div3A_100 : f32 to vector<1x256xf32>
      %div3A_102 = arith.divf %broadcast_in_dim3A_99, %div3A_101 : vector<1x256xf32>
      %mul3A_103 = arith.mulf %div3A_95, %div3A_95 : vector<1x256xf32>
      %sub3A_104 = arith.subf %div3A_102, %mul3A_103 : vector<1x256xf32>
      %sub3A_105 = vector.broadcast %div3A_95 : vector<1x256xf32> to vector<2x256xf32>
      %sub3A_106 = arith.subf %dot_general3A_89, %sub3A_105 : vector<2x256xf32>
      %add3A_107 = arith.constant 9.99999974E-6 : f32
      %add3A_108 = vector.broadcast %add3A_107 : f32 to vector<1x256xf32>
      %add3A_109 = arith.addf %sub3A_104, %add3A_108 : vector<1x256xf32>
      %rsqrt3A_110 = math.rsqrt %add3A_109 : vector<1x256xf32>
      %mul3A_111 = vector.broadcast %rsqrt3A_110 : vector<1x256xf32> to vector<2x256xf32>
      %mul3A_112 = arith.mulf %sub3A_106, %mul3A_111 : vector<2x256xf32>
      %ge3A_113 = arith.constant 0.000000e+00 : f32
      %ge3A_114 = vector.broadcast %ge3A_113 : f32 to vector<2x256xf32>
      %ge3A_115 = arith.cmpf oge, %mul3A_112, %ge3A_114 : vector<2x256xf32>
      %mul3A_116 = arith.constant 2.000000e-01 : f32
      %mul3A_117 = vector.broadcast %mul3A_116 : f32 to vector<2x256xf32>
      %mul3A_118 = arith.mulf %mul3A_117, %mul3A_112 : vector<2x256xf32>
      %select_n3A_119 = arith.select %ge3A_115, %mul3A_112, %mul3A_118 : vector<2x256xi1>, vector<2x256xf32>
      %get3A_120 = arith.constant 0 : index
      %get3A_121 = arith.constant 0 : index
      %get3A_122 = vector.load %arg6[%get3A_120, %get3A_121] : memref<40x256xf32, #tpu.memory_space<vmem>>, vector<40x256xf32>
      %dot_general3A_123 = arith.constant dense<0.000000e+00> : vector<2x40xf32>
      %dot_general3A_124 = tpu.matmul %select_n3A_119, %get3A_122, %dot_general3A_123 {dimension_numbers = #tpu.dot_dimension_numbers<[1], [1], [0], [0], [0, 0, 1, 0], [], []>, transpose_lhs_hint = false} : vector<2x256xf32>, vector<40x256xf32>, vector<2x40xf32> -> vector<2x40xf32>
      %get3A_125 = arith.constant 0 : index
      %get3A_126 = arith.constant 0 : index
      %get3A_127 = vector.load %arg7[%get3A_125, %get3A_126] : memref<1x40xf32, #tpu.memory_space<vmem>>, vector<1x40xf32>
      %add3A_128 = vector.broadcast %get3A_127 : vector<1x40xf32> to vector<2x40xf32>
      %add3A_129 = arith.addf %dot_general3A_124, %add3A_128 : vector<2x40xf32>
      %swap3A = arith.constant 0 : index
      %swap3A_130 = arith.constant 0 : index
      %swap3A_131 = vector.load %arg8[%swap3A, %swap3A_130] : memref<2x40xf32, #tpu.memory_space<vmem>>, vector<2x40xf32>
      tpu.vector_store %arg8[%swap3A, %swap3A_130], %add3A_129 {strides = array<i32>} : memref<2x40xf32, #tpu.memory_space<vmem>>, vector<2x40xf32>,
    } else {
    }
    return
  }
  func.func @transform_0(%arg0: i32, %arg1: i32) -> (i32, i32, i32) {
    %c0_i32 = arith.constant 0 : i32
    %c0_i32_0 = arith.constant 0 : i32
    return %arg0, %arg1, %c0_i32 : i32, i32, i32
  }
  func.func @transform_1(%arg0: i32, %arg1: i32) -> (i32, i32) {
    %c0_i32 = arith.constant 0 : i32
    %c0_i32_0 = arith.constant 0 : i32
    %c0_i32_1 = arith.constant 0 : i32
    return %c0_i32, %c0_i32_0 : i32, i32
  }
  func.func @transform_2(%arg0: i32, %arg1: i32) -> (i32, i32) {
    %c0_i32 = arith.constant 0 : i32
    %c0_i32_0 = arith.constant 0 : i32
    %c0_i32_1 = arith.constant 0 : i32
    return %c0_i32, %c0_i32_0 : i32, i32
  }
  func.func @transform_3(%arg0: i32, %arg1: i32) -> (i32, i32) {
    %c0_i32 = arith.constant 0 : i32
    %c0_i32_0 = arith.constant 0 : i32
    %c0_i32_1 = arith.constant 0 : i32
    return %c0_i32, %c0_i32_0 : i32, i32
  }
  func.func @transform_4(%arg0: i32, %arg1: i32) -> (i32, i32) {
    %c0_i32 = arith.constant 0 : i32
    %c0_i32_0 = arith.constant 0 : i32
    %c0_i32_1 = arith.constant 0 : i32
    return %c0_i32, %c0_i32_0 : i32, i32
  }
  func.func @transform_5(%arg0: i32, %arg1: i32) -> (i32, i32) {
    %c0_i32 = arith.constant 0 : i32
    %c0_i32_0 = arith.constant 0 : i32
    %c0_i32_1 = arith.constant 0 : i32
    return %c0_i32, %c0_i32_0 : i32, i32
  }
  func.func @transform_6(%arg0: i32, %arg1: i32) -> (i32, i32) {
    %c0_i32 = arith.constant 0 : i32
    %c0_i32_0 = arith.constant 0 : i32
    %c0_i32_1 = arith.constant 0 : i32
    return %c0_i32, %c0_i32_0 : i32, i32
  }
}

</mosaic_0001>

<sc_bundles>
// kernel: kernel.21.cloned.1.call-start
scs
__scs_entry_jumppad:
0x0: {  	(pc) =	sbr.rel $0x88, $3  }
0x1: {  	(tag) =	ssettag $0x0;
	lr =	simm.s32 $0x1  }
0x2: {  	[smem:$0x3F8E] =	sst lr;
	_ =	strace $0xD0000000  }
0x3: {  	_ = 	snop  }
0x4: {  	_ = 	snop  }
0x5: {  	_ = 	snop  }
0x6: {  	_ = 	snop  }
0x7: {  	_ = 	snop  }
__scs_overlays_trampoline_lowered:
0x8: {  	[smem:$0x3F9D] =	sst s0  }
0x9: {  	[smem:$0x3F9E] =	sst s1  }
0xa: {  	[smem:$0x3F9F] =	sst s2  }
0xb: {  	[smem:$0x3FA0] =	sst s3  }
0xc: {  	[smem:$0x3FA1] =	sst s4  }
0xd: {  	[smem:$0x3FA2] =	sst s5  }
0xe: {  	[smem:$0x3FA3] =	sst s6  }
0xf: {  	[smem:$0x3FA4] =	sst s7  }
0x10: {  	[smem:$0x3FA5] =	sst s8  }
0x11: {  	[smem:$0x3FA6] =	sst s9;
	s0 =	simm.s32 @!p0 $0x0  }
0x12: {  	s1 =	sld [smem:$0x3F8C];
	s0 =	simm.s32 @p0 $0x1  }
0x13: {  	[smem:$0x3FA7] =	sst s0;
	s0 =	simm.s32 @!p1 $0x0  }
0x14: {  	s2 =	sld [smem:$0x3F8B];
	s0 =	simm.s32 @p1 $0x1  }
0x15: {  	[smem:$0x3FA8] =	sst s0;
	s0 =	simm.s32 @!p2 $0x0  }
0x16: {  	s3 =	sld [smem:$0x3FDB];
	s0 =	simm.s32 @p2 $0x1  }
0x17: {  	s4 =	simm.s32 $0x1BF5;
	[smem:$0x3FAA] =	sst s0  }
0x18: {  	s0 =	sld [smem:$0x3F8D];
	_ =	swait.ge [sflag:s4], $0x0  }
0x19: {  	s7 =	sld [smem:$0x3F8E]  }
0x1a: {  	s8 =	sadd.s32 $0xFFFFE003, lr  }
0x1b: {  	s9 =	sadd.s32 $0xFFFFFEF7, lr;
	s5 =	simm.s32 $0xFFFFFFFF;
	p2 =	slt.u32 s8, $0xFFFFF086  }
0x1c: {  	p1 =	slt.u32 s9, $0xF7A;
	s5 =	simm.s32 @!p2 $0x0  }
0x1d: {  	s5 =	simm.s32 @p1 $0x1;
	p0 =	seq.s32 s7, s2  }
0x1e: {  	s7 =	smul.u32 @!p0 $0xF7A, s2;
	p2 =	seq.s32 @!p0 s5, $0x0  }
0x1f: {  	s9 =	smul.u32 $0xF7A, s1;
	s8 =	simm.s32 @!p0 $0x1BF5;
	p2 =	por !p2, p0  }
0x20: {  	[sflag:s8] =	ssyncset.s32 @!p0 $0xFFFFF086;
	s6 =	sadd.s32 @!p0 s3, s7;
	s7 =	simm.s32 @!p0 $0x108  }
0x21: {  	s3 =	sadd.s32 s3, s9;
	s6 =	sadd.s32 @!p0 $0x88, s6;
	s7 =	simm.s32 @p2 $0x1082  }
0x22: {  	[simem:s7], [sflag:s8] =	dma.local @!p0 [hbm:s6], $0xF7A  }
0x23: {  	s9 =	sor.u32 $0xD0000000, s2;
	s6 =	simm.s32 $0x108;
	_ =	swait.ge @!p0 [sflag:s8], $0x0  }
0x24: {  	s3 =	sadd.s32 $0x88, s3;
	s6 =	simm.s32 @!p1 $0x1082;
	[sflag:s4] =	ssyncset.s32 $0xFFFFF086  }
0x25: {  	[simem:s6], [sflag:s4] =	dma.local [hbm:s3], $0xF7A  }
0x26: {  	[smem:$0x3F8E] =	sst s1;
	(tag) =	ssettag s2;
	_ =	strace s9  }
0x27: {  	s1 =	sld [smem:$0x3F9E]  }
0x28: {  	s2 =	sld [smem:$0x3F9F]  }
0x29: {  	s4 =	sld [smem:$0x3FA1]  }
0x2a: {  	p0 =	seq.s32 s5, $0x0;
	s5 =	sld [smem:$0x3FA2]  }
0x2b: {  	s6 =	sld [smem:$0x3FA3]  }
0x2c: {  	s7 =	sld [smem:$0x3FA4]  }
0x2d: {  	s3 =	simm.s32 $0x108;
	s8 =	sld [smem:$0x3FA5]  }
0x2e: {  	s3 =	simm.s32 @!p0 $0x1082;
	s9 =	sld [smem:$0x3FA6]  }
0x2f: {  	lr =	sadd.s32 s0, s3;
	s0 =	sld [smem:$0x3F9D]  }
0x30: {  	s3 =	sld [smem:$0x3FA0]  }
0x31: {  	[smem:$0x3FA9] =	sst s10  }
0x32: {  	s10 =	sld [smem:$0x3FA7];
	_ =	sdelay $0x3  }
0x33: {  	p0 =	seq.s32 s10, $0x1;
	s10 =	sld [smem:$0x3FA9];
	_ =	sdelay $0x3  }
0x34: {  	[smem:$0x3FA9] =	sst s10  }
0x35: {  	s10 =	sld [smem:$0x3FA8];
	_ =	sdelay $0x3  }
0x36: {  	p1 =	seq.s32 s10, $0x1;
	s10 =	sld [smem:$0x3FA9];
	_ =	sdelay $0x3  }
0x37: {  	[smem:$0x3FA9] =	sst s10  }
0x38: {  	s10 =	sld [smem:$0x3FAA]  }
0x39: {  	_ = 	snop;
	(pc) =	sbr.ind lr, $3  }
0x3a: {  	_ = 	snop  }
0x3b: {  	_ = 	snop  }
0x3c: {  	p2 =	seq.s32 s10, $0x1;
	s10 =	sld [smem:$0x3FA9]  }
0x3d: {  	_ =	shalt  }
0x3e: {  	_ =	shalt  }
0x3f: {  	_ =	shalt  }
0x40: {  	_ =	shalt  }
0x41: {  	_ =	shalt  }
0x42: {  	_ =	shalt  }
0x43: {  	_ =	shalt  }
0x44: {  	_ =	shalt  }
0x45: {  	_ =	shalt  }
0x46: {  	_ =	shalt  }
0x47: {  	_ =	shalt  }
0x48: {  	_ =	shalt  }
0x49: {  	_ =	shalt  }
0x4a: {  	_ =	shalt  }
0x4b: {  	_ =	shalt  }
0x4c: {  	_ =	shalt  }
0x4d: {  	_ =	shalt  }
0x4e: {  	_ =	shalt  }
0x4f: {  	_ =	shalt  }
0x50: {  	_ =	shalt  }
0x51: {  	_ =	shalt  }
0x52: {  	_ =	shalt  }
0x53: {  	_ =	shalt  }
0x54: {  	_ =	shalt  }
0x55: {  	_ =	shalt  }
0x56: {  	_ =	shalt  }
0x57: {  	_ =	shalt  }
0x58: {  	_ =	shalt  }
0x59: {  	_ =	shalt  }
0x5a: {  	_ =	shalt  }
0x5b: {  	_ =	shalt  }
0x5c: {  	_ =	shalt  }
0x5d: {  	_ =	shalt  }
0x5e: {  	_ =	shalt  }
0x5f: {  	_ =	shalt  }
0x60: {  	_ =	shalt  }
0x61: {  	_ =	shalt  }
0x62: {  	_ =	shalt  }
0x63: {  	_ =	shalt  }
0x64: {  	_ =	shalt  }
0x65: {  	_ =	shalt  }
0x66: {  	_ =	shalt  }
0x67: {  	_ =	shalt  }
0x68: {  	_ =	shalt  }
0x69: {  	_ =	shalt  }
0x6a: {  	_ =	shalt  }
0x6b: {  	_ =	shalt  }
0x6c: {  	_ =	shalt  }
0x6d: {  	_ =	shalt  }
0x6e: {  	_ =	shalt  }
0x6f: {  	_ =	shalt  }
0x70: {  	_ =	shalt  }
0x71: {  	_ =	shalt  }
0x72: {  	_ =	shalt  }
0x73: {  	_ =	shalt  }
0x74: {  	_ =	shalt  }
0x75: {  	_ =	shalt  }
0x76: {  	_ =	shalt  }
0x77: {  	_ =	shalt  }
0x78: {  	_ =	shalt  }
0x79: {  	_ =	shalt  }
0x7a: {  	_ =	shalt  }
0x7b: {  	_ =	shalt  }
0x7c: {  	_ =	shalt  }
0x7d: {  	_ =	shalt  }
0x7e: {  	_ =	shalt  }
0x7f: {  	_ =	shalt  }
0x80: {  	_ =	shalt  }
0x81: {  	_ =	shalt  }
0x82: {  	_ =	shalt  }
0x83: {  	_ =	shalt  }
0x84: {  	_ =	shalt  }
0x85: {  	_ =	shalt  }
0x86: {  	_ =	shalt  }
0x87: {  	_ =	shalt  }
.Lfunc_end0:
.L_simem_size_0:
called_computation_lowered:
.L_overlay_start_0:
0x88: {  	s2 =	sld [smem:$0x3FD9]  }
0x89: {  	s3 =	sld [smem:$0x3FFE];
	_ =	sdelay $0x1  }
0x8a: {  	s1 =	srdreg.scid  }
0x8b: {  	s0 =	sand.u32 $0x1, s1  }
0x8c: {  	s16 =	sshll.u32 s0, $0xA;
	s2 =	sadd.s32 s3, s2  }
0x8d: {  	s2 =	sadd.s32 s2, s16  }
0x8e: {  	[smem:$0x3FB5] =	sst s2  }
0x8f: {  	_ = 	snop  }
0x90: {  	(tm) =	ssettm $0x1  }
0x91: {  	s17 =	sld [smem:$0x3FFB];
	_ =	sdelay $0x3  }
0x92: {  	_ =	strace s17  }
0x93: {  	s2 =	sld [smem:$0x3FFC];
	_ =	sdelay $0x3  }
0x94: {  	_ =	strace s2  }
0x95: {  	s2 =	sld [smem:$0x3FFD];
	_ =	sdelay $0x3  }
0x96: {  	_ =	strace s2  }
0x97: {  	_ =	strace $0x8FFFFFFF  }
0x98: {  	s18 =	sld [smem:$0x3FDB];
	_ =	sdelay $0x1  }
0x99: {  	s19 =	simm.s32 $_scs_section_size  }
0x9a: {  	s4 =	simm.s32 $_size__tile_overlayer_lowered;
	s5 =	simm.s32 $_tile_overlayer_lowered  }
0x9b: {  	s22 =	simm.s32 $0x1BFF;
	s21 =	sshll.u32 s5, $0x1;
	s2 =	sadd.s32 s19, s18  }
0x9c: {  	s6 =	simm.s32 $0x0;
	s20 =	sshll.u32 s4, $0x1;
	s4 =	sadd.s32 s21, s2  }
0x9d: {  	[timem:s6], [sflag:s22] =	dma.local [hbm:s4], s20  }
0x9e: {  	_ =	swait.ge [sflag:s22], s20  }
0x9f: {  	s3 =	ssub.s32 $0x0, s20;
	[sflag:s22] =	ssyncset.done $0x0  }
0xa0: {  	[sflag:s22] =	ssyncadd.s32 s3;
	_ =	sdelay $0x1  }
0xa1: {  	s23 =	simm.s32 $0x1B8B  }
0xa2: {  	_ =	swait.ge [sflag:s23], $0x1  }
0xa3: {  	[sflag:s23] =	ssyncset.done $0x0  }
0xa4: {  	s25 =	simm.s32 $0x1B8E;
	s24 =	sld [smem:$0x3FFE];
	[sflag:s23] =	ssyncadd.s32 $0xFFFFFFFF  }
0xa5: {  	s26 =	simm.s32 $execute0_lowered;
	[smem:$0x3FD2] =	sst s25  }
0xa6: {  	s4 =	sshll.u32 s26, $0x1;
	_ =	strace $0x80000046;
	[dreg:$0x1] =	wrdreg $0xFFFFFFFF  }
0xa7: {  	s28 =	simm.s32 $_size_execute0_lowered;
	s2 =	sadd.s32 s2, s4;
	[dreg:$0x0] =	wrdreg $0x0  }
0xa8: {  	s4 =	sshll.u32 s28, $0x1;
	[dreg:$0x2] =	wrdreg s2  }
0xa9: {  	[dreg:$0x3] =	wrdreg s4  }
0xaa: {  	[dreg:$0x4] =	wrdreg $0xC0  }
0xab: {  	_ =	task [dreg:s6], $0x5FFFF  }
0xac: {  	[dreg:$0x1] =	wrdreg $0xFFFFFFFF  }
0xad: {  	[dreg:$0x0] =	wrdreg $0x60  }
0xae: {  	[dreg:$0x2] =	wrdreg s24  }
0xaf: {  	[dreg:$0x3] =	wrdreg $0x9  }
0xb0: {  	_ =	task.clear_ibuf [dreg:s6], $0x4FFFF;
	_ =	strace $0x90000046  }
0xb1: {  	s29 =	simm.s32 $0x9;
	_ =	strace $0x80000048  }
0xb2: {  	_ =	swait.ge [sflag:s29], $0x1  }
0xb3: {  	[sflag:s29] =	ssyncadd.s32 $0xFFFFFFFF  }
0xb4: {  	_ =	strace $0x90000048  }
0xb5: {  	_ =	sfence  }
0xb6: {  	s30 =	sld [smem:$0x0];
	_ =	sdelay $0x2  }
0xb7: {  	s31 =	sshll.u32 s1, $0xD;
	s1 =	sshrl.u32 s1, $0x2  }
0xb8: {  	s3 =	sand.u32 $0x4000, s31;
	s1 =	sadd.s32 s1, s30  }
0xb9: {  	s0 =	sor.u32 s3, s0;
	s1 =	sshll.u32 s1, $0x11  }
0xba: {  	s0 =	sor.u32 s1, s0  }
0xbb: {  	s0 =	sadd.s32 $0x8F2B, s0  }
0xbc: {  	[sflag:s0] =	ssyncadd.remote.s32 $0x1  }
0xbd: {  	_ =	sfence.sel $0xFFFF  }
0xbe: {  	[dreg:$0x0] =	wrdreg $0xFFFFFFFF;
	(pc) =	sbr.abs _section_cstart, $3  }
0xbf: {  	[dreg:$0x1] =	wrdreg $0xFFFFFFFF  }
0xc0: {  	_ =	task.clear_ibuf [dreg:s6], $0x2FFFF;
	_ =	strace $0x9FFFFFFF  }
0xc1: {  	(tm) =	ssettm $0x7FFFFFFF  }
tec
execute0_lowered:
.L_overlay_start_1:
0x0: {  	(tag) =	ssettag $0x1  }
0x1: {  	s4 =	rddreg [dreg:$0x0]  }
0x2: {  	s0 =	rddreg [dreg:$0x1]  }
0x3: {  	s2 =	simm.s32 $0x0;
	s3 =	srdreg.scid;
	s1 =	stileid.u32  }
0x4: {  	[smem:$0x7FF] =	sst s2;
	s5 =	sand.u32 $0x1, s3;
	s3 =	sadd.s32 $0x2400, s4  }
0x5: {  	s6 =	sshll.u32 s1, $0x9;
	s8 =	smul.u32 $0x12000, s1;
	_ =	strace $0x80000047  }
0x6: {  	s7 =	sshll.u32 s5, $0x8;
	s9 =	ssub.s32 $0x2, s5;
	s11 =	smul.u32 $0x9000, s5  }
0x7: {  	s6 =	sor.u32 s7, s6;
	s28 =	sshrl.u32 s9, $0x1;
	s8 =	sadd.s32 s8, s4  }
0x8: {  	s7 =	simm.s32 $0x2;
	s10 =	sshrl.u32 s6, $0x3;
	s29 =	ssub.s32 s9, s28  }
0x9: {  	s31 =	sadd.s32 s11, s8;
	s8 =	simm.s32 $0x48;
	s9 =	simm.s32 $0x80  }
0xa: {  	s11 =	simm.s32 $0x0;
	s30 =	sadd.s32 s10, s4;
	s4 =	smax.u32 s29, $0x1  }
0xb: {  	s10 =	simm.s32 $0x1;
	s5 =	sadd.s32 s30, s6;
	s6 =	sadd.s32 $0x22400, s31  }
.LBB2_1:
0xc: {  	[tilespmem:s2], [sflag:$0x2] =	stream.linear.gather [hbm4b:s5+s2], $0x48, $0x38;
	[tilespmem:$0x2480] =	vst v63  }
0xd: {  	_ =	swait.ge [sflag:s7], $0x48  }
0xe: {  	[sflag:s7] =	ssyncset.done $0x0  }
0xf: {  	[sflag:s7] =	ssyncadd.s32 $0xFFFFFFB8  }
0x10: {  	[tilespmem:s9], [sflag:$0x1] =	stream.indirect.gather [hbm4b:s3+s8], $0x80, s2, s8, $0xb8;
	[tilespmem:$0x2480] =	vst v63  }
0x11: {  	_ =	swait.ge [sflag:s10], $0x2400  }
0x12: {  	[sflag:s10] =	ssyncset.done $0x0  }
0x13: {  	[sflag:s10] =	ssyncadd.s32 $0xFFFFDC00  }
0x14: {  	[hbm4b:s6+s2] =	stream.linear.scatter [tilespmem:s9], [sflag:$0x2], $0x2400, $0x38;
	[tilespmem:$0x2480] =	vst v63  }
0x15: {  	s12 =	simm.s32 $0x8;
	_ =	swait.ge [sflag:s7], $0x2400  }
0x16: {  	s13 =	smov.u32 s5;
	s14 =	smov.u32 s6;
	[sflag:s7] =	ssyncset.done $0x0  }
.LBB2_2:
0x17: {  	[sflag:s7] =	ssyncadd.s32 $0xFFFFDC00;
	s13 =	sadd.s32 $0x9, s13;
	s14 =	sadd.s32 $0x480, s14  }
0x18: {  	[tilespmem:s2], [sflag:$0x2] =	stream.linear.gather [hbm4b:s13+s2], $0x48, $0x38;
	[tilespmem:$0x2480] =	vst v63  }
0x19: {  	p0 =	sne.s32 s12, $0xF8;
	s12 =	sadd.s32 $0x8, s12;
	_ =	swait.ge [sflag:s7], $0x48  }
0x1a: {  	[sflag:s7] =	ssyncset.done $0x0  }
0x1b: {  	[sflag:s7] =	ssyncadd.s32 $0xFFFFFFB8  }
0x1c: {  	[tilespmem:s9], [sflag:$0x1] =	stream.indirect.gather [hbm4b:s3+s8], $0x80, s2, s8, $0xb8;
	[tilespmem:$0x2480] =	vst v63  }
0x1d: {  	_ =	swait.ge [sflag:s10], $0x2400  }
.Ltmp0:
0x1e: {  	[sflag:s10] =	ssyncset.done $0x0;
	(pc) =	sbr.rel @p0 .LBB2_2-.Ltmp0, $4  }
0x1f: {  	[sflag:s10] =	ssyncadd.s32 $0xFFFFDC00  }
0x20: {  	[hbm4b:s14+s2] =	stream.linear.scatter [tilespmem:s9], [sflag:$0x2], $0x2400, $0x38;
	[tilespmem:$0x2480] =	vst v63  }
0x21: {  	_ =	swait.ge [sflag:s7], $0x2400  }
0x22: {  	[sflag:s7] =	ssyncset.done $0x0  }
0x23: {  	s11 =	sadd.s32 $0x1, s11  }
0x24: {  	p0 =	sne.s32 s11, s4  }
.Ltmp1:
0x25: {  	_ = 	snop;
	(pc) =	sbr.rel @p0 .LBB2_1-.Ltmp1, $2  }
0x26: {  	_ =	sdelay $0x2  }
0x27: {  	[sflag:s7] =	ssyncadd.s32 $0xFFFFDC00  }
0x28: {  	_ =	sfence.sel $0x180000  }
0x29: {  	[bflag:$0x0] =	sbarrier.arrive $0xFFFF  }
0x2a: {  	p0 =	sne.s32 s1, $0x0;
	_ =	strace $0x90000047  }
0x2b: {  	s0 =	sadd.s32 @!p0 $0x100000, s0;
	[bflag:$0x2] =	sbarrier.arrive $0xFFFF  }
0x2c: {  	[sflag:s0] =	ssyncadd.tile.s32 @!p0 $0x1;
	_ =	shalt  }
.Lfunc_end2:
_tile_overlayer_lowered:
.L_overlay_start_2:
0x2d: {  	(tag) =	ssettag $0x2  }
0x2e: {  	s0 =	rddreg [dreg:$0x0];
	s2 =	stileid.u32  }
0x2f: {  	s1 =	rddreg [dreg:$0x1];
	p0 =	sne.s32 s2, $0x0  }
0x30: {  	s3 =	rddreg [dreg:$0x2];
	[bflag:$0x3] =	sbarrier.arrive $0xFFFF;
	s2 =	simm.s32 @!p0 $0x1C02  }
0x31: {  	[timem:s3], [sflag:s2] =	dma.local @!p0 [hbm:s0], s1  }
0x32: {  	s0 =	simm.s32 @!p0 $0x2  }
0x33: {  	_ =	swait.ge @!p0 [sflag:s0], s1  }
0x34: {  	s1 =	ssub.s32 @!p0 $0x0, s1;
	[sflag:s0] =	ssyncset.done @!p0 $0x0  }
0x35: {  	[sflag:s0] =	ssyncadd.s32 @!p0 s1  }
0x36: {  	[bflag:$0x3] =	sbarrier.arrive $0xFFFF  }
0x37: {  	_ =	shalt  }

// kernel: kernel.24.cloned.1.call-start
scs
__scs_entry_jumppad:
0x0: {  	(pc) =	sbr.rel $0x88, $3  }
0x1: {  	(tag) =	ssettag $0x0;
	lr =	simm.s32 $0x1  }
0x2: {  	[smem:$0x3F8E] =	sst lr;
	_ =	strace $0xD0000000  }
0x3: {  	_ = 	snop  }
0x4: {  	_ = 	snop  }
0x5: {  	_ = 	snop  }
0x6: {  	_ = 	snop  }
0x7: {  	_ = 	snop  }
__scs_overlays_trampoline_lowered:
0x8: {  	[smem:$0x3F9D] =	sst s0  }
0x9: {  	[smem:$0x3F9E] =	sst s1  }
0xa: {  	[smem:$0x3F9F] =	sst s2  }
0xb: {  	[smem:$0x3FA0] =	sst s3  }
0xc: {  	[smem:$0x3FA1] =	sst s4  }
0xd: {  	[smem:$0x3FA2] =	sst s5  }
0xe: {  	[smem:$0x3FA3] =	sst s6  }
0xf: {  	[smem:$0x3FA4] =	sst s7  }
0x10: {  	[smem:$0x3FA5] =	sst s8  }
0x11: {  	[smem:$0x3FA6] =	sst s9;
	s0 =	simm.s32 @!p0 $0x0  }
0x12: {  	s1 =	sld [smem:$0x3F8C];
	s0 =	simm.s32 @p0 $0x1  }
0x13: {  	[smem:$0x3FA7] =	sst s0;
	s0 =	simm.s32 @!p1 $0x0  }
0x14: {  	s2 =	sld [smem:$0x3F8B];
	s0 =	simm.s32 @p1 $0x1  }
0x15: {  	[smem:$0x3FA8] =	sst s0;
	s0 =	simm.s32 @!p2 $0x0  }
0x16: {  	s3 =	sld [smem:$0x3FDB];
	s0 =	simm.s32 @p2 $0x1  }
0x17: {  	s4 =	simm.s32 $0x1BF5;
	[smem:$0x3FAA] =	sst s0  }
0x18: {  	s0 =	sld [smem:$0x3F8D];
	_ =	swait.ge [sflag:s4], $0x0  }
0x19: {  	s7 =	sld [smem:$0x3F8E]  }
0x1a: {  	s8 =	sadd.s32 $0xFFFFE003, lr  }
0x1b: {  	s9 =	sadd.s32 $0xFFFFFEF7, lr;
	s5 =	simm.s32 $0xFFFFFFFF;
	p2 =	slt.u32 s8, $0xFFFFF086  }
0x1c: {  	p1 =	slt.u32 s9, $0xF7A;
	s5 =	simm.s32 @!p2 $0x0  }
0x1d: {  	s5 =	simm.s32 @p1 $0x1;
	p0 =	seq.s32 s7, s2  }
0x1e: {  	s7 =	smul.u32 @!p0 $0xF7A, s2;
	p2 =	seq.s32 @!p0 s5, $0x0  }
0x1f: {  	s9 =	smul.u32 $0xF7A, s1;
	s8 =	simm.s32 @!p0 $0x1BF5;
	p2 =	por !p2, p0  }
0x20: {  	[sflag:s8] =	ssyncset.s32 @!p0 $0xFFFFF086;
	s6 =	sadd.s32 @!p0 s3, s7;
	s7 =	simm.s32 @!p0 $0x108  }
0x21: {  	s3 =	sadd.s32 s3, s9;
	s6 =	sadd.s32 @!p0 $0x88, s6;
	s7 =	simm.s32 @p2 $0x1082  }
0x22: {  	[simem:s7], [sflag:s8] =	dma.local @!p0 [hbm:s6], $0xF7A  }
0x23: {  	s9 =	sor.u32 $0xD0000000, s2;
	s6 =	simm.s32 $0x108;
	_ =	swait.ge @!p0 [sflag:s8], $0x0  }
0x24: {  	s3 =	sadd.s32 $0x88, s3;
	s6 =	simm.s32 @!p1 $0x1082;
	[sflag:s4] =	ssyncset.s32 $0xFFFFF086  }
0x25: {  	[simem:s6], [sflag:s4] =	dma.local [hbm:s3], $0xF7A  }
0x26: {  	[smem:$0x3F8E] =	sst s1;
	(tag) =	ssettag s2;
	_ =	strace s9  }
0x27: {  	s1 =	sld [smem:$0x3F9E]  }
0x28: {  	s2 =	sld [smem:$0x3F9F]  }
0x29: {  	s4 =	sld [smem:$0x3FA1]  }
0x2a: {  	p0 =	seq.s32 s5, $0x0;
	s5 =	sld [smem:$0x3FA2]  }
0x2b: {  	s6 =	sld [smem:$0x3FA3]  }
0x2c: {  	s7 =	sld [smem:$0x3FA4]  }
0x2d: {  	s3 =	simm.s32 $0x108;
	s8 =	sld [smem:$0x3FA5]  }
0x2e: {  	s3 =	simm.s32 @!p0 $0x1082;
	s9 =	sld [smem:$0x3FA6]  }
0x2f: {  	lr =	sadd.s32 s0, s3;
	s0 =	sld [smem:$0x3F9D]  }
0x30: {  	s3 =	sld [smem:$0x3FA0]  }
0x31: {  	[smem:$0x3FA9] =	sst s10  }
0x32: {  	s10 =	sld [smem:$0x3FA7];
	_ =	sdelay $0x3  }
0x33: {  	p0 =	seq.s32 s10, $0x1;
	s10 =	sld [smem:$0x3FA9];
	_ =	sdelay $0x3  }
0x34: {  	[smem:$0x3FA9] =	sst s10  }
0x35: {  	s10 =	sld [smem:$0x3FA8];
	_ =	sdelay $0x3  }
0x36: {  	p1 =	seq.s32 s10, $0x1;
	s10 =	sld [smem:$0x3FA9];
	_ =	sdelay $0x3  }
0x37: {  	[smem:$0x3FA9] =	sst s10  }
0x38: {  	s10 =	sld [smem:$0x3FAA]  }
0x39: {  	_ = 	snop;
	(pc) =	sbr.ind lr, $3  }
0x3a: {  	_ = 	snop  }
0x3b: {  	_ = 	snop  }
0x3c: {  	p2 =	seq.s32 s10, $0x1;
	s10 =	sld [smem:$0x3FA9]  }
0x3d: {  	_ =	shalt  }
0x3e: {  	_ =	shalt  }
0x3f: {  	_ =	shalt  }
0x40: {  	_ =	shalt  }
0x41: {  	_ =	shalt  }
0x42: {  	_ =	shalt  }
0x43: {  	_ =	shalt  }
0x44: {  	_ =	shalt  }
0x45: {  	_ =	shalt  }
0x46: {  	_ =	shalt  }
0x47: {  	_ =	shalt  }
0x48: {  	_ =	shalt  }
0x49: {  	_ =	shalt  }
0x4a: {  	_ =	shalt  }
0x4b: {  	_ =	shalt  }
0x4c: {  	_ =	shalt  }
0x4d: {  	_ =	shalt  }
0x4e: {  	_ =	shalt  }
0x4f: {  	_ =	shalt  }
0x50: {  	_ =	shalt  }
0x51: {  	_ =	shalt  }
0x52: {  	_ =	shalt  }
0x53: {  	_ =	shalt  }
0x54: {  	_ =	shalt  }
0x55: {  	_ =	shalt  }
0x56: {  	_ =	shalt  }
0x57: {  	_ =	shalt  }
0x58: {  	_ =	shalt  }
0x59: {  	_ =	shalt  }
0x5a: {  	_ =	shalt  }
0x5b: {  	_ =	shalt  }
0x5c: {  	_ =	shalt  }
0x5d: {  	_ =	shalt  }
0x5e: {  	_ =	shalt  }
0x5f: {  	_ =	shalt  }
0x60: {  	_ =	shalt  }
0x61: {  	_ =	shalt  }
0x62: {  	_ =	shalt  }
0x63: {  	_ =	shalt  }
0x64: {  	_ =	shalt  }
0x65: {  	_ =	shalt  }
0x66: {  	_ =	shalt  }
0x67: {  	_ =	shalt  }
0x68: {  	_ =	shalt  }
0x69: {  	_ =	shalt  }
0x6a: {  	_ =	shalt  }
0x6b: {  	_ =	shalt  }
0x6c: {  	_ =	shalt  }
0x6d: {  	_ =	shalt  }
0x6e: {  	_ =	shalt  }
0x6f: {  	_ =	shalt  }
0x70: {  	_ =	shalt  }
0x71: {  	_ =	shalt  }
0x72: {  	_ =	shalt  }
0x73: {  	_ =	shalt  }
0x74: {  	_ =	shalt  }
0x75: {  	_ =	shalt  }
0x76: {  	_ =	shalt  }
0x77: {  	_ =	shalt  }
0x78: {  	_ =	shalt  }
0x79: {  	_ =	shalt  }
0x7a: {  	_ =	shalt  }
0x7b: {  	_ =	shalt  }
0x7c: {  	_ =	shalt  }
0x7d: {  	_ =	shalt  }
0x7e: {  	_ =	shalt  }
0x7f: {  	_ =	shalt  }
0x80: {  	_ =	shalt  }
0x81: {  	_ =	shalt  }
0x82: {  	_ =	shalt  }
0x83: {  	_ =	shalt  }
0x84: {  	_ =	shalt  }
0x85: {  	_ =	shalt  }
0x86: {  	_ =	shalt  }
0x87: {  	_ =	shalt  }
.Lfunc_end0:
.L_simem_size_0:
called_computation.1_lowered:
.L_overlay_start_0:
0x88: {  	s2 =	sld [smem:$0x3FD9]  }
0x89: {  	s3 =	sld [smem:$0x3FFE];
	_ =	sdelay $0x1  }
0x8a: {  	s1 =	srdreg.scid  }
0x8b: {  	s0 =	sand.u32 $0x1, s1  }
0x8c: {  	s16 =	sshll.u32 s0, $0xA;
	s2 =	sadd.s32 s3, s2  }
0x8d: {  	s2 =	sadd.s32 s2, s16  }
0x8e: {  	[smem:$0x3FB5] =	sst s2  }
0x8f: {  	_ = 	snop  }
0x90: {  	(tm) =	ssettm $0x1  }
0x91: {  	s17 =	sld [smem:$0x3FFB];
	_ =	sdelay $0x3  }
0x92: {  	_ =	strace s17  }
0x93: {  	s2 =	sld [smem:$0x3FFC];
	_ =	sdelay $0x3  }
0x94: {  	_ =	strace s2  }
0x95: {  	s2 =	sld [smem:$0x3FFD];
	_ =	sdelay $0x3  }
0x96: {  	_ =	strace s2  }
0x97: {  	_ =	strace $0x8FFFFFFF  }
0x98: {  	s18 =	sld [smem:$0x3FDB];
	_ =	sdelay $0x1  }
0x99: {  	s19 =	simm.s32 $_scs_section_size  }
0x9a: {  	s4 =	simm.s32 $_size__tile_overlayer_lowered;
	s5 =	simm.s32 $_tile_overlayer_lowered  }
0x9b: {  	s22 =	simm.s32 $0x1BFF;
	s21 =	sshll.u32 s5, $0x1;
	s2 =	sadd.s32 s19, s18  }
0x9c: {  	s6 =	simm.s32 $0x0;
	s20 =	sshll.u32 s4, $0x1;
	s4 =	sadd.s32 s21, s2  }
0x9d: {  	[timem:s6], [sflag:s22] =	dma.local [hbm:s4], s20  }
0x9e: {  	_ =	swait.ge [sflag:s22], s20  }
0x9f: {  	s3 =	ssub.s32 $0x0, s20;
	[sflag:s22] =	ssyncset.done $0x0  }
0xa0: {  	[sflag:s22] =	ssyncadd.s32 s3;
	_ =	sdelay $0x1  }
0xa1: {  	s23 =	simm.s32 $0x1B8B  }
0xa2: {  	_ =	swait.ge [sflag:s23], $0x1  }
0xa3: {  	[sflag:s23] =	ssyncset.done $0x0  }
0xa4: {  	s25 =	simm.s32 $0x1B8E;
	s24 =	sld [smem:$0x3FFE];
	[sflag:s23] =	ssyncadd.s32 $0xFFFFFFFF  }
0xa5: {  	s26 =	simm.s32 $execute0_lowered;
	[smem:$0x3FD2] =	sst s25  }
0xa6: {  	s4 =	sshll.u32 s26, $0x1;
	_ =	strace $0x80000049;
	[dreg:$0x1] =	wrdreg $0xFFFFFFFF  }
0xa7: {  	s28 =	simm.s32 $_size_execute0_lowered;
	s2 =	sadd.s32 s2, s4;
	[dreg:$0x0] =	wrdreg $0x0  }
0xa8: {  	s4 =	sshll.u32 s28, $0x1;
	[dreg:$0x2] =	wrdreg s2  }
0xa9: {  	[dreg:$0x3] =	wrdreg s4  }
0xaa: {  	[dreg:$0x4] =	wrdreg $0xC0  }
0xab: {  	_ =	task [dreg:s6], $0x5FFFF  }
0xac: {  	[dreg:$0x1] =	wrdreg $0xFFFFFFFF  }
0xad: {  	[dreg:$0x0] =	wrdreg $0x60  }
0xae: {  	[dreg:$0x2] =	wrdreg s24  }
0xaf: {  	[dreg:$0x3] =	wrdreg $0x9  }
0xb0: {  	_ =	task.clear_ibuf [dreg:s6], $0x4FFFF;
	_ =	strace $0x90000049  }
0xb1: {  	s29 =	simm.s32 $0x9;
	_ =	strace $0x8000004B  }
0xb2: {  	_ =	swait.ge [sflag:s29], $0x1  }
0xb3: {  	[sflag:s29] =	ssyncadd.s32 $0xFFFFFFFF  }
0xb4: {  	_ =	strace $0x9000004B  }
0xb5: {  	_ =	sfence  }
0xb6: {  	s30 =	sld [smem:$0x0];
	_ =	sdelay $0x2  }
0xb7: {  	s31 =	sshll.u32 s1, $0xD;
	s1 =	sshrl.u32 s1, $0x2  }
0xb8: {  	s3 =	sand.u32 $0x4000, s31;
	s1 =	sadd.s32 s1, s30  }
0xb9: {  	s0 =	sor.u32 s3, s0;
	s1 =	sshll.u32 s1, $0x11  }
0xba: {  	s0 =	sor.u32 s1, s0  }
0xbb: {  	s0 =	sadd.s32 $0x8F2B, s0  }
0xbc: {  	[sflag:s0] =	ssyncadd.remote.s32 $0x1  }
0xbd: {  	_ =	sfence.sel $0xFFFF  }
0xbe: {  	[dreg:$0x0] =	wrdreg $0xFFFFFFFF;
	(pc) =	sbr.abs _section_cstart, $3  }
0xbf: {  	[dreg:$0x1] =	wrdreg $0xFFFFFFFF  }
0xc0: {  	_ =	task.clear_ibuf [dreg:s6], $0x2FFFF;
	_ =	strace $0x9FFFFFFF  }
0xc1: {  	(tm) =	ssettm $0x7FFFFFFF  }
tec
execute0_lowered:
.L_overlay_start_1:
0x0: {  	(tag) =	ssettag $0x1  }
0x1: {  	s4 =	rddreg [dreg:$0x0]  }
0x2: {  	s0 =	rddreg [dreg:$0x1];
	s3 =	srdreg.scid  }
0x3: {  	s2 =	simm.s32 $0x0;
	s1 =	stileid.u32;
	s5 =	sand.u32 $0x1, s3  }
0x4: {  	[smem:$0x7FF] =	sst s2;
	s6 =	sshll.u32 s1, $0x9;
	s3 =	sadd.s32 $0x20000, s4  }
0x5: {  	s8 =	smul.u32 $0x12000, s1;
	s7 =	sshll.u32 s5, $0x8;
	_ =	strace $0x8000004A  }
0x6: {  	s9 =	ssub.s32 $0x2, s5;
	s11 =	smul.u32 $0x9000, s5;
	s6 =	sor.u32 s7, s6  }
0x7: {  	s10 =	sshrl.u32 s9, $0x1;
	s8 =	sadd.s32 s8, s4;
	s7 =	sshrl.u32 s6, $0x3  }
0x8: {  	s29 =	ssub.s32 s9, s10;
	s31 =	sadd.s32 s11, s8;
	s8 =	simm.s32 $0x48  }
0x9: {  	s9 =	simm.s32 $0x80;
	s10 =	simm.s32 $0x1;
	s7 =	sadd.s32 s7, s4  }
0xa: {  	s11 =	simm.s32 $0x0;
	s4 =	smax.u32 s29, $0x1;
	s30 =	sadd.s32 s6, s7  }
0xb: {  	s6 =	sadd.s32 $0x162400, s31;
	s7 =	simm.s32 $0x2;
	s5 =	sadd.s32 $0x40000, s30  }
.LBB2_1:
0xc: {  	[tilespmem:s2], [sflag:$0x2] =	stream.linear.gather [hbm4b:s5+s2], $0x48, $0x38;
	[tilespmem:$0x2480] =	vst v63  }
0xd: {  	_ =	swait.ge [sflag:s7], $0x48  }
0xe: {  	[sflag:s7] =	ssyncset.done $0x0  }
0xf: {  	[sflag:s7] =	ssyncadd.s32 $0xFFFFFFB8  }
0x10: {  	[tilespmem:s9], [sflag:$0x1] =	stream.indirect.gather [hbm4b:s3+s8], $0x80, s2, s8, $0xb8;
	[tilespmem:$0x2480] =	vst v63  }
0x11: {  	_ =	swait.ge [sflag:s10], $0x2400  }
0x12: {  	[sflag:s10] =	ssyncset.done $0x0  }
0x13: {  	[sflag:s10] =	ssyncadd.s32 $0xFFFFDC00  }
0x14: {  	[hbm4b:s6+s2] =	stream.linear.scatter [tilespmem:s9], [sflag:$0x2], $0x2400, $0x38;
	[tilespmem:$0x2480] =	vst v63  }
0x15: {  	s12 =	simm.s32 $0x8;
	_ =	swait.ge [sflag:s7], $0x2400  }
0x16: {  	s13 =	smov.u32 s5;
	s14 =	smov.u32 s6;
	[sflag:s7] =	ssyncset.done $0x0  }
.LBB2_2:
0x17: {  	[sflag:s7] =	ssyncadd.s32 $0xFFFFDC00;
	s13 =	sadd.s32 $0x9, s13;
	s14 =	sadd.s32 $0x480, s14  }
0x18: {  	[tilespmem:s2], [sflag:$0x2] =	stream.linear.gather [hbm4b:s13+s2], $0x48, $0x38;
	[tilespmem:$0x2480] =	vst v63  }
0x19: {  	p0 =	sne.s32 s12, $0xF8;
	s12 =	sadd.s32 $0x8, s12;
	_ =	swait.ge [sflag:s7], $0x48  }
0x1a: {  	[sflag:s7] =	ssyncset.done $0x0  }
0x1b: {  	[sflag:s7] =	ssyncadd.s32 $0xFFFFFFB8  }
0x1c: {  	[tilespmem:s9], [sflag:$0x1] =	stream.indirect.gather [hbm4b:s3+s8], $0x80, s2, s8, $0xb8;
	[tilespmem:$0x2480] =	vst v63  }
0x1d: {  	_ =	swait.ge [sflag:s10], $0x2400  }
.Ltmp0:
0x1e: {  	[sflag:s10] =	ssyncset.done $0x0;
	(pc) =	sbr.rel @p0 .LBB2_2-.Ltmp0, $4  }
0x1f: {  	[sflag:s10] =	ssyncadd.s32 $0xFFFFDC00  }
0x20: {  	[hbm4b:s14+s2] =	stream.linear.scatter [tilespmem:s9], [sflag:$0x2], $0x2400, $0x38;
	[tilespmem:$0x2480] =	vst v63  }
0x21: {  	_ =	swait.ge [sflag:s7], $0x2400  }
0x22: {  	[sflag:s7] =	ssyncset.done $0x0  }
0x23: {  	s11 =	sadd.s32 $0x1, s11  }
0x24: {  	p0 =	sne.s32 s11, s4  }
.Ltmp1:
0x25: {  	_ = 	snop;
	(pc) =	sbr.rel @p0 .LBB2_1-.Ltmp1, $2  }
0x26: {  	_ =	sdelay $0x2  }
0x27: {  	[sflag:s7] =	ssyncadd.s32 $0xFFFFDC00  }
0x28: {  	_ =	sfence.sel $0x180000  }
0x29: {  	[bflag:$0x0] =	sbarrier.arrive $0xFFFF  }
0x2a: {  	p0 =	sne.s32 s1, $0x0;
	_ =	strace $0x9000004A  }
0x2b: {  	s0 =	sadd.s32 @!p0 $0x100000, s0;
	[bflag:$0x2] =	sbarrier.arrive $0xFFFF  }
0x2c: {  	[sflag:s0] =	ssyncadd.tile.s32 @!p0 $0x1;
	_ =	shalt  }
.Lfunc_end2:
_tile_overlayer_lowered:
.L_overlay_start_2:
0x2d: {  	(tag) =	ssettag $0x2  }
0x2e: {  	s0 =	rddreg [dreg:$0x0];
	s2 =	stileid.u32  }
0x2f: {  	s1 =	rddreg [dreg:$0x1];
	p0 =	sne.s32 s2, $0x0  }
0x30: {  	s3 =	rddreg [dreg:$0x2];
	[bflag:$0x3] =	sbarrier.arrive $0xFFFF;
	s2 =	simm.s32 @!p0 $0x1C02  }
0x31: {  	[timem:s3], [sflag:s2] =	dma.local @!p0 [hbm:s0], s1  }
0x32: {  	s0 =	simm.s32 @!p0 $0x2  }
0x33: {  	_ =	swait.ge @!p0 [sflag:s0], s1  }
0x34: {  	s1 =	ssub.s32 @!p0 $0x0, s1;
	[sflag:s0] =	ssyncset.done @!p0 $0x0  }
0x35: {  	[sflag:s0] =	ssyncadd.s32 @!p0 s1  }
0x36: {  	[bflag:$0x3] =	sbarrier.arrive $0xFFFF  }
0x37: {  	_ =	shalt  }

// kernel: kernel.27.cloned.1.call-start
scs
__scs_entry_jumppad:
0x0: {  	(pc) =	sbr.rel $0x88, $3  }
0x1: {  	(tag) =	ssettag $0x0;
	lr =	simm.s32 $0x1  }
0x2: {  	[smem:$0x3F8E] =	sst lr;
	_ =	strace $0xD0000000  }
0x3: {  	_ = 	snop  }
0x4: {  	_ = 	snop  }
0x5: {  	_ = 	snop  }
0x6: {  	_ = 	snop  }
0x7: {  	_ = 	snop  }
__scs_overlays_trampoline_lowered:
0x8: {  	[smem:$0x3F9D] =	sst s0  }
0x9: {  	[smem:$0x3F9E] =	sst s1  }
0xa: {  	[smem:$0x3F9F] =	sst s2  }
0xb: {  	[smem:$0x3FA0] =	sst s3  }
0xc: {  	[smem:$0x3FA1] =	sst s4  }
0xd: {  	[smem:$0x3FA2] =	sst s5  }
0xe: {  	[smem:$0x3FA3] =	sst s6  }
0xf: {  	[smem:$0x3FA4] =	sst s7  }
0x10: {  	[smem:$0x3FA5] =	sst s8  }
0x11: {  	[smem:$0x3FA6] =	sst s9;
	s0 =	simm.s32 @!p0 $0x0  }
0x12: {  	s1 =	sld [smem:$0x3F8C];
	s0 =	simm.s32 @p0 $0x1  }
0x13: {  	[smem:$0x3FA7] =	sst s0;
	s0 =	simm.s32 @!p1 $0x0  }
0x14: {  	s2 =	sld [smem:$0x3F8B];
	s0 =	simm.s32 @p1 $0x1  }
0x15: {  	[smem:$0x3FA8] =	sst s0;
	s0 =	simm.s32 @!p2 $0x0  }
0x16: {  	s3 =	sld [smem:$0x3FDB];
	s0 =	simm.s32 @p2 $0x1  }
0x17: {  	s4 =	simm.s32 $0x1BF5;
	[smem:$0x3FAA] =	sst s0  }
0x18: {  	s0 =	sld [smem:$0x3F8D];
	_ =	swait.ge [sflag:s4], $0x0  }
0x19: {  	s7 =	sld [smem:$0x3F8E]  }
0x1a: {  	s8 =	sadd.s32 $0xFFFFE003, lr  }
0x1b: {  	s9 =	sadd.s32 $0xFFFFFEF7, lr;
	s5 =	simm.s32 $0xFFFFFFFF;
	p2 =	slt.u32 s8, $0xFFFFF086  }
0x1c: {  	p1 =	slt.u32 s9, $0xF7A;
	s5 =	simm.s32 @!p2 $0x0  }
0x1d: {  	s5 =	simm.s32 @p1 $0x1;
	p0 =	seq.s32 s7, s2  }
0x1e: {  	s7 =	smul.u32 @!p0 $0xF7A, s2;
	p2 =	seq.s32 @!p0 s5, $0x0  }
0x1f: {  	s9 =	smul.u32 $0xF7A, s1;
	s8 =	simm.s32 @!p0 $0x1BF5;
	p2 =	por !p2, p0  }
0x20: {  	[sflag:s8] =	ssyncset.s32 @!p0 $0xFFFFF086;
	s6 =	sadd.s32 @!p0 s3, s7;
	s7 =	simm.s32 @!p0 $0x108  }
0x21: {  	s3 =	sadd.s32 s3, s9;
	s6 =	sadd.s32 @!p0 $0x88, s6;
	s7 =	simm.s32 @p2 $0x1082  }
0x22: {  	[simem:s7], [sflag:s8] =	dma.local @!p0 [hbm:s6], $0xF7A  }
0x23: {  	s9 =	sor.u32 $0xD0000000, s2;
	s6 =	simm.s32 $0x108;
	_ =	swait.ge @!p0 [sflag:s8], $0x0  }
0x24: {  	s3 =	sadd.s32 $0x88, s3;
	s6 =	simm.s32 @!p1 $0x1082;
	[sflag:s4] =	ssyncset.s32 $0xFFFFF086  }
0x25: {  	[simem:s6], [sflag:s4] =	dma.local [hbm:s3], $0xF7A  }
0x26: {  	[smem:$0x3F8E] =	sst s1;
	(tag) =	ssettag s2;
	_ =	strace s9  }
0x27: {  	s1 =	sld [smem:$0x3F9E]  }
0x28: {  	s2 =	sld [smem:$0x3F9F]  }
0x29: {  	s4 =	sld [smem:$0x3FA1]  }
0x2a: {  	p0 =	seq.s32 s5, $0x0;
	s5 =	sld [smem:$0x3FA2]  }
0x2b: {  	s6 =	sld [smem:$0x3FA3]  }
0x2c: {  	s7 =	sld [smem:$0x3FA4]  }
0x2d: {  	s3 =	simm.s32 $0x108;
	s8 =	sld [smem:$0x3FA5]  }
0x2e: {  	s3 =	simm.s32 @!p0 $0x1082;
	s9 =	sld [smem:$0x3FA6]  }
0x2f: {  	lr =	sadd.s32 s0, s3;
	s0 =	sld [smem:$0x3F9D]  }
0x30: {  	s3 =	sld [smem:$0x3FA0]  }
0x31: {  	[smem:$0x3FA9] =	sst s10  }
0x32: {  	s10 =	sld [smem:$0x3FA7];
	_ =	sdelay $0x3  }
0x33: {  	p0 =	seq.s32 s10, $0x1;
	s10 =	sld [smem:$0x3FA9];
	_ =	sdelay $0x3  }
0x34: {  	[smem:$0x3FA9] =	sst s10  }
0x35: {  	s10 =	sld [smem:$0x3FA8];
	_ =	sdelay $0x3  }
0x36: {  	p1 =	seq.s32 s10, $0x1;
	s10 =	sld [smem:$0x3FA9];
	_ =	sdelay $0x3  }
0x37: {  	[smem:$0x3FA9] =	sst s10  }
0x38: {  	s10 =	sld [smem:$0x3FAA]  }
0x39: {  	_ = 	snop;
	(pc) =	sbr.ind lr, $3  }
0x3a: {  	_ = 	snop  }
0x3b: {  	_ = 	snop  }
0x3c: {  	p2 =	seq.s32 s10, $0x1;
	s10 =	sld [smem:$0x3FA9]  }
0x3d: {  	_ =	shalt  }
0x3e: {  	_ =	shalt  }
0x3f: {  	_ =	shalt  }
0x40: {  	_ =	shalt  }
0x41: {  	_ =	shalt  }
0x42: {  	_ =	shalt  }
0x43: {  	_ =	shalt  }
0x44: {  	_ =	shalt  }
0x45: {  	_ =	shalt  }
0x46: {  	_ =	shalt  }
0x47: {  	_ =	shalt  }
0x48: {  	_ =	shalt  }
0x49: {  	_ =	shalt  }
0x4a: {  	_ =	shalt  }
0x4b: {  	_ =	shalt  }
0x4c: {  	_ =	shalt  }
0x4d: {  	_ =	shalt  }
0x4e: {  	_ =	shalt  }
0x4f: {  	_ =	shalt  }
0x50: {  	_ =	shalt  }
0x51: {  	_ =	shalt  }
0x52: {  	_ =	shalt  }
0x53: {  	_ =	shalt  }
0x54: {  	_ =	shalt  }
0x55: {  	_ =	shalt  }
0x56: {  	_ =	shalt  }
0x57: {  	_ =	shalt  }
0x58: {  	_ =	shalt  }
0x59: {  	_ =	shalt  }
0x5a: {  	_ =	shalt  }
0x5b: {  	_ =	shalt  }
0x5c: {  	_ =	shalt  }
0x5d: {  	_ =	shalt  }
0x5e: {  	_ =	shalt  }
0x5f: {  	_ =	shalt  }
0x60: {  	_ =	shalt  }
0x61: {  	_ =	shalt  }
0x62: {  	_ =	shalt  }
0x63: {  	_ =	shalt  }
0x64: {  	_ =	shalt  }
0x65: {  	_ =	shalt  }
0x66: {  	_ =	shalt  }
0x67: {  	_ =	shalt  }
0x68: {  	_ =	shalt  }
0x69: {  	_ =	shalt  }
0x6a: {  	_ =	shalt  }
0x6b: {  	_ =	shalt  }
0x6c: {  	_ =	shalt  }
0x6d: {  	_ =	shalt  }
0x6e: {  	_ =	shalt  }
0x6f: {  	_ =	shalt  }
0x70: {  	_ =	shalt  }
0x71: {  	_ =	shalt  }
0x72: {  	_ =	shalt  }
0x73: {  	_ =	shalt  }
0x74: {  	_ =	shalt  }
0x75: {  	_ =	shalt  }
0x76: {  	_ =	shalt  }
0x77: {  	_ =	shalt  }
0x78: {  	_ =	shalt  }
0x79: {  	_ =	shalt  }
0x7a: {  	_ =	shalt  }
0x7b: {  	_ =	shalt  }
0x7c: {  	_ =	shalt  }
0x7d: {  	_ =	shalt  }
0x7e: {  	_ =	shalt  }
0x7f: {  	_ =	shalt  }
0x80: {  	_ =	shalt  }
0x81: {  	_ =	shalt  }
0x82: {  	_ =	shalt  }
0x83: {  	_ =	shalt  }
0x84: {  	_ =	shalt  }
0x85: {  	_ =	shalt  }
0x86: {  	_ =	shalt  }
0x87: {  	_ =	shalt  }
.Lfunc_end0:
.L_simem_size_0:
called_computation.2_lowered:
.L_overlay_start_0:
0x88: {  	s2 =	sld [smem:$0x3FD9]  }
0x89: {  	s3 =	sld [smem:$0x3FFE];
	_ =	sdelay $0x1  }
0x8a: {  	s1 =	srdreg.scid  }
0x8b: {  	s0 =	sand.u32 $0x1, s1  }
0x8c: {  	s16 =	sshll.u32 s0, $0xA;
	s2 =	sadd.s32 s3, s2  }
0x8d: {  	s2 =	sadd.s32 s2, s16  }
0x8e: {  	[smem:$0x3FB5] =	sst s2  }
0x8f: {  	_ = 	snop  }
0x90: {  	(tm) =	ssettm $0x1  }
0x91: {  	s17 =	sld [smem:$0x3FFB];
	_ =	sdelay $0x3  }
0x92: {  	_ =	strace s17  }
0x93: {  	s2 =	sld [smem:$0x3FFC];
	_ =	sdelay $0x3  }
0x94: {  	_ =	strace s2  }
0x95: {  	s2 =	sld [smem:$0x3FFD];
	_ =	sdelay $0x3  }
0x96: {  	_ =	strace s2  }
0x97: {  	_ =	strace $0x8FFFFFFF  }
0x98: {  	s18 =	sld [smem:$0x3FDB];
	_ =	sdelay $0x1  }
0x99: {  	s19 =	simm.s32 $_scs_section_size  }
0x9a: {  	s4 =	simm.s32 $_size__tile_overlayer_lowered;
	s5 =	simm.s32 $_tile_overlayer_lowered  }
0x9b: {  	s22 =	simm.s32 $0x1BFF;
	s21 =	sshll.u32 s5, $0x1;
	s2 =	sadd.s32 s19, s18  }
0x9c: {  	s6 =	simm.s32 $0x0;
	s20 =	sshll.u32 s4, $0x1;
	s4 =	sadd.s32 s21, s2  }
0x9d: {  	[timem:s6], [sflag:s22] =	dma.local [hbm:s4], s20  }
0x9e: {  	_ =	swait.ge [sflag:s22], s20  }
0x9f: {  	s3 =	ssub.s32 $0x0, s20;
	[sflag:s22] =	ssyncset.done $0x0  }
0xa0: {  	[sflag:s22] =	ssyncadd.s32 s3;
	_ =	sdelay $0x1  }
0xa1: {  	s23 =	simm.s32 $0x1B8B  }
0xa2: {  	_ =	swait.ge [sflag:s23], $0x1  }
0xa3: {  	[sflag:s23] =	ssyncset.done $0x0  }
0xa4: {  	s25 =	simm.s32 $0x1B8E;
	s24 =	sld [smem:$0x3FFE];
	[sflag:s23] =	ssyncadd.s32 $0xFFFFFFFF  }
0xa5: {  	s26 =	simm.s32 $execute0_lowered;
	[smem:$0x3FD2] =	sst s25  }
0xa6: {  	s4 =	sshll.u32 s26, $0x1;
	_ =	strace $0x8000004C;
	[dreg:$0x1] =	wrdreg $0xFFFFFFFF  }
0xa7: {  	s28 =	simm.s32 $_size_execute0_lowered;
	s2 =	sadd.s32 s2, s4;
	[dreg:$0x0] =	wrdreg $0x0  }
0xa8: {  	s4 =	sshll.u32 s28, $0x1;
	[dreg:$0x2] =	wrdreg s2  }
0xa9: {  	[dreg:$0x3] =	wrdreg s4  }
0xaa: {  	[dreg:$0x4] =	wrdreg $0xC0  }
0xab: {  	_ =	task [dreg:s6], $0x5FFFF  }
0xac: {  	[dreg:$0x1] =	wrdreg $0xFFFFFFFF  }
0xad: {  	[dreg:$0x0] =	wrdreg $0x60  }
0xae: {  	[dreg:$0x2] =	wrdreg s24  }
0xaf: {  	[dreg:$0x3] =	wrdreg $0x9  }
0xb0: {  	_ =	task.clear_ibuf [dreg:s6], $0x4FFFF;
	_ =	strace $0x9000004C  }
0xb1: {  	s29 =	simm.s32 $0x9;
	_ =	strace $0x8000004E  }
0xb2: {  	_ =	swait.ge [sflag:s29], $0x1  }
0xb3: {  	[sflag:s29] =	ssyncadd.s32 $0xFFFFFFFF  }
0xb4: {  	_ =	strace $0x9000004E  }
0xb5: {  	_ =	sfence  }
0xb6: {  	s30 =	sld [smem:$0x0];
	_ =	sdelay $0x2  }
0xb7: {  	s31 =	sshll.u32 s1, $0xD;
	s1 =	sshrl.u32 s1, $0x2  }
0xb8: {  	s3 =	sand.u32 $0x4000, s31;
	s1 =	sadd.s32 s1, s30  }
0xb9: {  	s0 =	sor.u32 s3, s0;
	s1 =	sshll.u32 s1, $0x11  }
0xba: {  	s0 =	sor.u32 s1, s0  }
0xbb: {  	s0 =	sadd.s32 $0x8F2B, s0  }
0xbc: {  	[sflag:s0] =	ssyncadd.remote.s32 $0x1  }
0xbd: {  	_ =	sfence.sel $0xFFFF  }
0xbe: {  	[dreg:$0x0] =	wrdreg $0xFFFFFFFF;
	(pc) =	sbr.abs _section_cstart, $3  }
0xbf: {  	[dreg:$0x1] =	wrdreg $0xFFFFFFFF  }
0xc0: {  	_ =	task.clear_ibuf [dreg:s6], $0x2FFFF;
	_ =	strace $0x9FFFFFFF  }
0xc1: {  	(tm) =	ssettm $0x7FFFFFFF  }
tec
execute0_lowered:
.L_overlay_start_1:
0x0: {  	(tag) =	ssettag $0x1  }
0x1: {  	s4 =	rddreg [dreg:$0x0]  }
0x2: {  	s0 =	rddreg [dreg:$0x1];
	s3 =	srdreg.scid  }
0x3: {  	s2 =	simm.s32 $0x0;
	s1 =	stileid.u32;
	s5 =	sand.u32 $0x1, s3  }
0x4: {  	[smem:$0x7FF] =	sst s2;
	s6 =	sshll.u32 s1, $0x9;
	s3 =	sadd.s32 $0x40000, s4  }
0x5: {  	s8 =	smul.u32 $0x12000, s1;
	s7 =	sshll.u32 s5, $0x8;
	_ =	strace $0x8000004D  }
0x6: {  	s9 =	ssub.s32 $0x2, s5;
	s11 =	smul.u32 $0x9000, s5;
	s6 =	sor.u32 s7, s6  }
0x7: {  	s10 =	sshrl.u32 s9, $0x1;
	s8 =	sadd.s32 s8, s4;
	s7 =	sshrl.u32 s6, $0x3  }
0x8: {  	s29 =	ssub.s32 s9, s10;
	s31 =	sadd.s32 s11, s8;
	s8 =	simm.s32 $0x48  }
0x9: {  	s9 =	simm.s32 $0x80;
	s10 =	simm.s32 $0x1;
	s7 =	sadd.s32 s7, s4  }
0xa: {  	s11 =	simm.s32 $0x0;
	s4 =	smax.u32 s29, $0x1;
	s30 =	sadd.s32 s6, s7  }
0xb: {  	s6 =	sadd.s32 $0x162400, s31;
	s7 =	simm.s32 $0x2;
	s5 =	sadd.s32 $0x60000, s30  }
.LBB2_1:
0xc: {  	[tilespmem:s2], [sflag:$0x2] =	stream.linear.gather [hbm4b:s5+s2], $0x48, $0x38;
	[tilespmem:$0x2480] =	vst v63  }
0xd: {  	_ =	swait.ge [sflag:s7], $0x48  }
0xe: {  	[sflag:s7] =	ssyncset.done $0x0  }
0xf: {  	[sflag:s7] =	ssyncadd.s32 $0xFFFFFFB8  }
0x10: {  	[tilespmem:s9], [sflag:$0x1] =	stream.indirect.gather [hbm4b:s3+s8], $0x80, s2, s8, $0xb8;
	[tilespmem:$0x2480] =	vst v63  }
0x11: {  	_ =	swait.ge [sflag:s10], $0x2400  }
0x12: {  	[sflag:s10] =	ssyncset.done $0x0  }
0x13: {  	[sflag:s10] =	ssyncadd.s32 $0xFFFFDC00  }
0x14: {  	[hbm4b:s6+s2] =	stream.linear.scatter [tilespmem:s9], [sflag:$0x2], $0x2400, $0x38;
	[tilespmem:$0x2480] =	vst v63  }
0x15: {  	s12 =	simm.s32 $0x8;
	_ =	swait.ge [sflag:s7], $0x2400  }
0x16: {  	s13 =	smov.u32 s5;
	s14 =	smov.u32 s6;
	[sflag:s7] =	ssyncset.done $0x0  }
.LBB2_2:
0x17: {  	[sflag:s7] =	ssyncadd.s32 $0xFFFFDC00;
	s13 =	sadd.s32 $0x9, s13;
	s14 =	sadd.s32 $0x480, s14  }
0x18: {  	[tilespmem:s2], [sflag:$0x2] =	stream.linear.gather [hbm4b:s13+s2], $0x48, $0x38;
	[tilespmem:$0x2480] =	vst v63  }
0x19: {  	p0 =	sne.s32 s12, $0xF8;
	s12 =	sadd.s32 $0x8, s12;
	_ =	swait.ge [sflag:s7], $0x48  }
0x1a: {  	[sflag:s7] =	ssyncset.done $0x0  }
0x1b: {  	[sflag:s7] =	ssyncadd.s32 $0xFFFFFFB8  }
0x1c: {  	[tilespmem:s9], [sflag:$0x1] =	stream.indirect.gather [hbm4b:s3+s8], $0x80, s2, s8, $0xb8;
	[tilespmem:$0x2480] =	vst v63  }
0x1d: {  	_ =	swait.ge [sflag:s10], $0x2400  }
.Ltmp0:
0x1e: {  	[sflag:s10] =	ssyncset.done $0x0;
	(pc) =	sbr.rel @p0 .LBB2_2-.Ltmp0, $4  }
0x1f: {  	[sflag:s10] =	ssyncadd.s32 $0xFFFFDC00  }
0x20: {  	[hbm4b:s14+s2] =	stream.linear.scatter [tilespmem:s9], [sflag:$0x2], $0x2400, $0x38;
	[tilespmem:$0x2480] =	vst v63  }
0x21: {  	_ =	swait.ge [sflag:s7], $0x2400  }
0x22: {  	[sflag:s7] =	ssyncset.done $0x0  }
0x23: {  	s11 =	sadd.s32 $0x1, s11  }
0x24: {  	p0 =	sne.s32 s11, s4  }
.Ltmp1:
0x25: {  	_ = 	snop;
	(pc) =	sbr.rel @p0 .LBB2_1-.Ltmp1, $2  }
0x26: {  	_ =	sdelay $0x2  }
0x27: {  	[sflag:s7] =	ssyncadd.s32 $0xFFFFDC00  }
0x28: {  	_ =	sfence.sel $0x180000  }
0x29: {  	[bflag:$0x0] =	sbarrier.arrive $0xFFFF  }
0x2a: {  	p0 =	sne.s32 s1, $0x0;
	_ =	strace $0x9000004D  }
0x2b: {  	s0 =	sadd.s32 @!p0 $0x100000, s0;
	[bflag:$0x2] =	sbarrier.arrive $0xFFFF  }
0x2c: {  	[sflag:s0] =	ssyncadd.tile.s32 @!p0 $0x1;
	_ =	shalt  }
.Lfunc_end2:
_tile_overlayer_lowered:
.L_overlay_start_2:
0x2d: {  	(tag) =	ssettag $0x2  }
0x2e: {  	s0 =	rddreg [dreg:$0x0];
	s2 =	stileid.u32  }
0x2f: {  	s1 =	rddreg [dreg:$0x1];
	p0 =	sne.s32 s2, $0x0  }
0x30: {  	s3 =	rddreg [dreg:$0x2];
	[bflag:$0x3] =	sbarrier.arrive $0xFFFF;
	s2 =	simm.s32 @!p0 $0x1C02  }
0x31: {  	[timem:s3], [sflag:s2] =	dma.local @!p0 [hbm:s0], s1  }
0x32: {  	s0 =	simm.s32 @!p0 $0x2  }
0x33: {  	_ =	swait.ge @!p0 [sflag:s0], s1  }
0x34: {  	s1 =	ssub.s32 @!p0 $0x0, s1;
	[sflag:s0] =	ssyncset.done @!p0 $0x0  }
0x35: {  	[sflag:s0] =	ssyncadd.s32 @!p0 s1  }
0x36: {  	[bflag:$0x3] =	sbarrier.arrive $0xFFFF  }
0x37: {  	_ =	shalt  }

// kernel: kernel.30.cloned.1.call-start
scs
__scs_entry_jumppad:
0x0: {  	(pc) =	sbr.rel $0x88, $3  }
0x1: {  	(tag) =	ssettag $0x0;
	lr =	simm.s32 $0x1  }
0x2: {  	[smem:$0x3F8E] =	sst lr;
	_ =	strace $0xD0000000  }
0x3: {  	_ = 	snop  }
0x4: {  	_ = 	snop  }
0x5: {  	_ = 	snop  }
0x6: {  	_ = 	snop  }
0x7: {  	_ = 	snop  }
__scs_overlays_trampoline_lowered:
0x8: {  	[smem:$0x3F9D] =	sst s0  }
0x9: {  	[smem:$0x3F9E] =	sst s1  }
0xa: {  	[smem:$0x3F9F] =	sst s2  }
0xb: {  	[smem:$0x3FA0] =	sst s3  }
0xc: {  	[smem:$0x3FA1] =	sst s4  }
0xd: {  	[smem:$0x3FA2] =	sst s5  }
0xe: {  	[smem:$0x3FA3] =	sst s6  }
0xf: {  	[smem:$0x3FA4] =	sst s7  }
0x10: {  	[smem:$0x3FA5] =	sst s8  }
0x11: {  	[smem:$0x3FA6] =	sst s9;
	s0 =	simm.s32 @!p0 $0x0  }
0x12: {  	s1 =	sld [smem:$0x3F8C];
	s0 =	simm.s32 @p0 $0x1  }
0x13: {  	[smem:$0x3FA7] =	sst s0;
	s0 =	simm.s32 @!p1 $0x0  }
0x14: {  	s2 =	sld [smem:$0x3F8B];
	s0 =	simm.s32 @p1 $0x1  }
0x15: {  	[smem:$0x3FA8] =	sst s0;
	s0 =	simm.s32 @!p2 $0x0  }
0x16: {  	s3 =	sld [smem:$0x3FDB];
	s0 =	simm.s32 @p2 $0x1  }
0x17: {  	s4 =	simm.s32 $0x1BF5;
	[smem:$0x3FAA] =	sst s0  }
0x18: {  	s0 =	sld [smem:$0x3F8D];
	_ =	swait.ge [sflag:s4], $0x0  }
0x19: {  	s7 =	sld [smem:$0x3F8E]  }
0x1a: {  	s8 =	sadd.s32 $0xFFFFE003, lr  }
0x1b: {  	s9 =	sadd.s32 $0xFFFFFEF7, lr;
	s5 =	simm.s32 $0xFFFFFFFF;
	p2 =	slt.u32 s8, $0xFFFFF086  }
0x1c: {  	p1 =	slt.u32 s9, $0xF7A;
	s5 =	simm.s32 @!p2 $0x0  }
0x1d: {  	s5 =	simm.s32 @p1 $0x1;
	p0 =	seq.s32 s7, s2  }
0x1e: {  	s7 =	smul.u32 @!p0 $0xF7A, s2;
	p2 =	seq.s32 @!p0 s5, $0x0  }
0x1f: {  	s9 =	smul.u32 $0xF7A, s1;
	s8 =	simm.s32 @!p0 $0x1BF5;
	p2 =	por !p2, p0  }
0x20: {  	[sflag:s8] =	ssyncset.s32 @!p0 $0xFFFFF086;
	s6 =	sadd.s32 @!p0 s3, s7;
	s7 =	simm.s32 @!p0 $0x108  }
0x21: {  	s3 =	sadd.s32 s3, s9;
	s6 =	sadd.s32 @!p0 $0x88, s6;
	s7 =	simm.s32 @p2 $0x1082  }
0x22: {  	[simem:s7], [sflag:s8] =	dma.local @!p0 [hbm:s6], $0xF7A  }
0x23: {  	s9 =	sor.u32 $0xD0000000, s2;
	s6 =	simm.s32 $0x108;
	_ =	swait.ge @!p0 [sflag:s8], $0x0  }
0x24: {  	s3 =	sadd.s32 $0x88, s3;
	s6 =	simm.s32 @!p1 $0x1082;
	[sflag:s4] =	ssyncset.s32 $0xFFFFF086  }
0x25: {  	[simem:s6], [sflag:s4] =	dma.local [hbm:s3], $0xF7A  }
0x26: {  	[smem:$0x3F8E] =	sst s1;
	(tag) =	ssettag s2;
	_ =	strace s9  }
0x27: {  	s1 =	sld [smem:$0x3F9E]  }
0x28: {  	s2 =	sld [smem:$0x3F9F]  }
0x29: {  	s4 =	sld [smem:$0x3FA1]  }
0x2a: {  	p0 =	seq.s32 s5, $0x0;
	s5 =	sld [smem:$0x3FA2]  }
0x2b: {  	s6 =	sld [smem:$0x3FA3]  }
0x2c: {  	s7 =	sld [smem:$0x3FA4]  }
0x2d: {  	s3 =	simm.s32 $0x108;
	s8 =	sld [smem:$0x3FA5]  }
0x2e: {  	s3 =	simm.s32 @!p0 $0x1082;
	s9 =	sld [smem:$0x3FA6]  }
0x2f: {  	lr =	sadd.s32 s0, s3;
	s0 =	sld [smem:$0x3F9D]  }
0x30: {  	s3 =	sld [smem:$0x3FA0]  }
0x31: {  	[smem:$0x3FA9] =	sst s10  }
0x32: {  	s10 =	sld [smem:$0x3FA7];
	_ =	sdelay $0x3  }
0x33: {  	p0 =	seq.s32 s10, $0x1;
	s10 =	sld [smem:$0x3FA9];
	_ =	sdelay $0x3  }
0x34: {  	[smem:$0x3FA9] =	sst s10  }
0x35: {  	s10 =	sld [smem:$0x3FA8];
	_ =	sdelay $0x3  }
0x36: {  	p1 =	seq.s32 s10, $0x1;
	s10 =	sld [smem:$0x3FA9];
	_ =	sdelay $0x3  }
0x37: {  	[smem:$0x3FA9] =	sst s10  }
0x38: {  	s10 =	sld [smem:$0x3FAA]  }
0x39: {  	_ = 	snop;
	(pc) =	sbr.ind lr, $3  }
0x3a: {  	_ = 	snop  }
0x3b: {  	_ = 	snop  }
0x3c: {  	p2 =	seq.s32 s10, $0x1;
	s10 =	sld [smem:$0x3FA9]  }
0x3d: {  	_ =	shalt  }
0x3e: {  	_ =	shalt  }
0x3f: {  	_ =	shalt  }
0x40: {  	_ =	shalt  }
0x41: {  	_ =	shalt  }
0x42: {  	_ =	shalt  }
0x43: {  	_ =	shalt  }
0x44: {  	_ =	shalt  }
0x45: {  	_ =	shalt  }
0x46: {  	_ =	shalt  }
0x47: {  	_ =	shalt  }
0x48: {  	_ =	shalt  }
0x49: {  	_ =	shalt  }
0x4a: {  	_ =	shalt  }
0x4b: {  	_ =	shalt  }
0x4c: {  	_ =	shalt  }
0x4d: {  	_ =	shalt  }
0x4e: {  	_ =	shalt  }
0x4f: {  	_ =	shalt  }
0x50: {  	_ =	shalt  }
0x51: {  	_ =	shalt  }
0x52: {  	_ =	shalt  }
0x53: {  	_ =	shalt  }
0x54: {  	_ =	shalt  }
0x55: {  	_ =	shalt  }
0x56: {  	_ =	shalt  }
0x57: {  	_ =	shalt  }
0x58: {  	_ =	shalt  }
0x59: {  	_ =	shalt  }
0x5a: {  	_ =	shalt  }
0x5b: {  	_ =	shalt  }
0x5c: {  	_ =	shalt  }
0x5d: {  	_ =	shalt  }
0x5e: {  	_ =	shalt  }
0x5f: {  	_ =	shalt  }
0x60: {  	_ =	shalt  }
0x61: {  	_ =	shalt  }
0x62: {  	_ =	shalt  }
0x63: {  	_ =	shalt  }
0x64: {  	_ =	shalt  }
0x65: {  	_ =	shalt  }
0x66: {  	_ =	shalt  }
0x67: {  	_ =	shalt  }
0x68: {  	_ =	shalt  }
0x69: {  	_ =	shalt  }
0x6a: {  	_ =	shalt  }
0x6b: {  	_ =	shalt  }
0x6c: {  	_ =	shalt  }
0x6d: {  	_ =	shalt  }
0x6e: {  	_ =	shalt  }
0x6f: {  	_ =	shalt  }
0x70: {  	_ =	shalt  }
0x71: {  	_ =	shalt  }
0x72: {  	_ =	shalt  }
0x73: {  	_ =	shalt  }
0x74: {  	_ =	shalt  }
0x75: {  	_ =	shalt  }
0x76: {  	_ =	shalt  }
0x77: {  	_ =	shalt  }
0x78: {  	_ =	shalt  }
0x79: {  	_ =	shalt  }
0x7a: {  	_ =	shalt  }
0x7b: {  	_ =	shalt  }
0x7c: {  	_ =	shalt  }
0x7d: {  	_ =	shalt  }
0x7e: {  	_ =	shalt  }
0x7f: {  	_ =	shalt  }
0x80: {  	_ =	shalt  }
0x81: {  	_ =	shalt  }
0x82: {  	_ =	shalt  }
0x83: {  	_ =	shalt  }
0x84: {  	_ =	shalt  }
0x85: {  	_ =	shalt  }
0x86: {  	_ =	shalt  }
0x87: {  	_ =	shalt  }
.Lfunc_end0:
.L_simem_size_0:
called_computation.3_lowered:
.L_overlay_start_0:
0x88: {  	s2 =	sld [smem:$0x3FD9]  }
0x89: {  	s3 =	sld [smem:$0x3FFE];
	_ =	sdelay $0x1  }
0x8a: {  	s1 =	srdreg.scid  }
0x8b: {  	s0 =	sand.u32 $0x1, s1  }
0x8c: {  	s16 =	sshll.u32 s0, $0xA;
	s2 =	sadd.s32 s3, s2  }
0x8d: {  	s2 =	sadd.s32 s2, s16  }
0x8e: {  	[smem:$0x3FB5] =	sst s2  }
0x8f: {  	_ = 	snop  }
0x90: {  	(tm) =	ssettm $0x1  }
0x91: {  	s17 =	sld [smem:$0x3FFB];
	_ =	sdelay $0x3  }
0x92: {  	_ =	strace s17  }
0x93: {  	s2 =	sld [smem:$0x3FFC];
	_ =	sdelay $0x3  }
0x94: {  	_ =	strace s2  }
0x95: {  	s2 =	sld [smem:$0x3FFD];
	_ =	sdelay $0x3  }
0x96: {  	_ =	strace s2  }
0x97: {  	_ =	strace $0x8FFFFFFF  }
0x98: {  	s18 =	sld [smem:$0x3FDB];
	_ =	sdelay $0x1  }
0x99: {  	s19 =	simm.s32 $_scs_section_size  }
0x9a: {  	s4 =	simm.s32 $_size__tile_overlayer_lowered;
	s5 =	simm.s32 $_tile_overlayer_lowered  }
0x9b: {  	s22 =	simm.s32 $0x1BFF;
	s21 =	sshll.u32 s5, $0x1;
	s2 =	sadd.s32 s19, s18  }
0x9c: {  	s6 =	simm.s32 $0x0;
	s20 =	sshll.u32 s4, $0x1;
	s4 =	sadd.s32 s21, s2  }
0x9d: {  	[timem:s6], [sflag:s22] =	dma.local [hbm:s4], s20  }
0x9e: {  	_ =	swait.ge [sflag:s22], s20  }
0x9f: {  	s3 =	ssub.s32 $0x0, s20;
	[sflag:s22] =	ssyncset.done $0x0  }
0xa0: {  	[sflag:s22] =	ssyncadd.s32 s3;
	_ =	sdelay $0x1  }
0xa1: {  	s23 =	simm.s32 $0x1B8B  }
0xa2: {  	_ =	swait.ge [sflag:s23], $0x1  }
0xa3: {  	[sflag:s23] =	ssyncset.done $0x0  }
0xa4: {  	s25 =	simm.s32 $0x1B8E;
	s24 =	sld [smem:$0x3FFE];
	[sflag:s23] =	ssyncadd.s32 $0xFFFFFFFF  }
0xa5: {  	s26 =	simm.s32 $execute0_lowered;
	[smem:$0x3FD2] =	sst s25  }
0xa6: {  	s4 =	sshll.u32 s26, $0x1;
	_ =	strace $0x8000004F;
	[dreg:$0x1] =	wrdreg $0xFFFFFFFF  }
0xa7: {  	s28 =	simm.s32 $_size_execute0_lowered;
	s2 =	sadd.s32 s2, s4;
	[dreg:$0x0] =	wrdreg $0x0  }
0xa8: {  	s4 =	sshll.u32 s28, $0x1;
	[dreg:$0x2] =	wrdreg s2  }
0xa9: {  	[dreg:$0x3] =	wrdreg s4  }
0xaa: {  	[dreg:$0x4] =	wrdreg $0xC0  }
0xab: {  	_ =	task [dreg:s6], $0x5FFFF  }
0xac: {  	[dreg:$0x1] =	wrdreg $0xFFFFFFFF  }
0xad: {  	[dreg:$0x0] =	wrdreg $0x60  }
0xae: {  	[dreg:$0x2] =	wrdreg s24  }
0xaf: {  	[dreg:$0x3] =	wrdreg $0x9  }
0xb0: {  	_ =	task.clear_ibuf [dreg:s6], $0x4FFFF;
	_ =	strace $0x9000004F  }
0xb1: {  	s29 =	simm.s32 $0x9;
	_ =	strace $0x80000051  }
0xb2: {  	_ =	swait.ge [sflag:s29], $0x1  }
0xb3: {  	[sflag:s29] =	ssyncadd.s32 $0xFFFFFFFF  }
0xb4: {  	_ =	strace $0x90000051  }
0xb5: {  	_ =	sfence  }
0xb6: {  	s30 =	sld [smem:$0x0];
	_ =	sdelay $0x2  }
0xb7: {  	s31 =	sshll.u32 s1, $0xD;
	s1 =	sshrl.u32 s1, $0x2  }
0xb8: {  	s3 =	sand.u32 $0x4000, s31;
	s1 =	sadd.s32 s1, s30  }
0xb9: {  	s0 =	sor.u32 s3, s0;
	s1 =	sshll.u32 s1, $0x11  }
0xba: {  	s0 =	sor.u32 s1, s0  }
0xbb: {  	s0 =	sadd.s32 $0x8F2B, s0  }
0xbc: {  	[sflag:s0] =	ssyncadd.remote.s32 $0x1  }
0xbd: {  	_ =	sfence.sel $0xFFFF  }
0xbe: {  	[dreg:$0x0] =	wrdreg $0xFFFFFFFF;
	(pc) =	sbr.abs _section_cstart, $3  }
0xbf: {  	[dreg:$0x1] =	wrdreg $0xFFFFFFFF  }
0xc0: {  	_ =	task.clear_ibuf [dreg:s6], $0x2FFFF;
	_ =	strace $0x9FFFFFFF  }
0xc1: {  	(tm) =	ssettm $0x7FFFFFFF  }
tec
execute0_lowered:
.L_overlay_start_1:
0x0: {  	(tag) =	ssettag $0x1  }
0x1: {  	s4 =	rddreg [dreg:$0x0]  }
0x2: {  	s0 =	rddreg [dreg:$0x1];
	s3 =	srdreg.scid  }
0x3: {  	s2 =	simm.s32 $0x0;
	s1 =	stileid.u32;
	s5 =	sand.u32 $0x1, s3  }
0x4: {  	[smem:$0x7FF] =	sst s2;
	s6 =	sshll.u32 s1, $0x9;
	s3 =	sadd.s32 $0x40000, s4  }
0x5: {  	s8 =	smul.u32 $0x12000, s1;
	s7 =	sshll.u32 s5, $0x8;
	_ =	strace $0x80000050  }
0x6: {  	s9 =	ssub.s32 $0x2, s5;
	s11 =	smul.u32 $0x9000, s5;
	s6 =	sor.u32 s7, s6  }
0x7: {  	s10 =	sshrl.u32 s9, $0x1;
	s8 =	sadd.s32 s8, s4;
	s7 =	sshrl.u32 s6, $0x3  }
0x8: {  	s29 =	ssub.s32 s9, s10;
	s31 =	sadd.s32 s11, s8;
	s8 =	simm.s32 $0x48  }
0x9: {  	s9 =	simm.s32 $0x80;
	s10 =	simm.s32 $0x1;
	s7 =	sadd.s32 s7, s4  }
0xa: {  	s11 =	simm.s32 $0x0;
	s4 =	smax.u32 s29, $0x1;
	s30 =	sadd.s32 s6, s7  }
0xb: {  	s6 =	sadd.s32 $0x162400, s31;
	s7 =	simm.s32 $0x2;
	s5 =	sadd.s32 $0x60000, s30  }
.LBB2_1:
0xc: {  	[tilespmem:s2], [sflag:$0x2] =	stream.linear.gather [hbm4b:s5+s2], $0x48, $0x38;
	[tilespmem:$0x2480] =	vst v63  }
0xd: {  	_ =	swait.ge [sflag:s7], $0x48  }
0xe: {  	[sflag:s7] =	ssyncset.done $0x0  }
0xf: {  	[sflag:s7] =	ssyncadd.s32 $0xFFFFFFB8  }
0x10: {  	[tilespmem:s9], [sflag:$0x1] =	stream.indirect.gather [hbm4b:s3+s8], $0x80, s2, s8, $0xb8;
	[tilespmem:$0x2480] =	vst v63  }
0x11: {  	_ =	swait.ge [sflag:s10], $0x2400  }
0x12: {  	[sflag:s10] =	ssyncset.done $0x0  }
0x13: {  	[sflag:s10] =	ssyncadd.s32 $0xFFFFDC00  }
0x14: {  	[hbm4b:s6+s2] =	stream.linear.scatter [tilespmem:s9], [sflag:$0x2], $0x2400, $0x38;
	[tilespmem:$0x2480] =	vst v63  }
0x15: {  	s12 =	simm.s32 $0x8;
	_ =	swait.ge [sflag:s7], $0x2400  }
0x16: {  	s13 =	smov.u32 s5;
	s14 =	smov.u32 s6;
	[sflag:s7] =	ssyncset.done $0x0  }
.LBB2_2:
0x17: {  	[sflag:s7] =	ssyncadd.s32 $0xFFFFDC00;
	s13 =	sadd.s32 $0x9, s13;
	s14 =	sadd.s32 $0x480, s14  }
0x18: {  	[tilespmem:s2], [sflag:$0x2] =	stream.linear.gather [hbm4b:s13+s2], $0x48, $0x38;
	[tilespmem:$0x2480] =	vst v63  }
0x19: {  	p0 =	sne.s32 s12, $0xF8;
	s12 =	sadd.s32 $0x8, s12;
	_ =	swait.ge [sflag:s7], $0x48  }
0x1a: {  	[sflag:s7] =	ssyncset.done $0x0  }
0x1b: {  	[sflag:s7] =	ssyncadd.s32 $0xFFFFFFB8  }
0x1c: {  	[tilespmem:s9], [sflag:$0x1] =	stream.indirect.gather [hbm4b:s3+s8], $0x80, s2, s8, $0xb8;
	[tilespmem:$0x2480] =	vst v63  }
0x1d: {  	_ =	swait.ge [sflag:s10], $0x2400  }
.Ltmp0:
0x1e: {  	[sflag:s10] =	ssyncset.done $0x0;
	(pc) =	sbr.rel @p0 .LBB2_2-.Ltmp0, $4  }
0x1f: {  	[sflag:s10] =	ssyncadd.s32 $0xFFFFDC00  }
0x20: {  	[hbm4b:s14+s2] =	stream.linear.scatter [tilespmem:s9], [sflag:$0x2], $0x2400, $0x38;
	[tilespmem:$0x2480] =	vst v63  }
0x21: {  	_ =	swait.ge [sflag:s7], $0x2400  }
0x22: {  	[sflag:s7] =	ssyncset.done $0x0  }
0x23: {  	s11 =	sadd.s32 $0x1, s11  }
0x24: {  	p0 =	sne.s32 s11, s4  }
.Ltmp1:
0x25: {  	_ = 	snop;
	(pc) =	sbr.rel @p0 .LBB2_1-.Ltmp1, $2  }
0x26: {  	_ =	sdelay $0x2  }
0x27: {  	[sflag:s7] =	ssyncadd.s32 $0xFFFFDC00  }
0x28: {  	_ =	sfence.sel $0x180000  }
0x29: {  	[bflag:$0x0] =	sbarrier.arrive $0xFFFF  }
0x2a: {  	p0 =	sne.s32 s1, $0x0;
	_ =	strace $0x90000050  }
0x2b: {  	s0 =	sadd.s32 @!p0 $0x100000, s0;
	[bflag:$0x2] =	sbarrier.arrive $0xFFFF  }
0x2c: {  	[sflag:s0] =	ssyncadd.tile.s32 @!p0 $0x1;
	_ =	shalt  }
.Lfunc_end2:
_tile_overlayer_lowered:
.L_overlay_start_2:
0x2d: {  	(tag) =	ssettag $0x2  }
0x2e: {  	s0 =	rddreg [dreg:$0x0];
	s2 =	stileid.u32  }
0x2f: {  	s1 =	rddreg [dreg:$0x1];
	p0 =	sne.s32 s2, $0x0  }
0x30: {  	s3 =	rddreg [dreg:$0x2];
	[bflag:$0x3] =	sbarrier.arrive $0xFFFF;
	s2 =	simm.s32 @!p0 $0x1C02  }
0x31: {  	[timem:s3], [sflag:s2] =	dma.local @!p0 [hbm:s0], s1  }
0x32: {  	s0 =	simm.s32 @!p0 $0x2  }
0x33: {  	_ =	swait.ge @!p0 [sflag:s0], s1  }
0x34: {  	s1 =	ssub.s32 @!p0 $0x0, s1;
	[sflag:s0] =	ssyncset.done @!p0 $0x0  }
0x35: {  	[sflag:s0] =	ssyncadd.s32 @!p0 s1  }
0x36: {  	[bflag:$0x3] =	sbarrier.arrive $0xFFFF  }
0x37: {  	_ =	shalt  }

</sc_bundles>
